<compile_context>
chip_gen: v7x
topology: tpu7x:2x2x1
jax: 0.10.2.dev20260603
libtpu: 0.0.44.dev20260713+nightly
codegen_flags: <defaults>
</compile_context>

<pallas_src>
import functools

import jax
import jax.numpy as jnp
from jax import lax
from jax.experimental import pallas as pl
from jax.experimental.pallas import tpu as pltpu
from jax.experimental.pallas import tpu_sc as plsc

B = 4096
S = 200
D = 64
SIZE = 2 * D
CLASSES = 10
NC = 2
NS = 16
NW = NC * NS
BPW = B // NW
WIN = 40
NWIN = S // WIN
LANES = 16
NCH = D // LANES

_mesh = plsc.VectorSubcoreMesh(core_axis_name="c", subcore_axis_name="s")


@functools.partial(
    pl.kernel,
    out_type=jax.ShapeDtypeStruct((B, D), jnp.float32),
    mesh=_mesh,
    compiler_params=pltpu.CompilerParams(use_tc_tiling_on_sc=False),
    scratch_types=[
        pltpu.VMEM((BPW, NWIN, WIN), jnp.int32),
        pltpu.VMEM((S, D), jnp.float32),
        pltpu.VMEM((S, D), jnp.float32),
        pltpu.VMEM((BPW, D), jnp.float32),
        pltpu.SemaphoreType.DMA,
        pltpu.SemaphoreType.DMA,
    ],
)
def _pool(tok_hbm, tab_hbm, out_hbm, idx_v, rows_a, rows_b, out_v,
          sem_a, sem_b):
    wid = lax.axis_index("s") * NC + lax.axis_index("c")
    base = wid * BPW

    def fire(elem, buf, sem):
        for j in range(NWIN):
            pltpu.async_copy(
                tab_hbm.at[idx_v.at[elem, j]],
                buf.at[pl.ds(j * WIN, WIN)],
                sem,
            )

    def drain(buf, sem):
        pltpu.make_async_copy(tab_hbm.at[pl.ds(0, S)], buf, sem).wait()

    def accumulate(buf, elem):
        zero = jnp.zeros((LANES,), jnp.float32)

        def chunk(k, accs):
            r0 = k * 8
            vals = [[buf[r0 + r, pl.ds(c * LANES, LANES)] for c in range(NCH)]
                    for r in range(8)]
            nxt = []
            for c in range(NCH):
                s = ((vals[0][c] + vals[1][c]) + (vals[2][c] + vals[3][c])) \
                    + ((vals[4][c] + vals[5][c]) + (vals[6][c] + vals[7][c]))
                nxt.append(accs[c] + s)
            return tuple(nxt)

        accs = lax.fori_loop(0, S // 8, chunk, (zero,) * NCH)
        for c in range(NCH):
            out_v[elem, pl.ds(c * LANES, LANES)] = accs[c] * jnp.float32(1.0 / S)

    pltpu.sync_copy(tok_hbm.at[pl.ds(base, BPW)], idx_v)
    fire(0, rows_a, sem_a)
    fire(1, rows_b, sem_b)

    def elem_pair(i, carry):
        e = 2 * i
        drain(rows_a, sem_a)
        accumulate(rows_a, e)

        @pl.when(e + 2 < BPW)
        def _():
            fire(e + 2, rows_a, sem_a)

        drain(rows_b, sem_b)
        accumulate(rows_b, e + 1)

        @pl.when(e + 3 < BPW)
        def _():
            fire(e + 3, rows_b, sem_b)

        return carry

    lax.fori_loop(0, BPW // 2, elem_pair, 0)
    pltpu.sync_copy(out_v, out_hbm.at[pl.ds(base, BPW)])


_DN = (((1,), (1,)), ((), ()))


def _mm(x, w_ref):
    return lax.dot_general(x, w_ref[...], _DN,
                           preferred_element_type=jnp.float32)


def _mlp_body(xw_ref, xn_ref,
              wn0, bn0, wl0, bl0, wg0, bg0,
              wn1, bn1, wl1, bl1, wg1, bg1,
              wo, bo, out_ref):
    x = jnp.concatenate([xw_ref[...], xn_ref[...]], axis=1)
    for wn, bn, wl, bl, wg, bg in ((wn0, bn0, wl0, bl0, wg0, bg0),
                                   (wn1, bn1, wl1, bl1, wg1, bg1)):
        gate = jax.nn.sigmoid(_mm(x, wg) + bg[...])
        nonlinear = jax.nn.relu(_mm(x, wn) + bn[...])
        linear = _mm(x, wl) + bl[...]
        x = gate * nonlinear + (1.0 - gate) * linear
    out_ref[...] = _mm(x, wo) + bo[...]


_mlp = pl.pallas_call(
    _mlp_body,
    out_shape=jax.ShapeDtypeStruct((B, CLASSES), jnp.float32),
)


def kernel(sequence, ngrams, word_table, ngram_table,
           Wn0, bn0, Wl0, bl0, Wg0, bg0,
           Wn1, bn1, Wl1, bl1, Wg1, bg1,
           Wo, bo):
    seq = sequence.astype(jnp.int32).reshape(B, NWIN, WIN)
    ngr = ngrams.astype(jnp.int32).reshape(B, NWIN, WIN)
    embn = _pool(ngr, ngram_table)
    embw = _pool(seq, word_table)
    return _mlp(embw, embn,
                Wn0, bn0.reshape(1, SIZE), Wl0, bl0.reshape(1, SIZE),
                Wg0, bg0.reshape(1, SIZE),
                Wn1, bn1.reshape(1, SIZE), Wl1, bl1.reshape(1, SIZE),
                Wg1, bg1.reshape(1, SIZE),
                Wo, bo.reshape(1, CLASSES))

# --- scband reference (transcript-rebuilt; emitter-appended) ---
"""Pipeline reference for scband-fast-text-47330539602337 (READ-ONLY COPY).

The authoritative reference and input builder live on the scoring server;
editing this copy changes nothing except your own understanding.
"""

import jax, jax.numpy as jnp
import numpy as np

WORD_VOCAB = 100000
NGRAM_BINS = 1000000
EMBEDDING_DIM = 64
BATCH = 4096
SEQ = 200
CLASSES = 10
SIZE = EMBEDDING_DIM * 2


def setup_inputs(seed: int = 0) -> dict:
    key = jax.random.key(seed)
    ks = jax.random.split(key, 20)
    inp = {}
    inp['sequence'] = jax.random.randint(ks[0], (BATCH, SEQ), 0, WORD_VOCAB)
    inp['ngrams'] = jax.random.randint(ks[1], (BATCH, SEQ), 0, NGRAM_BINS)
    inp['word_table'] = jax.random.normal(ks[2], (WORD_VOCAB, EMBEDDING_DIM), dtype=jnp.float32) * 0.02
    inp['ngram_table'] = jax.random.normal(ks[3], (NGRAM_BINS, EMBEDDING_DIM), dtype=jnp.float32) * 0.02
    # zero out padding row 0 (padding_idx=0)
    inp['word_table'] = inp['word_table'].at[0].set(0.0)
    inp['ngram_table'] = inp['ngram_table'].at[0].set(0.0)
    s = 1.0 / np.sqrt(SIZE)
    for layer in range(2):
        for i, nm in enumerate(['Wn', 'Wl', 'Wg']):
            kk = jax.random.fold_in(ks[4], layer * 10 + i)
            inp[f'{nm}{layer}'] = jax.random.uniform(kk, (SIZE, SIZE), dtype=jnp.float32, minval=-s, maxval=s)
            inp[f'b{nm[1]}{layer}'] = jax.random.uniform(jax.random.fold_in(kk, 1), (SIZE,), dtype=jnp.float32, minval=-s, maxval=s)
    inp['Wo'] = jax.random.normal(ks[5], (CLASSES, SIZE), dtype=jnp.float32) * (2.0 * np.sqrt(2.0 / (CLASSES + SIZE)))
    inp['bo'] = jnp.zeros((CLASSES,), dtype=jnp.float32)
    return inp


def _highway_layer(x, Wn, bn, Wl, bl, Wg, bg):
    gate = jax.nn.sigmoid(x @ Wg.T + bg)
    nonlinear = jax.nn.relu(x @ Wn.T + bn)
    linear = x @ Wl.T + bl
    return gate * nonlinear + (1.0 - gate) * linear


def reference(sequence, ngrams, word_table, ngram_table,
              Wn0, bn0, Wl0, bl0, Wg0, bg0,
              Wn1, bn1, Wl1, bl1, Wg1, bg1,
              Wo, bo):
    # embedding lookups (SparseCore gathers) + mean over sequence dim
    embs = jnp.mean(jnp.take(word_table, sequence, axis=0), axis=1)      # [B, D]
    ngram_embs = jnp.mean(jnp.take(ngram_table, ngrams, axis=0), axis=1)  # [B, D]
    # dropout omitted (deterministic eval-mode reference)
    x = jnp.concatenate([embs, ngram_embs], axis=1)                       # [B, 2D]
    x = _highway_layer(x, Wn0, bn0, Wl0, bl0, Wg0, bg0)
    x = _highway_layer(x, Wn1, bn1, Wl1, bl1, Wg1, bg1)
    out = x @ Wo.T + bo
    return out

if __name__ == "__main__":
    import jax
    _d = setup_inputs()
    print(jax.jit(kernel)(*tuple(_d.values())))

</pallas_src>

<mosaic_0001>
#map = affine_map<(d0, d1) -> (0, 0, 0)>
#map1 = affine_map<(d0, d1) -> (0, 0)>
module attributes {stable_mosaic.version = 14 : i64} {
  func.func @_pool(%arg0: i32, %arg1: i32, %arg2: memref<4096x5x40xi32, #tpu.memory_space<hbm>>, %arg3: memref<100000x64xf32, #tpu.memory_space<hbm>>, %arg4: memref<4096x64xf32, #tpu.memory_space<hbm>>, %arg5: memref<128x5x40xi32, #tpu.memory_space<vmem>>, %arg6: memref<200x64xf32, #tpu.memory_space<vmem>>, %arg7: memref<200x64xf32, #tpu.memory_space<vmem>>, %arg8: memref<128x64xf32, #tpu.memory_space<vmem>>, %arg9: memref<!tpu.dma_semaphore, #tpu.memory_space<semaphore_mem>>, %arg10: memref<!tpu.dma_semaphore, #tpu.memory_space<semaphore_mem>>) attributes {dimension_semantics = [#tpu.dimension_semantics<core_parallel>, #tpu.dimension_semantics<subcore_parallel>], iteration_bounds = array<i64: 2, 16>, scalar_prefetch = 0 : i64, scratch_operands = 6 : i64, tpu.core_type = #tpu.core_type<sc_vector_subcore>, window_params = [{transform_indices = #map}, {transform_indices = #map1}, {transform_indices = #map1}]} {
    %mul3A = arith.constant 2 : i32
    %mul3A_0 = arith.muli %arg1, %mul3A : i32
    %add3A = arith.addi %mul3A_0, %arg0 : i32
    %mul3A_1 = arith.constant 128 : i32
    %mul3A_2 = arith.muli %add3A, %mul3A_1 : i32
    "tpu.region"() ({
      %run_scoped3A = tpu.sem_alloc : memref<!tpu.dma_semaphore, #tpu.memory_space<semaphore_mem>>
      %dma_start3A_117 = arith.constant 0 : i32
      %dma_start3A_118 = arith.constant 0 : i32
      %dma_start3A_119 = tpu.memref_slice %arg2[%mul3A_2, %dma_start3A_117, %dma_start3A_118] : memref<4096x5x40xi32, #tpu.memory_space<hbm>> -> memref<128x5x40xi32, #tpu.memory_space<hbm>>
      %dma_start3A_120 = arith.constant 0 : i32
      %dma_start3A_121 = arith.constant 0 : i32
      %dma_start3A_122 = tpu.memref_slice %arg2[%mul3A_2, %dma_start3A_120, %dma_start3A_121] : memref<4096x5x40xi32, #tpu.memory_space<hbm>> -> memref<128x5x40xi32, #tpu.memory_space<hbm>>
      tpu.enqueue_dma source(%dma_start3A_122 : memref<128x5x40xi32, #tpu.memory_space<hbm>>) target(%arg5 : memref<128x5x40xi32, #tpu.memory_space<vmem>>) target_semaphore(%run_scoped3A : memref<!tpu.dma_semaphore, #tpu.memory_space<semaphore_mem>>)
      %dma_wait3A = arith.constant 0 : i32
      %dma_wait3A_123 = arith.constant 0 : i32
      %dma_wait3A_124 = tpu.memref_slice %arg2[%mul3A_2, %dma_wait3A, %dma_wait3A_123] : memref<4096x5x40xi32, #tpu.memory_space<hbm>> -> memref<128x5x40xi32, #tpu.memory_space<hbm>>
      %dma_wait3A_125 = arith.constant 0 : i32
      %dma_wait3A_126 = arith.constant 0 : i32
      %dma_wait3A_127 = tpu.memref_slice %arg2[%mul3A_2, %dma_wait3A_125, %dma_wait3A_126] : memref<4096x5x40xi32, #tpu.memory_space<hbm>> -> memref<128x5x40xi32, #tpu.memory_space<hbm>>
      tpu.wait_dma2 semaphore(%run_scoped3A : memref<!tpu.dma_semaphore, #tpu.memory_space<semaphore_mem>>) src(%dma_wait3A_127 : memref<128x5x40xi32, #tpu.memory_space<hbm>>) dst(%arg5 : memref<128x5x40xi32, #tpu.memory_space<vmem>>)
      tpu.yield
    }) : () -> ()
    %dma_start3A = arith.constant 0 : i32
    %dma_start3A_3 = arith.constant 0 : i32
    %dma_start3A_4 = arith.constant 0 : i32
    %dma_start3A_5 = arith.constant 0 : i32
    %dma_start3A_6 = tpu.memref_slice %arg6[%dma_start3A_4, %dma_start3A_5] : memref<200x64xf32, #tpu.memory_space<vmem>> -> memref<40x64xf32, #tpu.memory_space<vmem>>
    %dma_start3A_7 = arith.constant 0 : i32
    %dma_start3A_8 = tpu.memref_slice %arg5[%dma_start3A, %dma_start3A_3, %dma_start3A_7] : memref<128x5x40xi32, #tpu.memory_space<vmem>> -> memref<1x1x40xi32, #tpu.memory_space<vmem>>
    %dma_start3A_9 = tpu.memref_squeeze %dma_start3A_8 : memref<1x1x40xi32, #tpu.memory_space<vmem>> -> memref<40xi32, #tpu.memory_space<vmem>>
    %dma_start3A_10 = arith.constant 0 : i32
    %dma_start3A_11 = arith.constant 0 : i32
    %dma_start3A_12 = tpu.memref_slice %arg3[%dma_start3A_10, %dma_start3A_11] : memref<100000x64xf32, #tpu.memory_space<hbm>> -> memref<100000x64xf32, #tpu.memory_space<hbm>>
    tpu.enqueue_indirect_dma source(%dma_start3A_12 : memref<100000x64xf32, #tpu.memory_space<hbm>>) target(%dma_start3A_6 : memref<40x64xf32, #tpu.memory_space<vmem>>) offsets(%dma_start3A_9 : memref<40xi32, #tpu.memory_space<vmem>>) semaphore(%arg9 : memref<!tpu.dma_semaphore, #tpu.memory_space<semaphore_mem>>)
    %dma_start3A_13 = arith.constant 0 : i32
    %dma_start3A_14 = arith.constant 1 : i32
    %dma_start3A_15 = arith.constant 40 : i32
    %dma_start3A_16 = arith.constant 0 : i32
    %dma_start3A_17 = tpu.memref_slice %arg6[%dma_start3A_15, %dma_start3A_16] : memref<200x64xf32, #tpu.memory_space<vmem>> -> memref<40x64xf32, #tpu.memory_space<vmem>>
    %dma_start3A_18 = arith.constant 0 : i32
    %dma_start3A_19 = tpu.memref_slice %arg5[%dma_start3A_13, %dma_start3A_14, %dma_start3A_18] : memref<128x5x40xi32, #tpu.memory_space<vmem>> -> memref<1x1x40xi32, #tpu.memory_space<vmem>>
    %dma_start3A_20 = tpu.memref_squeeze %dma_start3A_19 : memref<1x1x40xi32, #tpu.memory_space<vmem>> -> memref<40xi32, #tpu.memory_space<vmem>>
    %dma_start3A_21 = arith.constant 0 : i32
    %dma_start3A_22 = arith.constant 0 : i32
    %dma_start3A_23 = tpu.memref_slice %arg3[%dma_start3A_21, %dma_start3A_22] : memref<100000x64xf32, #tpu.memory_space<hbm>> -> memref<100000x64xf32, #tpu.memory_space<hbm>>
    tpu.enqueue_indirect_dma source(%dma_start3A_23 : memref<100000x64xf32, #tpu.memory_space<hbm>>) target(%dma_start3A_17 : memref<40x64xf32, #tpu.memory_space<vmem>>) offsets(%dma_start3A_20 : memref<40xi32, #tpu.memory_space<vmem>>) semaphore(%arg9 : memref<!tpu.dma_semaphore, #tpu.memory_space<semaphore_mem>>)
    %dma_start3A_24 = arith.constant 0 : i32
    %dma_start3A_25 = arith.constant 2 : i32
    %dma_start3A_26 = arith.constant 80 : i32
    %dma_start3A_27 = arith.constant 0 : i32
    %dma_start3A_28 = tpu.memref_slice %arg6[%dma_start3A_26, %dma_start3A_27] : memref<200x64xf32, #tpu.memory_space<vmem>> -> memref<40x64xf32, #tpu.memory_space<vmem>>
    %dma_start3A_29 = arith.constant 0 : i32
    %dma_start3A_30 = tpu.memref_slice %arg5[%dma_start3A_24, %dma_start3A_25, %dma_start3A_29] : memref<128x5x40xi32, #tpu.memory_space<vmem>> -> memref<1x1x40xi32, #tpu.memory_space<vmem>>
    %dma_start3A_31 = tpu.memref_squeeze %dma_start3A_30 : memref<1x1x40xi32, #tpu.memory_space<vmem>> -> memref<40xi32, #tpu.memory_space<vmem>>
    %dma_start3A_32 = arith.constant 0 : i32
    %dma_start3A_33 = arith.constant 0 : i32
    %dma_start3A_34 = tpu.memref_slice %arg3[%dma_start3A_32, %dma_start3A_33] : memref<100000x64xf32, #tpu.memory_space<hbm>> -> memref<100000x64xf32, #tpu.memory_space<hbm>>
    tpu.enqueue_indirect_dma source(%dma_start3A_34 : memref<100000x64xf32, #tpu.memory_space<hbm>>) target(%dma_start3A_28 : memref<40x64xf32, #tpu.memory_space<vmem>>) offsets(%dma_start3A_31 : memref<40xi32, #tpu.memory_space<vmem>>) semaphore(%arg9 : memref<!tpu.dma_semaphore, #tpu.memory_space<semaphore_mem>>)
    %dma_start3A_35 = arith.constant 0 : i32
    %dma_start3A_36 = arith.constant 3 : i32
    %dma_start3A_37 = arith.constant 120 : i32
    %dma_start3A_38 = arith.constant 0 : i32
    %dma_start3A_39 = tpu.memref_slice %arg6[%dma_start3A_37, %dma_start3A_38] : memref<200x64xf32, #tpu.memory_space<vmem>> -> memref<40x64xf32, #tpu.memory_space<vmem>>
    %dma_start3A_40 = arith.constant 0 : i32
    %dma_start3A_41 = tpu.memref_slice %arg5[%dma_start3A_35, %dma_start3A_36, %dma_start3A_40] : memref<128x5x40xi32, #tpu.memory_space<vmem>> -> memref<1x1x40xi32, #tpu.memory_space<vmem>>
    %dma_start3A_42 = tpu.memref_squeeze %dma_start3A_41 : memref<1x1x40xi32, #tpu.memory_space<vmem>> -> memref<40xi32, #tpu.memory_space<vmem>>
    %dma_start3A_43 = arith.constant 0 : i32
    %dma_start3A_44 = arith.constant 0 : i32
    %dma_start3A_45 = tpu.memref_slice %arg3[%dma_start3A_43, %dma_start3A_44] : memref<100000x64xf32, #tpu.memory_space<hbm>> -> memref<100000x64xf32, #tpu.memory_space<hbm>>
    tpu.enqueue_indirect_dma source(%dma_start3A_45 : memref<100000x64xf32, #tpu.memory_space<hbm>>) target(%dma_start3A_39 : memref<40x64xf32, #tpu.memory_space<vmem>>) offsets(%dma_start3A_42 : memref<40xi32, #tpu.memory_space<vmem>>) semaphore(%arg9 : memref<!tpu.dma_semaphore, #tpu.memory_space<semaphore_mem>>)
    %dma_start3A_46 = arith.constant 0 : i32
    %dma_start3A_47 = arith.constant 4 : i32
    %dma_start3A_48 = arith.constant 160 : i32
    %dma_start3A_49 = arith.constant 0 : i32
    %dma_start3A_50 = tpu.memref_slice %arg6[%dma_start3A_48, %dma_start3A_49] : memref<200x64xf32, #tpu.memory_space<vmem>> -> memref<40x64xf32, #tpu.memory_space<vmem>>
    %dma_start3A_51 = arith.constant 0 : i32
    %dma_start3A_52 = tpu.memref_slice %arg5[%dma_start3A_46, %dma_start3A_47, %dma_start3A_51] : memref<128x5x40xi32, #tpu.memory_space<vmem>> -> memref<1x1x40xi32, #tpu.memory_space<vmem>>
    %dma_start3A_53 = tpu.memref_squeeze %dma_start3A_52 : memref<1x1x40xi32, #tpu.memory_space<vmem>> -> memref<40xi32, #tpu.memory_space<vmem>>
    %dma_start3A_54 = arith.constant 0 : i32
    %dma_start3A_55 = arith.constant 0 : i32
    %dma_start3A_56 = tpu.memref_slice %arg3[%dma_start3A_54, %dma_start3A_55] : memref<100000x64xf32, #tpu.memory_space<hbm>> -> memref<100000x64xf32, #tpu.memory_space<hbm>>
    tpu.enqueue_indirect_dma source(%dma_start3A_56 : memref<100000x64xf32, #tpu.memory_space<hbm>>) target(%dma_start3A_50 : memref<40x64xf32, #tpu.memory_space<vmem>>) offsets(%dma_start3A_53 : memref<40xi32, #tpu.memory_space<vmem>>) semaphore(%arg9 : memref<!tpu.dma_semaphore, #tpu.memory_space<semaphore_mem>>)
    %dma_start3A_57 = arith.constant 1 : i32
    %dma_start3A_58 = arith.constant 0 : i32
    %dma_start3A_59 = arith.constant 0 : i32
    %dma_start3A_60 = arith.constant 0 : i32
    %dma_start3A_61 = tpu.memref_slice %arg7[%dma_start3A_59, %dma_start3A_60] : memref<200x64xf32, #tpu.memory_space<vmem>> -> memref<40x64xf32, #tpu.memory_space<vmem>>
    %dma_start3A_62 = arith.constant 0 : i32
    %dma_start3A_63 = tpu.memref_slice %arg5[%dma_start3A_57, %dma_start3A_58, %dma_start3A_62] : memref<128x5x40xi32, #tpu.memory_space<vmem>> -> memref<1x1x40xi32, #tpu.memory_space<vmem>>
    %dma_start3A_64 = tpu.memref_squeeze %dma_start3A_63 : memref<1x1x40xi32, #tpu.memory_space<vmem>> -> memref<40xi32, #tpu.memory_space<vmem>>
    %dma_start3A_65 = arith.constant 0 : i32
    %dma_start3A_66 = arith.constant 0 : i32
    %dma_start3A_67 = tpu.memref_slice %arg3[%dma_start3A_65, %dma_start3A_66] : memref<100000x64xf32, #tpu.memory_space<hbm>> -> memref<100000x64xf32, #tpu.memory_space<hbm>>
    tpu.enqueue_indirect_dma source(%dma_start3A_67 : memref<100000x64xf32, #tpu.memory_space<hbm>>) target(%dma_start3A_61 : memref<40x64xf32, #tpu.memory_space<vmem>>) offsets(%dma_start3A_64 : memref<40xi32, #tpu.memory_space<vmem>>) semaphore(%arg10 : memref<!tpu.dma_semaphore, #tpu.memory_space<semaphore_mem>>)
    %dma_start3A_68 = arith.constant 1 : i32
    %dma_start3A_69 = arith.constant 1 : i32
    %dma_start3A_70 = arith.constant 40 : i32
    %dma_start3A_71 = arith.constant 0 : i32
    %dma_start3A_72 = tpu.memref_slice %arg7[%dma_start3A_70, %dma_start3A_71] : memref<200x64xf32, #tpu.memory_space<vmem>> -> memref<40x64xf32, #tpu.memory_space<vmem>>
    %dma_start3A_73 = arith.constant 0 : i32
    %dma_start3A_74 = tpu.memref_slice %arg5[%dma_start3A_68, %dma_start3A_69, %dma_start3A_73] : memref<128x5x40xi32, #tpu.memory_space<vmem>> -> memref<1x1x40xi32, #tpu.memory_space<vmem>>
    %dma_start3A_75 = tpu.memref_squeeze %dma_start3A_74 : memref<1x1x40xi32, #tpu.memory_space<vmem>> -> memref<40xi32, #tpu.memory_space<vmem>>
    %dma_start3A_76 = arith.constant 0 : i32
    %dma_start3A_77 = arith.constant 0 : i32
    %dma_start3A_78 = tpu.memref_slice %arg3[%dma_start3A_76, %dma_start3A_77] : memref<100000x64xf32, #tpu.memory_space<hbm>> -> memref<100000x64xf32, #tpu.memory_space<hbm>>
    tpu.enqueue_indirect_dma source(%dma_start3A_78 : memref<100000x64xf32, #tpu.memory_space<hbm>>) target(%dma_start3A_72 : memref<40x64xf32, #tpu.memory_space<vmem>>) offsets(%dma_start3A_75 : memref<40xi32, #tpu.memory_space<vmem>>) semaphore(%arg10 : memref<!tpu.dma_semaphore, #tpu.memory_space<semaphore_mem>>)
    %dma_start3A_79 = arith.constant 1 : i32
    %dma_start3A_80 = arith.constant 2 : i32
    %dma_start3A_81 = arith.constant 80 : i32
    %dma_start3A_82 = arith.constant 0 : i32
    %dma_start3A_83 = tpu.memref_slice %arg7[%dma_start3A_81, %dma_start3A_82] : memref<200x64xf32, #tpu.memory_space<vmem>> -> memref<40x64xf32, #tpu.memory_space<vmem>>
    %dma_start3A_84 = arith.constant 0 : i32
    %dma_start3A_85 = tpu.memref_slice %arg5[%dma_start3A_79, %dma_start3A_80, %dma_start3A_84] : memref<128x5x40xi32, #tpu.memory_space<vmem>> -> memref<1x1x40xi32, #tpu.memory_space<vmem>>
    %dma_start3A_86 = tpu.memref_squeeze %dma_start3A_85 : memref<1x1x40xi32, #tpu.memory_space<vmem>> -> memref<40xi32, #tpu.memory_space<vmem>>
    %dma_start3A_87 = arith.constant 0 : i32
    %dma_start3A_88 = arith.constant 0 : i32
    %dma_start3A_89 = tpu.memref_slice %arg3[%dma_start3A_87, %dma_start3A_88] : memref<100000x64xf32, #tpu.memory_space<hbm>> -> memref<100000x64xf32, #tpu.memory_space<hbm>>
    tpu.enqueue_indirect_dma source(%dma_start3A_89 : memref<100000x64xf32, #tpu.memory_space<hbm>>) target(%dma_start3A_83 : memref<40x64xf32, #tpu.memory_space<vmem>>) offsets(%dma_start3A_86 : memref<40xi32, #tpu.memory_space<vmem>>) semaphore(%arg10 : memref<!tpu.dma_semaphore, #tpu.memory_space<semaphore_mem>>)
    %dma_start3A_90 = arith.constant 1 : i32
    %dma_start3A_91 = arith.constant 3 : i32
    %dma_start3A_92 = arith.constant 120 : i32
    %dma_start3A_93 = arith.constant 0 : i32
    %dma_start3A_94 = tpu.memref_slice %arg7[%dma_start3A_92, %dma_start3A_93] : memref<200x64xf32, #tpu.memory_space<vmem>> -> memref<40x64xf32, #tpu.memory_space<vmem>>
    %dma_start3A_95 = arith.constant 0 : i32
    %dma_start3A_96 = tpu.memref_slice %arg5[%dma_start3A_90, %dma_start3A_91, %dma_start3A_95] : memref<128x5x40xi32, #tpu.memory_space<vmem>> -> memref<1x1x40xi32, #tpu.memory_space<vmem>>
    %dma_start3A_97 = tpu.memref_squeeze %dma_start3A_96 : memref<1x1x40xi32, #tpu.memory_space<vmem>> -> memref<40xi32, #tpu.memory_space<vmem>>
    %dma_start3A_98 = arith.constant 0 : i32
    %dma_start3A_99 = arith.constant 0 : i32
    %dma_start3A_100 = tpu.memref_slice %arg3[%dma_start3A_98, %dma_start3A_99] : memref<100000x64xf32, #tpu.memory_space<hbm>> -> memref<100000x64xf32, #tpu.memory_space<hbm>>
    tpu.enqueue_indirect_dma source(%dma_start3A_100 : memref<100000x64xf32, #tpu.memory_space<hbm>>) target(%dma_start3A_94 : memref<40x64xf32, #tpu.memory_space<vmem>>) offsets(%dma_start3A_97 : memref<40xi32, #tpu.memory_space<vmem>>) semaphore(%arg10 : memref<!tpu.dma_semaphore, #tpu.memory_space<semaphore_mem>>)
    %dma_start3A_101 = arith.constant 1 : i32
    %dma_start3A_102 = arith.constant 4 : i32
    %dma_start3A_103 = arith.constant 160 : i32
    %dma_start3A_104 = arith.constant 0 : i32
    %dma_start3A_105 = tpu.memref_slice %arg7[%dma_start3A_103, %dma_start3A_104] : memref<200x64xf32, #tpu.memory_space<vmem>> -> memref<40x64xf32, #tpu.memory_space<vmem>>
    %dma_start3A_106 = arith.constant 0 : i32
    %dma_start3A_107 = tpu.memref_slice %arg5[%dma_start3A_101, %dma_start3A_102, %dma_start3A_106] : memref<128x5x40xi32, #tpu.memory_space<vmem>> -> memref<1x1x40xi32, #tpu.memory_space<vmem>>
    %dma_start3A_108 = tpu.memref_squeeze %dma_start3A_107 : memref<1x1x40xi32, #tpu.memory_space<vmem>> -> memref<40xi32, #tpu.memory_space<vmem>>
    %dma_start3A_109 = arith.constant 0 : i32
    %dma_start3A_110 = arith.constant 0 : i32
    %dma_start3A_111 = tpu.memref_slice %arg3[%dma_start3A_109, %dma_start3A_110] : memref<100000x64xf32, #tpu.memory_space<hbm>> -> memref<100000x64xf32, #tpu.memory_space<hbm>>
    tpu.enqueue_indirect_dma source(%dma_start3A_111 : memref<100000x64xf32, #tpu.memory_space<hbm>>) target(%dma_start3A_105 : memref<40x64xf32, #tpu.memory_space<vmem>>) offsets(%dma_start3A_108 : memref<40xi32, #tpu.memory_space<vmem>>) semaphore(%arg10 : memref<!tpu.dma_semaphore, #tpu.memory_space<semaphore_mem>>)
    %scan3A = arith.constant 0 : i32
    %scan3A_112 = arith.constant 0 : i32
    %scan3A_113 = arith.constant 64 : i32
    %scan3A_114 = arith.addi %scan3A_112, %scan3A_113 : i32
    %scan3A_115 = arith.constant 1 : i32
    scf.for %scan3A_117 = %scan3A_112 to %scan3A_114 step %scan3A_115  : i32 {
      %mul3A_118 = arith.constant 2 : i32
      %mul3A_119 = arith.muli %mul3A_118, %scan3A_117 : i32
      %dma_wait3A = arith.constant 0 : i32
      %dma_wait3A_120 = arith.constant 0 : i32
      %dma_wait3A_121 = tpu.memref_slice %arg3[%dma_wait3A, %dma_wait3A_120] : memref<100000x64xf32, #tpu.memory_space<hbm>> -> memref<200x64xf32, #tpu.memory_space<hbm>>
      %dma_wait3A_122 = arith.constant 0 : i32
      %dma_wait3A_123 = arith.constant 0 : i32
      %dma_wait3A_124 = tpu.memref_slice %arg3[%dma_wait3A_122, %dma_wait3A_123] : memref<100000x64xf32, #tpu.memory_space<hbm>> -> memref<200x64xf32, #tpu.memory_space<hbm>>
      tpu.wait_dma2 semaphore(%arg9 : memref<!tpu.dma_semaphore, #tpu.memory_space<semaphore_mem>>) src(%dma_wait3A_124 : memref<200x64xf32, #tpu.memory_space<hbm>>) dst(%arg6 : memref<200x64xf32, #tpu.memory_space<vmem>>)
      %broadcast_in_dim3A = arith.constant 0.000000e+00 : f32
      %broadcast_in_dim3A_125 = vector.broadcast %broadcast_in_dim3A : f32 to vector<16xf32>
      %scan3A_126 = arith.constant 0 : i32
      %scan3A_127 = arith.constant 25 : i32
      %scan3A_128 = arith.addi %scan3A_126, %scan3A_127 : i32
      %scan3A_129 = arith.constant 1 : i32
      %scan3A_130:4 = scf.for %scan3A_222 = %scan3A_126 to %scan3A_128 step %scan3A_129 iter_args(%scan3A_223 = %broadcast_in_dim3A_125, %scan3A_224 = %broadcast_in_dim3A_125, %scan3A_225 = %broadcast_in_dim3A_125, %scan3A_226 = %broadcast_in_dim3A_125) -> (vector<16xf32>, vector<16xf32>, vector<16xf32>, vector<16xf32>)  : i32 {
        %mul3A_227 = arith.constant 8 : i32
        %mul3A_228 = arith.muli %scan3A_222, %mul3A_227 : i32
        %add3A_229 = arith.constant 0 : i32
        %add3A_230 = arith.addi %mul3A_228, %add3A_229 : i32
        %get3A = arith.index_cast %add3A_230 : i32 to index
        %get3A_231 = arith.constant 0 : index
        %get3A_232 = tpu.vector_load %arg6[%get3A, %get3A_231] {strides = array<i32>} : memref<200x64xf32, #tpu.memory_space<vmem>>, vector<1x16xf32>,
        %get3A_233 = vector.shape_cast %get3A_232 : vector<1x16xf32> to vector<16xf32>
        %add3A_234 = arith.constant 0 : i32
        %add3A_235 = arith.addi %mul3A_228, %add3A_234 : i32
        %get3A_236 = arith.index_cast %add3A_235 : i32 to index
        %get3A_237 = arith.constant 16 : index
        %get3A_238 = tpu.vector_load %arg6[%get3A_236, %get3A_237] {strides = array<i32>} : memref<200x64xf32, #tpu.memory_space<vmem>>, vector<1x16xf32>,
        %get3A_239 = vector.shape_cast %get3A_238 : vector<1x16xf32> to vector<16xf32>
        %add3A_240 = arith.constant 0 : i32
        %add3A_241 = arith.addi %mul3A_228, %add3A_240 : i32
        %get3A_242 = arith.index_cast %add3A_241 : i32 to index
        %get3A_243 = arith.constant 32 : index
        %get3A_244 = tpu.vector_load %arg6[%get3A_242, %get3A_243] {strides = array<i32>} : memref<200x64xf32, #tpu.memory_space<vmem>>, vector<1x16xf32>,
        %get3A_245 = vector.shape_cast %get3A_244 : vector<1x16xf32> to vector<16xf32>
        %add3A_246 = arith.constant 0 : i32
        %add3A_247 = arith.addi %mul3A_228, %add3A_246 : i32
        %get3A_248 = arith.index_cast %add3A_247 : i32 to index
        %get3A_249 = arith.constant 48 : index
        %get3A_250 = tpu.vector_load %arg6[%get3A_248, %get3A_249] {strides = array<i32>} : memref<200x64xf32, #tpu.memory_space<vmem>>, vector<1x16xf32>,
        %get3A_251 = vector.shape_cast %get3A_250 : vector<1x16xf32> to vector<16xf32>
        %add3A_252 = arith.constant 1 : i32
        %add3A_253 = arith.addi %mul3A_228, %add3A_252 : i32
        %get3A_254 = arith.index_cast %add3A_253 : i32 to index
        %get3A_255 = arith.constant 0 : index
        %get3A_256 = tpu.vector_load %arg6[%get3A_254, %get3A_255] {strides = array<i32>} : memref<200x64xf32, #tpu.memory_space<vmem>>, vector<1x16xf32>,
        %get3A_257 = vector.shape_cast %get3A_256 : vector<1x16xf32> to vector<16xf32>
        %add3A_258 = arith.constant 1 : i32
        %add3A_259 = arith.addi %mul3A_228, %add3A_258 : i32
        %get3A_260 = arith.index_cast %add3A_259 : i32 to index
        %get3A_261 = arith.constant 16 : index
        %get3A_262 = tpu.vector_load %arg6[%get3A_260, %get3A_261] {strides = array<i32>} : memref<200x64xf32, #tpu.memory_space<vmem>>, vector<1x16xf32>,
        %get3A_263 = vector.shape_cast %get3A_262 : vector<1x16xf32> to vector<16xf32>
        %add3A_264 = arith.constant 1 : i32
        %add3A_265 = arith.addi %mul3A_228, %add3A_264 : i32
        %get3A_266 = arith.index_cast %add3A_265 : i32 to index
        %get3A_267 = arith.constant 32 : index
        %get3A_268 = tpu.vector_load %arg6[%get3A_266, %get3A_267] {strides = array<i32>} : memref<200x64xf32, #tpu.memory_space<vmem>>, vector<1x16xf32>,
        %get3A_269 = vector.shape_cast %get3A_268 : vector<1x16xf32> to vector<16xf32>
        %add3A_270 = arith.constant 1 : i32
        %add3A_271 = arith.addi %mul3A_228, %add3A_270 : i32
        %get3A_272 = arith.index_cast %add3A_271 : i32 to index
        %get3A_273 = arith.constant 48 : index
        %get3A_274 = tpu.vector_load %arg6[%get3A_272, %get3A_273] {strides = array<i32>} : memref<200x64xf32, #tpu.memory_space<vmem>>, vector<1x16xf32>,
        %get3A_275 = vector.shape_cast %get3A_274 : vector<1x16xf32> to vector<16xf32>
        %add3A_276 = arith.constant 2 : i32
        %add3A_277 = arith.addi %mul3A_228, %add3A_276 : i32
        %get3A_278 = arith.index_cast %add3A_277 : i32 to index
        %get3A_279 = arith.constant 0 : index
        %get3A_280 = tpu.vector_load %arg6[%get3A_278, %get3A_279] {strides = array<i32>} : memref<200x64xf32, #tpu.memory_space<vmem>>, vector<1x16xf32>,
        %get3A_281 = vector.shape_cast %get3A_280 : vector<1x16xf32> to vector<16xf32>
        %add3A_282 = arith.constant 2 : i32
        %add3A_283 = arith.addi %mul3A_228, %add3A_282 : i32
        %get3A_284 = arith.index_cast %add3A_283 : i32 to index
        %get3A_285 = arith.constant 16 : index
        %get3A_286 = tpu.vector_load %arg6[%get3A_284, %get3A_285] {strides = array<i32>} : memref<200x64xf32, #tpu.memory_space<vmem>>, vector<1x16xf32>,
        %get3A_287 = vector.shape_cast %get3A_286 : vector<1x16xf32> to vector<16xf32>
        %add3A_288 = arith.constant 2 : i32
        %add3A_289 = arith.addi %mul3A_228, %add3A_288 : i32
        %get3A_290 = arith.index_cast %add3A_289 : i32 to index
        %get3A_291 = arith.constant 32 : index
        %get3A_292 = tpu.vector_load %arg6[%get3A_290, %get3A_291] {strides = array<i32>} : memref<200x64xf32, #tpu.memory_space<vmem>>, vector<1x16xf32>,
        %get3A_293 = vector.shape_cast %get3A_292 : vector<1x16xf32> to vector<16xf32>
        %add3A_294 = arith.constant 2 : i32
        %add3A_295 = arith.addi %mul3A_228, %add3A_294 : i32
        %get3A_296 = arith.index_cast %add3A_295 : i32 to index
        %get3A_297 = arith.constant 48 : index
        %get3A_298 = tpu.vector_load %arg6[%get3A_296, %get3A_297] {strides = array<i32>} : memref<200x64xf32, #tpu.memory_space<vmem>>, vector<1x16xf32>,
        %get3A_299 = vector.shape_cast %get3A_298 : vector<1x16xf32> to vector<16xf32>
        %add3A_300 = arith.constant 3 : i32
        %add3A_301 = arith.addi %mul3A_228, %add3A_300 : i32
        %get3A_302 = arith.index_cast %add3A_301 : i32 to index
        %get3A_303 = arith.constant 0 : index
        %get3A_304 = tpu.vector_load %arg6[%get3A_302, %get3A_303] {strides = array<i32>} : memref<200x64xf32, #tpu.memory_space<vmem>>, vector<1x16xf32>,
        %get3A_305 = vector.shape_cast %get3A_304 : vector<1x16xf32> to vector<16xf32>
        %add3A_306 = arith.constant 3 : i32
        %add3A_307 = arith.addi %mul3A_228, %add3A_306 : i32
        %get3A_308 = arith.index_cast %add3A_307 : i32 to index
        %get3A_309 = arith.constant 16 : index
        %get3A_310 = tpu.vector_load %arg6[%get3A_308, %get3A_309] {strides = array<i32>} : memref<200x64xf32, #tpu.memory_space<vmem>>, vector<1x16xf32>,
        %get3A_311 = vector.shape_cast %get3A_310 : vector<1x16xf32> to vector<16xf32>
        %add3A_312 = arith.constant 3 : i32
        %add3A_313 = arith.addi %mul3A_228, %add3A_312 : i32
        %get3A_314 = arith.index_cast %add3A_313 : i32 to index
        %get3A_315 = arith.constant 32 : index
        %get3A_316 = tpu.vector_load %arg6[%get3A_314, %get3A_315] {strides = array<i32>} : memref<200x64xf32, #tpu.memory_space<vmem>>, vector<1x16xf32>,
        %get3A_317 = vector.shape_cast %get3A_316 : vector<1x16xf32> to vector<16xf32>
        %add3A_318 = arith.constant 3 : i32
        %add3A_319 = arith.addi %mul3A_228, %add3A_318 : i32
        %get3A_320 = arith.index_cast %add3A_319 : i32 to index
        %get3A_321 = arith.constant 48 : index
        %get3A_322 = tpu.vector_load %arg6[%get3A_320, %get3A_321] {strides = array<i32>} : memref<200x64xf32, #tpu.memory_space<vmem>>, vector<1x16xf32>,
        %get3A_323 = vector.shape_cast %get3A_322 : vector<1x16xf32> to vector<16xf32>
        %add3A_324 = arith.constant 4 : i32
        %add3A_325 = arith.addi %mul3A_228, %add3A_324 : i32
        %get3A_326 = arith.index_cast %add3A_325 : i32 to index
        %get3A_327 = arith.constant 0 : index
        %get3A_328 = tpu.vector_load %arg6[%get3A_326, %get3A_327] {strides = array<i32>} : memref<200x64xf32, #tpu.memory_space<vmem>>, vector<1x16xf32>,
        %get3A_329 = vector.shape_cast %get3A_328 : vector<1x16xf32> to vector<16xf32>
        %add3A_330 = arith.constant 4 : i32
        %add3A_331 = arith.addi %mul3A_228, %add3A_330 : i32
        %get3A_332 = arith.index_cast %add3A_331 : i32 to index
        %get3A_333 = arith.constant 16 : index
        %get3A_334 = tpu.vector_load %arg6[%get3A_332, %get3A_333] {strides = array<i32>} : memref<200x64xf32, #tpu.memory_space<vmem>>, vector<1x16xf32>,
        %get3A_335 = vector.shape_cast %get3A_334 : vector<1x16xf32> to vector<16xf32>
        %add3A_336 = arith.constant 4 : i32
        %add3A_337 = arith.addi %mul3A_228, %add3A_336 : i32
        %get3A_338 = arith.index_cast %add3A_337 : i32 to index
        %get3A_339 = arith.constant 32 : index
        %get3A_340 = tpu.vector_load %arg6[%get3A_338, %get3A_339] {strides = array<i32>} : memref<200x64xf32, #tpu.memory_space<vmem>>, vector<1x16xf32>,
        %get3A_341 = vector.shape_cast %get3A_340 : vector<1x16xf32> to vector<16xf32>
        %add3A_342 = arith.constant 4 : i32
        %add3A_343 = arith.addi %mul3A_228, %add3A_342 : i32
        %get3A_344 = arith.index_cast %add3A_343 : i32 to index
        %get3A_345 = arith.constant 48 : index
        %get3A_346 = tpu.vector_load %arg6[%get3A_344, %get3A_345] {strides = array<i32>} : memref<200x64xf32, #tpu.memory_space<vmem>>, vector<1x16xf32>,
        %get3A_347 = vector.shape_cast %get3A_346 : vector<1x16xf32> to vector<16xf32>
        %add3A_348 = arith.constant 5 : i32
        %add3A_349 = arith.addi %mul3A_228, %add3A_348 : i32
        %get3A_350 = arith.index_cast %add3A_349 : i32 to index
        %get3A_351 = arith.constant 0 : index
        %get3A_352 = tpu.vector_load %arg6[%get3A_350, %get3A_351] {strides = array<i32>} : memref<200x64xf32, #tpu.memory_space<vmem>>, vector<1x16xf32>,
        %get3A_353 = vector.shape_cast %get3A_352 : vector<1x16xf32> to vector<16xf32>
        %add3A_354 = arith.constant 5 : i32
        %add3A_355 = arith.addi %mul3A_228, %add3A_354 : i32
        %get3A_356 = arith.index_cast %add3A_355 : i32 to index
        %get3A_357 = arith.constant 16 : index
        %get3A_358 = tpu.vector_load %arg6[%get3A_356, %get3A_357] {strides = array<i32>} : memref<200x64xf32, #tpu.memory_space<vmem>>, vector<1x16xf32>,
        %get3A_359 = vector.shape_cast %get3A_358 : vector<1x16xf32> to vector<16xf32>
        %add3A_360 = arith.constant 5 : i32
        %add3A_361 = arith.addi %mul3A_228, %add3A_360 : i32
        %get3A_362 = arith.index_cast %add3A_361 : i32 to index
        %get3A_363 = arith.constant 32 : index
        %get3A_364 = tpu.vector_load %arg6[%get3A_362, %get3A_363] {strides = array<i32>} : memref<200x64xf32, #tpu.memory_space<vmem>>, vector<1x16xf32>,
        %get3A_365 = vector.shape_cast %get3A_364 : vector<1x16xf32> to vector<16xf32>
        %add3A_366 = arith.constant 5 : i32
        %add3A_367 = arith.addi %mul3A_228, %add3A_366 : i32
        %get3A_368 = arith.index_cast %add3A_367 : i32 to index
        %get3A_369 = arith.constant 48 : index
        %get3A_370 = tpu.vector_load %arg6[%get3A_368, %get3A_369] {strides = array<i32>} : memref<200x64xf32, #tpu.memory_space<vmem>>, vector<1x16xf32>,
        %get3A_371 = vector.shape_cast %get3A_370 : vector<1x16xf32> to vector<16xf32>
        %add3A_372 = arith.constant 6 : i32
        %add3A_373 = arith.addi %mul3A_228, %add3A_372 : i32
        %get3A_374 = arith.index_cast %add3A_373 : i32 to index
        %get3A_375 = arith.constant 0 : index
        %get3A_376 = tpu.vector_load %arg6[%get3A_374, %get3A_375] {strides = array<i32>} : memref<200x64xf32, #tpu.memory_space<vmem>>, vector<1x16xf32>,
        %get3A_377 = vector.shape_cast %get3A_376 : vector<1x16xf32> to vector<16xf32>
        %add3A_378 = arith.constant 6 : i32
        %add3A_379 = arith.addi %mul3A_228, %add3A_378 : i32
        %get3A_380 = arith.index_cast %add3A_379 : i32 to index
        %get3A_381 = arith.constant 16 : index
        %get3A_382 = tpu.vector_load %arg6[%get3A_380, %get3A_381] {strides = array<i32>} : memref<200x64xf32, #tpu.memory_space<vmem>>, vector<1x16xf32>,
        %get3A_383 = vector.shape_cast %get3A_382 : vector<1x16xf32> to vector<16xf32>
        %add3A_384 = arith.constant 6 : i32
        %add3A_385 = arith.addi %mul3A_228, %add3A_384 : i32
        %get3A_386 = arith.index_cast %add3A_385 : i32 to index
        %get3A_387 = arith.constant 32 : index
        %get3A_388 = tpu.vector_load %arg6[%get3A_386, %get3A_387] {strides = array<i32>} : memref<200x64xf32, #tpu.memory_space<vmem>>, vector<1x16xf32>,
        %get3A_389 = vector.shape_cast %get3A_388 : vector<1x16xf32> to vector<16xf32>
        %add3A_390 = arith.constant 6 : i32
        %add3A_391 = arith.addi %mul3A_228, %add3A_390 : i32
        %get3A_392 = arith.index_cast %add3A_391 : i32 to index
        %get3A_393 = arith.constant 48 : index
        %get3A_394 = tpu.vector_load %arg6[%get3A_392, %get3A_393] {strides = array<i32>} : memref<200x64xf32, #tpu.memory_space<vmem>>, vector<1x16xf32>,
        %get3A_395 = vector.shape_cast %get3A_394 : vector<1x16xf32> to vector<16xf32>
        %add3A_396 = arith.constant 7 : i32
        %add3A_397 = arith.addi %mul3A_228, %add3A_396 : i32
        %get3A_398 = arith.index_cast %add3A_397 : i32 to index
        %get3A_399 = arith.constant 0 : index
        %get3A_400 = tpu.vector_load %arg6[%get3A_398, %get3A_399] {strides = array<i32>} : memref<200x64xf32, #tpu.memory_space<vmem>>, vector<1x16xf32>,
        %get3A_401 = vector.shape_cast %get3A_400 : vector<1x16xf32> to vector<16xf32>
        %add3A_402 = arith.constant 7 : i32
        %add3A_403 = arith.addi %mul3A_228, %add3A_402 : i32
        %get3A_404 = arith.index_cast %add3A_403 : i32 to index
        %get3A_405 = arith.constant 16 : index
        %get3A_406 = tpu.vector_load %arg6[%get3A_404, %get3A_405] {strides = array<i32>} : memref<200x64xf32, #tpu.memory_space<vmem>>, vector<1x16xf32>,
        %get3A_407 = vector.shape_cast %get3A_406 : vector<1x16xf32> to vector<16xf32>
        %add3A_408 = arith.constant 7 : i32
        %add3A_409 = arith.addi %mul3A_228, %add3A_408 : i32
        %get3A_410 = arith.index_cast %add3A_409 : i32 to index
        %get3A_411 = arith.constant 32 : index
        %get3A_412 = tpu.vector_load %arg6[%get3A_410, %get3A_411] {strides = array<i32>} : memref<200x64xf32, #tpu.memory_space<vmem>>, vector<1x16xf32>,
        %get3A_413 = vector.shape_cast %get3A_412 : vector<1x16xf32> to vector<16xf32>
        %add3A_414 = arith.constant 7 : i32
        %add3A_415 = arith.addi %mul3A_228, %add3A_414 : i32
        %get3A_416 = arith.index_cast %add3A_415 : i32 to index
        %get3A_417 = arith.constant 48 : index
        %get3A_418 = tpu.vector_load %arg6[%get3A_416, %get3A_417] {strides = array<i32>} : memref<200x64xf32, #tpu.memory_space<vmem>>, vector<1x16xf32>,
        %get3A_419 = vector.shape_cast %get3A_418 : vector<1x16xf32> to vector<16xf32>
        %add3A_420 = arith.addf %get3A_233, %get3A_257 : vector<16xf32>
        %add3A_421 = arith.addf %get3A_281, %get3A_305 : vector<16xf32>
        %add3A_422 = arith.addf %add3A_420, %add3A_421 : vector<16xf32>
        %add3A_423 = arith.addf %get3A_329, %get3A_353 : vector<16xf32>
        %add3A_424 = arith.addf %get3A_377, %get3A_401 : vector<16xf32>
        %add3A_425 = arith.addf %add3A_423, %add3A_424 : vector<16xf32>
        %add3A_426 = arith.addf %add3A_422, %add3A_425 : vector<16xf32>
        %add3A_427 = arith.addf %scan3A_223, %add3A_426 : vector<16xf32>
        %add3A_428 = arith.addf %get3A_239, %get3A_263 : vector<16xf32>
        %add3A_429 = arith.addf %get3A_287, %get3A_311 : vector<16xf32>
        %add3A_430 = arith.addf %add3A_428, %add3A_429 : vector<16xf32>
        %add3A_431 = arith.addf %get3A_335, %get3A_359 : vector<16xf32>
        %add3A_432 = arith.addf %get3A_383, %get3A_407 : vector<16xf32>
        %add3A_433 = arith.addf %add3A_431, %add3A_432 : vector<16xf32>
        %add3A_434 = arith.addf %add3A_430, %add3A_433 : vector<16xf32>
        %add3A_435 = arith.addf %scan3A_224, %add3A_434 : vector<16xf32>
        %add3A_436 = arith.addf %get3A_245, %get3A_269 : vector<16xf32>
        %add3A_437 = arith.addf %get3A_293, %get3A_317 : vector<16xf32>
        %add3A_438 = arith.addf %add3A_436, %add3A_437 : vector<16xf32>
        %add3A_439 = arith.addf %get3A_341, %get3A_365 : vector<16xf32>
        %add3A_440 = arith.addf %get3A_389, %get3A_413 : vector<16xf32>
        %add3A_441 = arith.addf %add3A_439, %add3A_440 : vector<16xf32>
        %add3A_442 = arith.addf %add3A_438, %add3A_441 : vector<16xf32>
        %add3A_443 = arith.addf %scan3A_225, %add3A_442 : vector<16xf32>
        %add3A_444 = arith.addf %get3A_251, %get3A_275 : vector<16xf32>
        %add3A_445 = arith.addf %get3A_299, %get3A_323 : vector<16xf32>
        %add3A_446 = arith.addf %add3A_444, %add3A_445 : vector<16xf32>
        %add3A_447 = arith.addf %get3A_347, %get3A_371 : vector<16xf32>
        %add3A_448 = arith.addf %get3A_395, %get3A_419 : vector<16xf32>
        %add3A_449 = arith.addf %add3A_447, %add3A_448 : vector<16xf32>
        %add3A_450 = arith.addf %add3A_446, %add3A_449 : vector<16xf32>
        %add3A_451 = arith.addf %scan3A_226, %add3A_450 : vector<16xf32>
        scf.yield %add3A_427, %add3A_435, %add3A_443, %add3A_451 : vector<16xf32>, vector<16xf32>, vector<16xf32>, vector<16xf32>
      }
      %scan3A_131 = arith.constant 25 : i32
      %mul3A_132 = arith.constant 5.000000e-03 : f32
      %mul3A_133 = vector.broadcast %mul3A_132 : f32 to vector<16xf32>
      %mul3A_134 = arith.mulf %scan3A_130#0, %mul3A_133 : vector<16xf32>
      %swap3A = arith.index_cast %mul3A_119 : i32 to index
      %swap3A_135 = arith.constant 0 : index
      %swap3A_136 = tpu.vector_load %arg8[%swap3A, %swap3A_135] {strides = array<i32>} : memref<128x64xf32, #tpu.memory_space<vmem>>, vector<1x16xf32>,
      %swap3A_137 = vector.shape_cast %swap3A_136 : vector<1x16xf32> to vector<16xf32>
      %swap3A_138 = vector.shape_cast %mul3A_134 : vector<16xf32> to vector<1x16xf32>
      tpu.vector_store %arg8[%swap3A, %swap3A_135], %swap3A_138 {strides = array<i32>} : memref<128x64xf32, #tpu.memory_space<vmem>>, vector<1x16xf32>,
      %mul3A_139 = arith.constant 5.000000e-03 : f32
      %mul3A_140 = vector.broadcast %mul3A_139 : f32 to vector<16xf32>
      %mul3A_141 = arith.mulf %scan3A_130#1, %mul3A_140 : vector<16xf32>
      %swap3A_142 = arith.index_cast %mul3A_119 : i32 to index
      %swap3A_143 = arith.constant 16 : index
      %swap3A_144 = tpu.vector_load %arg8[%swap3A_142, %swap3A_143] {strides = array<i32>} : memref<128x64xf32, #tpu.memory_space<vmem>>, vector<1x16xf32>,
      %swap3A_145 = vector.shape_cast %swap3A_144 : vector<1x16xf32> to vector<16xf32>
      %swap3A_146 = vector.shape_cast %mul3A_141 : vector<16xf32> to vector<1x16xf32>
      tpu.vector_store %arg8[%swap3A_142, %swap3A_143], %swap3A_146 {strides = array<i32>} : memref<128x64xf32, #tpu.memory_space<vmem>>, vector<1x16xf32>,
      %mul3A_147 = arith.constant 5.000000e-03 : f32
      %mul3A_148 = vector.broadcast %mul3A_147 : f32 to vector<16xf32>
      %mul3A_149 = arith.mulf %scan3A_130#2, %mul3A_148 : vector<16xf32>
      %swap3A_150 = arith.index_cast %mul3A_119 : i32 to index
      %swap3A_151 = arith.constant 32 : index
      %swap3A_152 = tpu.vector_load %arg8[%swap3A_150, %swap3A_151] {strides = array<i32>} : memref<128x64xf32, #tpu.memory_space<vmem>>, vector<1x16xf32>,
      %swap3A_153 = vector.shape_cast %swap3A_152 : vector<1x16xf32> to vector<16xf32>
      %swap3A_154 = vector.shape_cast %mul3A_149 : vector<16xf32> to vector<1x16xf32>
      tpu.vector_store %arg8[%swap3A_150, %swap3A_151], %swap3A_154 {strides = array<i32>} : memref<128x64xf32, #tpu.memory_space<vmem>>, vector<1x16xf32>,
      %mul3A_155 = arith.constant 5.000000e-03 : f32
      %mul3A_156 = vector.broadcast %mul3A_155 : f32 to vector<16xf32>
      %mul3A_157 = arith.mulf %scan3A_130#3, %mul3A_156 : vector<16xf32>
      %swap3A_158 = arith.index_cast %mul3A_119 : i32 to index
      %swap3A_159 = arith.constant 48 : index
      %swap3A_160 = tpu.vector_load %arg8[%swap3A_158, %swap3A_159] {strides = array<i32>} : memref<128x64xf32, #tpu.memory_space<vmem>>, vector<1x16xf32>,
      %swap3A_161 = vector.shape_cast %swap3A_160 : vector<1x16xf32> to vector<16xf32>
      %swap3A_162 = vector.shape_cast %mul3A_157 : vector<16xf32> to vector<1x16xf32>
      tpu.vector_store %arg8[%swap3A_158, %swap3A_159], %swap3A_162 {strides = array<i32>} : memref<128x64xf32, #tpu.memory_space<vmem>>, vector<1x16xf32>,
      %add3A_163 = arith.constant 2 : i32
      %add3A_164 = arith.addi %mul3A_119, %add3A_163 : i32
      %lt3A = arith.constant 128 : i32
      %lt3A_165 = arith.cmpi slt, %add3A_164, %lt3A : i32
      %convert_element_type3A = arith.extui %lt3A_165 : i1 to i32
      %cond3A = arith.constant 0 : i32
      %cond3A_166 = arith.cmpi ne, %convert_element_type3A, %cond3A : i32
      scf.if %cond3A_166 {
        %add3A_222 = arith.constant 2 : i32
        %add3A_223 = arith.addi %mul3A_119, %add3A_222 : i32
        %dma_start3A_224 = arith.constant 0 : i32
        %dma_start3A_225 = arith.constant 0 : i32
        %dma_start3A_226 = arith.constant 0 : i32
        %dma_start3A_227 = tpu.memref_slice %arg6[%dma_start3A_225, %dma_start3A_226] : memref<200x64xf32, #tpu.memory_space<vmem>> -> memref<40x64xf32, #tpu.memory_space<vmem>>
        %dma_start3A_228 = arith.constant 0 : i32
        %dma_start3A_229 = tpu.memref_slice %arg5[%add3A_223, %dma_start3A_224, %dma_start3A_228] : memref<128x5x40xi32, #tpu.memory_space<vmem>> -> memref<1x1x40xi32, #tpu.memory_space<vmem>>
        %dma_start3A_230 = tpu.memref_squeeze %dma_start3A_229 : memref<1x1x40xi32, #tpu.memory_space<vmem>> -> memref<40xi32, #tpu.memory_space<vmem>>
        %dma_start3A_231 = arith.constant 0 : i32
        %dma_start3A_232 = arith.constant 0 : i32
        %dma_start3A_233 = tpu.memref_slice %arg3[%dma_start3A_231, %dma_start3A_232] : memref<100000x64xf32, #tpu.memory_space<hbm>> -> memref<100000x64xf32, #tpu.memory_space<hbm>>
        tpu.enqueue_indirect_dma source(%dma_start3A_233 : memref<100000x64xf32, #tpu.memory_space<hbm>>) target(%dma_start3A_227 : memref<40x64xf32, #tpu.memory_space<vmem>>) offsets(%dma_start3A_230 : memref<40xi32, #tpu.memory_space<vmem>>) semaphore(%arg9 : memref<!tpu.dma_semaphore, #tpu.memory_space<semaphore_mem>>)
        %dma_start3A_234 = arith.constant 1 : i32
        %dma_start3A_235 = arith.constant 40 : i32
        %dma_start3A_236 = arith.constant 0 : i32
        %dma_start3A_237 = tpu.memref_slice %arg6[%dma_start3A_235, %dma_start3A_236] : memref<200x64xf32, #tpu.memory_space<vmem>> -> memref<40x64xf32, #tpu.memory_space<vmem>>
        %dma_start3A_238 = arith.constant 0 : i32
        %dma_start3A_239 = tpu.memref_slice %arg5[%add3A_223, %dma_start3A_234, %dma_start3A_238] : memref<128x5x40xi32, #tpu.memory_space<vmem>> -> memref<1x1x40xi32, #tpu.memory_space<vmem>>
        %dma_start3A_240 = tpu.memref_squeeze %dma_start3A_239 : memref<1x1x40xi32, #tpu.memory_space<vmem>> -> memref<40xi32, #tpu.memory_space<vmem>>
        %dma_start3A_241 = arith.constant 0 : i32
        %dma_start3A_242 = arith.constant 0 : i32
        %dma_start3A_243 = tpu.memref_slice %arg3[%dma_start3A_241, %dma_start3A_242] : memref<100000x64xf32, #tpu.memory_space<hbm>> -> memref<100000x64xf32, #tpu.memory_space<hbm>>
        tpu.enqueue_indirect_dma source(%dma_start3A_243 : memref<100000x64xf32, #tpu.memory_space<hbm>>) target(%dma_start3A_237 : memref<40x64xf32, #tpu.memory_space<vmem>>) offsets(%dma_start3A_240 : memref<40xi32, #tpu.memory_space<vmem>>) semaphore(%arg9 : memref<!tpu.dma_semaphore, #tpu.memory_space<semaphore_mem>>)
        %dma_start3A_244 = arith.constant 2 : i32
        %dma_start3A_245 = arith.constant 80 : i32
        %dma_start3A_246 = arith.constant 0 : i32
        %dma_start3A_247 = tpu.memref_slice %arg6[%dma_start3A_245, %dma_start3A_246] : memref<200x64xf32, #tpu.memory_space<vmem>> -> memref<40x64xf32, #tpu.memory_space<vmem>>
        %dma_start3A_248 = arith.constant 0 : i32
        %dma_start3A_249 = tpu.memref_slice %arg5[%add3A_223, %dma_start3A_244, %dma_start3A_248] : memref<128x5x40xi32, #tpu.memory_space<vmem>> -> memref<1x1x40xi32, #tpu.memory_space<vmem>>
        %dma_start3A_250 = tpu.memref_squeeze %dma_start3A_249 : memref<1x1x40xi32, #tpu.memory_space<vmem>> -> memref<40xi32, #tpu.memory_space<vmem>>
        %dma_start3A_251 = arith.constant 0 : i32
        %dma_start3A_252 = arith.constant 0 : i32
        %dma_start3A_253 = tpu.memref_slice %arg3[%dma_start3A_251, %dma_start3A_252] : memref<100000x64xf32, #tpu.memory_space<hbm>> -> memref<100000x64xf32, #tpu.memory_space<hbm>>
        tpu.enqueue_indirect_dma source(%dma_start3A_253 : memref<100000x64xf32, #tpu.memory_space<hbm>>) target(%dma_start3A_247 : memref<40x64xf32, #tpu.memory_space<vmem>>) offsets(%dma_start3A_250 : memref<40xi32, #tpu.memory_space<vmem>>) semaphore(%arg9 : memref<!tpu.dma_semaphore, #tpu.memory_space<semaphore_mem>>)
        %dma_start3A_254 = arith.constant 3 : i32
        %dma_start3A_255 = arith.constant 120 : i32
        %dma_start3A_256 = arith.constant 0 : i32
        %dma_start3A_257 = tpu.memref_slice %arg6[%dma_start3A_255, %dma_start3A_256] : memref<200x64xf32, #tpu.memory_space<vmem>> -> memref<40x64xf32, #tpu.memory_space<vmem>>
        %dma_start3A_258 = arith.constant 0 : i32
        %dma_start3A_259 = tpu.memref_slice %arg5[%add3A_223, %dma_start3A_254, %dma_start3A_258] : memref<128x5x40xi32, #tpu.memory_space<vmem>> -> memref<1x1x40xi32, #tpu.memory_space<vmem>>
        %dma_start3A_260 = tpu.memref_squeeze %dma_start3A_259 : memref<1x1x40xi32, #tpu.memory_space<vmem>> -> memref<40xi32, #tpu.memory_space<vmem>>
        %dma_start3A_261 = arith.constant 0 : i32
        %dma_start3A_262 = arith.constant 0 : i32
        %dma_start3A_263 = tpu.memref_slice %arg3[%dma_start3A_261, %dma_start3A_262] : memref<100000x64xf32, #tpu.memory_space<hbm>> -> memref<100000x64xf32, #tpu.memory_space<hbm>>
        tpu.enqueue_indirect_dma source(%dma_start3A_263 : memref<100000x64xf32, #tpu.memory_space<hbm>>) target(%dma_start3A_257 : memref<40x64xf32, #tpu.memory_space<vmem>>) offsets(%dma_start3A_260 : memref<40xi32, #tpu.memory_space<vmem>>) semaphore(%arg9 : memref<!tpu.dma_semaphore, #tpu.memory_space<semaphore_mem>>)
        %dma_start3A_264 = arith.constant 4 : i32
        %dma_start3A_265 = arith.constant 160 : i32
        %dma_start3A_266 = arith.constant 0 : i32
        %dma_start3A_267 = tpu.memref_slice %arg6[%dma_start3A_265, %dma_start3A_266] : memref<200x64xf32, #tpu.memory_space<vmem>> -> memref<40x64xf32, #tpu.memory_space<vmem>>
        %dma_start3A_268 = arith.constant 0 : i32
        %dma_start3A_269 = tpu.memref_slice %arg5[%add3A_223, %dma_start3A_264, %dma_start3A_268] : memref<128x5x40xi32, #tpu.memory_space<vmem>> -> memref<1x1x40xi32, #tpu.memory_space<vmem>>
        %dma_start3A_270 = tpu.memref_squeeze %dma_start3A_269 : memref<1x1x40xi32, #tpu.memory_space<vmem>> -> memref<40xi32, #tpu.memory_space<vmem>>
        %dma_start3A_271 = arith.constant 0 : i32
        %dma_start3A_272 = arith.constant 0 : i32
        %dma_start3A_273 = tpu.memref_slice %arg3[%dma_start3A_271, %dma_start3A_272] : memref<100000x64xf32, #tpu.memory_space<hbm>> -> memref<100000x64xf32, #tpu.memory_space<hbm>>
        tpu.enqueue_indirect_dma source(%dma_start3A_273 : memref<100000x64xf32, #tpu.memory_space<hbm>>) target(%dma_start3A_267 : memref<40x64xf32, #tpu.memory_space<vmem>>) offsets(%dma_start3A_270 : memref<40xi32, #tpu.memory_space<vmem>>) semaphore(%arg9 : memref<!tpu.dma_semaphore, #tpu.memory_space<semaphore_mem>>)
      } else {
      }
      %dma_wait3A_167 = arith.constant 0 : i32
      %dma_wait3A_168 = arith.constant 0 : i32
      %dma_wait3A_169 = tpu.memref_slice %arg3[%dma_wait3A_167, %dma_wait3A_168] : memref<100000x64xf32, #tpu.memory_space<hbm>> -> memref<200x64xf32, #tpu.memory_space<hbm>>
      %dma_wait3A_170 = arith.constant 0 : i32
      %dma_wait3A_171 = arith.constant 0 : i32
      %dma_wait3A_172 = tpu.memref_slice %arg3[%dma_wait3A_170, %dma_wait3A_171] : memref<100000x64xf32, #tpu.memory_space<hbm>> -> memref<200x64xf32, #tpu.memory_space<hbm>>
      tpu.wait_dma2 semaphore(%arg10 : memref<!tpu.dma_semaphore, #tpu.memory_space<semaphore_mem>>) src(%dma_wait3A_172 : memref<200x64xf32, #tpu.memory_space<hbm>>) dst(%arg7 : memref<200x64xf32, #tpu.memory_space<vmem>>)
      %add3A_173 = arith.constant 1 : i32
      %add3A_174 = arith.addi %mul3A_119, %add3A_173 : i32
      %broadcast_in_dim3A_175 = arith.constant 0.000000e+00 : f32
      %broadcast_in_dim3A_176 = vector.broadcast %broadcast_in_dim3A_175 : f32 to vector<16xf32>
      %scan3A_177 = arith.constant 0 : i32
      %scan3A_178 = arith.constant 25 : i32
      %scan3A_179 = arith.addi %scan3A_177, %scan3A_178 : i32
      %scan3A_180 = arith.constant 1 : i32
      %scan3A_181:4 = scf.for %scan3A_222 = %scan3A_177 to %scan3A_179 step %scan3A_180 iter_args(%scan3A_223 = %broadcast_in_dim3A_176, %scan3A_224 = %broadcast_in_dim3A_176, %scan3A_225 = %broadcast_in_dim3A_176, %scan3A_226 = %broadcast_in_dim3A_176) -> (vector<16xf32>, vector<16xf32>, vector<16xf32>, vector<16xf32>)  : i32 {
        %mul3A_227 = arith.constant 8 : i32
        %mul3A_228 = arith.muli %scan3A_222, %mul3A_227 : i32
        %add3A_229 = arith.constant 0 : i32
        %add3A_230 = arith.addi %mul3A_228, %add3A_229 : i32
        %get3A = arith.index_cast %add3A_230 : i32 to index
        %get3A_231 = arith.constant 0 : index
        %get3A_232 = tpu.vector_load %arg7[%get3A, %get3A_231] {strides = array<i32>} : memref<200x64xf32, #tpu.memory_space<vmem>>, vector<1x16xf32>,
        %get3A_233 = vector.shape_cast %get3A_232 : vector<1x16xf32> to vector<16xf32>
        %add3A_234 = arith.constant 0 : i32
        %add3A_235 = arith.addi %mul3A_228, %add3A_234 : i32
        %get3A_236 = arith.index_cast %add3A_235 : i32 to index
        %get3A_237 = arith.constant 16 : index
        %get3A_238 = tpu.vector_load %arg7[%get3A_236, %get3A_237] {strides = array<i32>} : memref<200x64xf32, #tpu.memory_space<vmem>>, vector<1x16xf32>,
        %get3A_239 = vector.shape_cast %get3A_238 : vector<1x16xf32> to vector<16xf32>
        %add3A_240 = arith.constant 0 : i32
        %add3A_241 = arith.addi %mul3A_228, %add3A_240 : i32
        %get3A_242 = arith.index_cast %add3A_241 : i32 to index
        %get3A_243 = arith.constant 32 : index
        %get3A_244 = tpu.vector_load %arg7[%get3A_242, %get3A_243] {strides = array<i32>} : memref<200x64xf32, #tpu.memory_space<vmem>>, vector<1x16xf32>,
        %get3A_245 = vector.shape_cast %get3A_244 : vector<1x16xf32> to vector<16xf32>
        %add3A_246 = arith.constant 0 : i32
        %add3A_247 = arith.addi %mul3A_228, %add3A_246 : i32
        %get3A_248 = arith.index_cast %add3A_247 : i32 to index
        %get3A_249 = arith.constant 48 : index
        %get3A_250 = tpu.vector_load %arg7[%get3A_248, %get3A_249] {strides = array<i32>} : memref<200x64xf32, #tpu.memory_space<vmem>>, vector<1x16xf32>,
        %get3A_251 = vector.shape_cast %get3A_250 : vector<1x16xf32> to vector<16xf32>
        %add3A_252 = arith.constant 1 : i32
        %add3A_253 = arith.addi %mul3A_228, %add3A_252 : i32
        %get3A_254 = arith.index_cast %add3A_253 : i32 to index
        %get3A_255 = arith.constant 0 : index
        %get3A_256 = tpu.vector_load %arg7[%get3A_254, %get3A_255] {strides = array<i32>} : memref<200x64xf32, #tpu.memory_space<vmem>>, vector<1x16xf32>,
        %get3A_257 = vector.shape_cast %get3A_256 : vector<1x16xf32> to vector<16xf32>
        %add3A_258 = arith.constant 1 : i32
        %add3A_259 = arith.addi %mul3A_228, %add3A_258 : i32
        %get3A_260 = arith.index_cast %add3A_259 : i32 to index
        %get3A_261 = arith.constant 16 : index
        %get3A_262 = tpu.vector_load %arg7[%get3A_260, %get3A_261] {strides = array<i32>} : memref<200x64xf32, #tpu.memory_space<vmem>>, vector<1x16xf32>,
        %get3A_263 = vector.shape_cast %get3A_262 : vector<1x16xf32> to vector<16xf32>
        %add3A_264 = arith.constant 1 : i32
        %add3A_265 = arith.addi %mul3A_228, %add3A_264 : i32
        %get3A_266 = arith.index_cast %add3A_265 : i32 to index
        %get3A_267 = arith.constant 32 : index
        %get3A_268 = tpu.vector_load %arg7[%get3A_266, %get3A_267] {strides = array<i32>} : memref<200x64xf32, #tpu.memory_space<vmem>>, vector<1x16xf32>,
        %get3A_269 = vector.shape_cast %get3A_268 : vector<1x16xf32> to vector<16xf32>
        %add3A_270 = arith.constant 1 : i32
        %add3A_271 = arith.addi %mul3A_228, %add3A_270 : i32
        %get3A_272 = arith.index_cast %add3A_271 : i32 to index
        %get3A_273 = arith.constant 48 : index
        %get3A_274 = tpu.vector_load %arg7[%get3A_272, %get3A_273] {strides = array<i32>} : memref<200x64xf32, #tpu.memory_space<vmem>>, vector<1x16xf32>,
        %get3A_275 = vector.shape_cast %get3A_274 : vector<1x16xf32> to vector<16xf32>
        %add3A_276 = arith.constant 2 : i32
        %add3A_277 = arith.addi %mul3A_228, %add3A_276 : i32
        %get3A_278 = arith.index_cast %add3A_277 : i32 to index
        %get3A_279 = arith.constant 0 : index
        %get3A_280 = tpu.vector_load %arg7[%get3A_278, %get3A_279] {strides = array<i32>} : memref<200x64xf32, #tpu.memory_space<vmem>>, vector<1x16xf32>,
        %get3A_281 = vector.shape_cast %get3A_280 : vector<1x16xf32> to vector<16xf32>
        %add3A_282 = arith.constant 2 : i32
        %add3A_283 = arith.addi %mul3A_228, %add3A_282 : i32
        %get3A_284 = arith.index_cast %add3A_283 : i32 to index
        %get3A_285 = arith.constant 16 : index
        %get3A_286 = tpu.vector_load %arg7[%get3A_284, %get3A_285] {strides = array<i32>} : memref<200x64xf32, #tpu.memory_space<vmem>>, vector<1x16xf32>,
        %get3A_287 = vector.shape_cast %get3A_286 : vector<1x16xf32> to vector<16xf32>
        %add3A_288 = arith.constant 2 : i32
        %add3A_289 = arith.addi %mul3A_228, %add3A_288 : i32
        %get3A_290 = arith.index_cast %add3A_289 : i32 to index
        %get3A_291 = arith.constant 32 : index
        %get3A_292 = tpu.vector_load %arg7[%get3A_290, %get3A_291] {strides = array<i32>} : memref<200x64xf32, #tpu.memory_space<vmem>>, vector<1x16xf32>,
        %get3A_293 = vector.shape_cast %get3A_292 : vector<1x16xf32> to vector<16xf32>
        %add3A_294 = arith.constant 2 : i32
        %add3A_295 = arith.addi %mul3A_228, %add3A_294 : i32
        %get3A_296 = arith.index_cast %add3A_295 : i32 to index
        %get3A_297 = arith.constant 48 : index
        %get3A_298 = tpu.vector_load %arg7[%get3A_296, %get3A_297] {strides = array<i32>} : memref<200x64xf32, #tpu.memory_space<vmem>>, vector<1x16xf32>,
        %get3A_299 = vector.shape_cast %get3A_298 : vector<1x16xf32> to vector<16xf32>
        %add3A_300 = arith.constant 3 : i32
        %add3A_301 = arith.addi %mul3A_228, %add3A_300 : i32
        %get3A_302 = arith.index_cast %add3A_301 : i32 to index
        %get3A_303 = arith.constant 0 : index
        %get3A_304 = tpu.vector_load %arg7[%get3A_302, %get3A_303] {strides = array<i32>} : memref<200x64xf32, #tpu.memory_space<vmem>>, vector<1x16xf32>,
        %get3A_305 = vector.shape_cast %get3A_304 : vector<1x16xf32> to vector<16xf32>
        %add3A_306 = arith.constant 3 : i32
        %add3A_307 = arith.addi %mul3A_228, %add3A_306 : i32
        %get3A_308 = arith.index_cast %add3A_307 : i32 to index
        %get3A_309 = arith.constant 16 : index
        %get3A_310 = tpu.vector_load %arg7[%get3A_308, %get3A_309] {strides = array<i32>} : memref<200x64xf32, #tpu.memory_space<vmem>>, vector<1x16xf32>,
        %get3A_311 = vector.shape_cast %get3A_310 : vector<1x16xf32> to vector<16xf32>
        %add3A_312 = arith.constant 3 : i32
        %add3A_313 = arith.addi %mul3A_228, %add3A_312 : i32
        %get3A_314 = arith.index_cast %add3A_313 : i32 to index
        %get3A_315 = arith.constant 32 : index
        %get3A_316 = tpu.vector_load %arg7[%get3A_314, %get3A_315] {strides = array<i32>} : memref<200x64xf32, #tpu.memory_space<vmem>>, vector<1x16xf32>,
        %get3A_317 = vector.shape_cast %get3A_316 : vector<1x16xf32> to vector<16xf32>
        %add3A_318 = arith.constant 3 : i32
        %add3A_319 = arith.addi %mul3A_228, %add3A_318 : i32
        %get3A_320 = arith.index_cast %add3A_319 : i32 to index
        %get3A_321 = arith.constant 48 : index
        %get3A_322 = tpu.vector_load %arg7[%get3A_320, %get3A_321] {strides = array<i32>} : memref<200x64xf32, #tpu.memory_space<vmem>>, vector<1x16xf32>,
        %get3A_323 = vector.shape_cast %get3A_322 : vector<1x16xf32> to vector<16xf32>
        %add3A_324 = arith.constant 4 : i32
        %add3A_325 = arith.addi %mul3A_228, %add3A_324 : i32
        %get3A_326 = arith.index_cast %add3A_325 : i32 to index
        %get3A_327 = arith.constant 0 : index
        %get3A_328 = tpu.vector_load %arg7[%get3A_326, %get3A_327] {strides = array<i32>} : memref<200x64xf32, #tpu.memory_space<vmem>>, vector<1x16xf32>,
        %get3A_329 = vector.shape_cast %get3A_328 : vector<1x16xf32> to vector<16xf32>
        %add3A_330 = arith.constant 4 : i32
        %add3A_331 = arith.addi %mul3A_228, %add3A_330 : i32
        %get3A_332 = arith.index_cast %add3A_331 : i32 to index
        %get3A_333 = arith.constant 16 : index
        %get3A_334 = tpu.vector_load %arg7[%get3A_332, %get3A_333] {strides = array<i32>} : memref<200x64xf32, #tpu.memory_space<vmem>>, vector<1x16xf32>,
        %get3A_335 = vector.shape_cast %get3A_334 : vector<1x16xf32> to vector<16xf32>
        %add3A_336 = arith.constant 4 : i32
        %add3A_337 = arith.addi %mul3A_228, %add3A_336 : i32
        %get3A_338 = arith.index_cast %add3A_337 : i32 to index
        %get3A_339 = arith.constant 32 : index
        %get3A_340 = tpu.vector_load %arg7[%get3A_338, %get3A_339] {strides = array<i32>} : memref<200x64xf32, #tpu.memory_space<vmem>>, vector<1x16xf32>,
        %get3A_341 = vector.shape_cast %get3A_340 : vector<1x16xf32> to vector<16xf32>
        %add3A_342 = arith.constant 4 : i32
        %add3A_343 = arith.addi %mul3A_228, %add3A_342 : i32
        %get3A_344 = arith.index_cast %add3A_343 : i32 to index
        %get3A_345 = arith.constant 48 : index
        %get3A_346 = tpu.vector_load %arg7[%get3A_344, %get3A_345] {strides = array<i32>} : memref<200x64xf32, #tpu.memory_space<vmem>>, vector<1x16xf32>,
        %get3A_347 = vector.shape_cast %get3A_346 : vector<1x16xf32> to vector<16xf32>
        %add3A_348 = arith.constant 5 : i32
        %add3A_349 = arith.addi %mul3A_228, %add3A_348 : i32
        %get3A_350 = arith.index_cast %add3A_349 : i32 to index
        %get3A_351 = arith.constant 0 : index
        %get3A_352 = tpu.vector_load %arg7[%get3A_350, %get3A_351] {strides = array<i32>} : memref<200x64xf32, #tpu.memory_space<vmem>>, vector<1x16xf32>,
        %get3A_353 = vector.shape_cast %get3A_352 : vector<1x16xf32> to vector<16xf32>
        %add3A_354 = arith.constant 5 : i32
        %add3A_355 = arith.addi %mul3A_228, %add3A_354 : i32
        %get3A_356 = arith.index_cast %add3A_355 : i32 to index
        %get3A_357 = arith.constant 16 : index
        %get3A_358 = tpu.vector_load %arg7[%get3A_356, %get3A_357] {strides = array<i32>} : memref<200x64xf32, #tpu.memory_space<vmem>>, vector<1x16xf32>,
        %get3A_359 = vector.shape_cast %get3A_358 : vector<1x16xf32> to vector<16xf32>
        %add3A_360 = arith.constant 5 : i32
        %add3A_361 = arith.addi %mul3A_228, %add3A_360 : i32
        %get3A_362 = arith.index_cast %add3A_361 : i32 to index
        %get3A_363 = arith.constant 32 : index
        %get3A_364 = tpu.vector_load %arg7[%get3A_362, %get3A_363] {strides = array<i32>} : memref<200x64xf32, #tpu.memory_space<vmem>>, vector<1x16xf32>,
        %get3A_365 = vector.shape_cast %get3A_364 : vector<1x16xf32> to vector<16xf32>
        %add3A_366 = arith.constant 5 : i32
        %add3A_367 = arith.addi %mul3A_228, %add3A_366 : i32
        %get3A_368 = arith.index_cast %add3A_367 : i32 to index
        %get3A_369 = arith.constant 48 : index
        %get3A_370 = tpu.vector_load %arg7[%get3A_368, %get3A_369] {strides = array<i32>} : memref<200x64xf32, #tpu.memory_space<vmem>>, vector<1x16xf32>,
        %get3A_371 = vector.shape_cast %get3A_370 : vector<1x16xf32> to vector<16xf32>
        %add3A_372 = arith.constant 6 : i32
        %add3A_373 = arith.addi %mul3A_228, %add3A_372 : i32
        %get3A_374 = arith.index_cast %add3A_373 : i32 to index
        %get3A_375 = arith.constant 0 : index
        %get3A_376 = tpu.vector_load %arg7[%get3A_374, %get3A_375] {strides = array<i32>} : memref<200x64xf32, #tpu.memory_space<vmem>>, vector<1x16xf32>,
        %get3A_377 = vector.shape_cast %get3A_376 : vector<1x16xf32> to vector<16xf32>
        %add3A_378 = arith.constant 6 : i32
        %add3A_379 = arith.addi %mul3A_228, %add3A_378 : i32
        %get3A_380 = arith.index_cast %add3A_379 : i32 to index
        %get3A_381 = arith.constant 16 : index
        %get3A_382 = tpu.vector_load %arg7[%get3A_380, %get3A_381] {strides = array<i32>} : memref<200x64xf32, #tpu.memory_space<vmem>>, vector<1x16xf32>,
        %get3A_383 = vector.shape_cast %get3A_382 : vector<1x16xf32> to vector<16xf32>
        %add3A_384 = arith.constant 6 : i32
        %add3A_385 = arith.addi %mul3A_228, %add3A_384 : i32
        %get3A_386 = arith.index_cast %add3A_385 : i32 to index
        %get3A_387 = arith.constant 32 : index
        %get3A_388 = tpu.vector_load %arg7[%get3A_386, %get3A_387] {strides = array<i32>} : memref<200x64xf32, #tpu.memory_space<vmem>>, vector<1x16xf32>,
        %get3A_389 = vector.shape_cast %get3A_388 : vector<1x16xf32> to vector<16xf32>
        %add3A_390 = arith.constant 6 : i32
        %add3A_391 = arith.addi %mul3A_228, %add3A_390 : i32
        %get3A_392 = arith.index_cast %add3A_391 : i32 to index
        %get3A_393 = arith.constant 48 : index
        %get3A_394 = tpu.vector_load %arg7[%get3A_392, %get3A_393] {strides = array<i32>} : memref<200x64xf32, #tpu.memory_space<vmem>>, vector<1x16xf32>,
        %get3A_395 = vector.shape_cast %get3A_394 : vector<1x16xf32> to vector<16xf32>
        %add3A_396 = arith.constant 7 : i32
        %add3A_397 = arith.addi %mul3A_228, %add3A_396 : i32
        %get3A_398 = arith.index_cast %add3A_397 : i32 to index
        %get3A_399 = arith.constant 0 : index
        %get3A_400 = tpu.vector_load %arg7[%get3A_398, %get3A_399] {strides = array<i32>} : memref<200x64xf32, #tpu.memory_space<vmem>>, vector<1x16xf32>,
        %get3A_401 = vector.shape_cast %get3A_400 : vector<1x16xf32> to vector<16xf32>
        %add3A_402 = arith.constant 7 : i32
        %add3A_403 = arith.addi %mul3A_228, %add3A_402 : i32
        %get3A_404 = arith.index_cast %add3A_403 : i32 to index
        %get3A_405 = arith.constant 16 : index
        %get3A_406 = tpu.vector_load %arg7[%get3A_404, %get3A_405] {strides = array<i32>} : memref<200x64xf32, #tpu.memory_space<vmem>>, vector<1x16xf32>,
        %get3A_407 = vector.shape_cast %get3A_406 : vector<1x16xf32> to vector<16xf32>
        %add3A_408 = arith.constant 7 : i32
        %add3A_409 = arith.addi %mul3A_228, %add3A_408 : i32
        %get3A_410 = arith.index_cast %add3A_409 : i32 to index
        %get3A_411 = arith.constant 32 : index
        %get3A_412 = tpu.vector_load %arg7[%get3A_410, %get3A_411] {strides = array<i32>} : memref<200x64xf32, #tpu.memory_space<vmem>>, vector<1x16xf32>,
        %get3A_413 = vector.shape_cast %get3A_412 : vector<1x16xf32> to vector<16xf32>
        %add3A_414 = arith.constant 7 : i32
        %add3A_415 = arith.addi %mul3A_228, %add3A_414 : i32
        %get3A_416 = arith.index_cast %add3A_415 : i32 to index
        %get3A_417 = arith.constant 48 : index
        %get3A_418 = tpu.vector_load %arg7[%get3A_416, %get3A_417] {strides = array<i32>} : memref<200x64xf32, #tpu.memory_space<vmem>>, vector<1x16xf32>,
        %get3A_419 = vector.shape_cast %get3A_418 : vector<1x16xf32> to vector<16xf32>
        %add3A_420 = arith.addf %get3A_233, %get3A_257 : vector<16xf32>
        %add3A_421 = arith.addf %get3A_281, %get3A_305 : vector<16xf32>
        %add3A_422 = arith.addf %add3A_420, %add3A_421 : vector<16xf32>
        %add3A_423 = arith.addf %get3A_329, %get3A_353 : vector<16xf32>
        %add3A_424 = arith.addf %get3A_377, %get3A_401 : vector<16xf32>
        %add3A_425 = arith.addf %add3A_423, %add3A_424 : vector<16xf32>
        %add3A_426 = arith.addf %add3A_422, %add3A_425 : vector<16xf32>
        %add3A_427 = arith.addf %scan3A_223, %add3A_426 : vector<16xf32>
        %add3A_428 = arith.addf %get3A_239, %get3A_263 : vector<16xf32>
        %add3A_429 = arith.addf %get3A_287, %get3A_311 : vector<16xf32>
        %add3A_430 = arith.addf %add3A_428, %add3A_429 : vector<16xf32>
        %add3A_431 = arith.addf %get3A_335, %get3A_359 : vector<16xf32>
        %add3A_432 = arith.addf %get3A_383, %get3A_407 : vector<16xf32>
        %add3A_433 = arith.addf %add3A_431, %add3A_432 : vector<16xf32>
        %add3A_434 = arith.addf %add3A_430, %add3A_433 : vector<16xf32>
        %add3A_435 = arith.addf %scan3A_224, %add3A_434 : vector<16xf32>
        %add3A_436 = arith.addf %get3A_245, %get3A_269 : vector<16xf32>
        %add3A_437 = arith.addf %get3A_293, %get3A_317 : vector<16xf32>
        %add3A_438 = arith.addf %add3A_436, %add3A_437 : vector<16xf32>
        %add3A_439 = arith.addf %get3A_341, %get3A_365 : vector<16xf32>
        %add3A_440 = arith.addf %get3A_389, %get3A_413 : vector<16xf32>
        %add3A_441 = arith.addf %add3A_439, %add3A_440 : vector<16xf32>
        %add3A_442 = arith.addf %add3A_438, %add3A_441 : vector<16xf32>
        %add3A_443 = arith.addf %scan3A_225, %add3A_442 : vector<16xf32>
        %add3A_444 = arith.addf %get3A_251, %get3A_275 : vector<16xf32>
        %add3A_445 = arith.addf %get3A_299, %get3A_323 : vector<16xf32>
        %add3A_446 = arith.addf %add3A_444, %add3A_445 : vector<16xf32>
        %add3A_447 = arith.addf %get3A_347, %get3A_371 : vector<16xf32>
        %add3A_448 = arith.addf %get3A_395, %get3A_419 : vector<16xf32>
        %add3A_449 = arith.addf %add3A_447, %add3A_448 : vector<16xf32>
        %add3A_450 = arith.addf %add3A_446, %add3A_449 : vector<16xf32>
        %add3A_451 = arith.addf %scan3A_226, %add3A_450 : vector<16xf32>
        scf.yield %add3A_427, %add3A_435, %add3A_443, %add3A_451 : vector<16xf32>, vector<16xf32>, vector<16xf32>, vector<16xf32>
      }
      %scan3A_182 = arith.constant 25 : i32
      %mul3A_183 = arith.constant 5.000000e-03 : f32
      %mul3A_184 = vector.broadcast %mul3A_183 : f32 to vector<16xf32>
      %mul3A_185 = arith.mulf %scan3A_181#0, %mul3A_184 : vector<16xf32>
      %swap3A_186 = arith.index_cast %add3A_174 : i32 to index
      %swap3A_187 = arith.constant 0 : index
      %swap3A_188 = tpu.vector_load %arg8[%swap3A_186, %swap3A_187] {strides = array<i32>} : memref<128x64xf32, #tpu.memory_space<vmem>>, vector<1x16xf32>,
      %swap3A_189 = vector.shape_cast %swap3A_188 : vector<1x16xf32> to vector<16xf32>
      %swap3A_190 = vector.shape_cast %mul3A_185 : vector<16xf32> to vector<1x16xf32>
      tpu.vector_store %arg8[%swap3A_186, %swap3A_187], %swap3A_190 {strides = array<i32>} : memref<128x64xf32, #tpu.memory_space<vmem>>, vector<1x16xf32>,
      %mul3A_191 = arith.constant 5.000000e-03 : f32
      %mul3A_192 = vector.broadcast %mul3A_191 : f32 to vector<16xf32>
      %mul3A_193 = arith.mulf %scan3A_181#1, %mul3A_192 : vector<16xf32>
      %swap3A_194 = arith.index_cast %add3A_174 : i32 to index
      %swap3A_195 = arith.constant 16 : index
      %swap3A_196 = tpu.vector_load %arg8[%swap3A_194, %swap3A_195] {strides = array<i32>} : memref<128x64xf32, #tpu.memory_space<vmem>>, vector<1x16xf32>,
      %swap3A_197 = vector.shape_cast %swap3A_196 : vector<1x16xf32> to vector<16xf32>
      %swap3A_198 = vector.shape_cast %mul3A_193 : vector<16xf32> to vector<1x16xf32>
      tpu.vector_store %arg8[%swap3A_194, %swap3A_195], %swap3A_198 {strides = array<i32>} : memref<128x64xf32, #tpu.memory_space<vmem>>, vector<1x16xf32>,
      %mul3A_199 = arith.constant 5.000000e-03 : f32
      %mul3A_200 = vector.broadcast %mul3A_199 : f32 to vector<16xf32>
      %mul3A_201 = arith.mulf %scan3A_181#2, %mul3A_200 : vector<16xf32>
      %swap3A_202 = arith.index_cast %add3A_174 : i32 to index
      %swap3A_203 = arith.constant 32 : index
      %swap3A_204 = tpu.vector_load %arg8[%swap3A_202, %swap3A_203] {strides = array<i32>} : memref<128x64xf32, #tpu.memory_space<vmem>>, vector<1x16xf32>,
      %swap3A_205 = vector.shape_cast %swap3A_204 : vector<1x16xf32> to vector<16xf32>
      %swap3A_206 = vector.shape_cast %mul3A_201 : vector<16xf32> to vector<1x16xf32>
      tpu.vector_store %arg8[%swap3A_202, %swap3A_203], %swap3A_206 {strides = array<i32>} : memref<128x64xf32, #tpu.memory_space<vmem>>, vector<1x16xf32>,
      %mul3A_207 = arith.constant 5.000000e-03 : f32
      %mul3A_208 = vector.broadcast %mul3A_207 : f32 to vector<16xf32>
      %mul3A_209 = arith.mulf %scan3A_181#3, %mul3A_208 : vector<16xf32>
      %swap3A_210 = arith.index_cast %add3A_174 : i32 to index
      %swap3A_211 = arith.constant 48 : index
      %swap3A_212 = tpu.vector_load %arg8[%swap3A_210, %swap3A_211] {strides = array<i32>} : memref<128x64xf32, #tpu.memory_space<vmem>>, vector<1x16xf32>,
      %swap3A_213 = vector.shape_cast %swap3A_212 : vector<1x16xf32> to vector<16xf32>
      %swap3A_214 = vector.shape_cast %mul3A_209 : vector<16xf32> to vector<1x16xf32>
      tpu.vector_store %arg8[%swap3A_210, %swap3A_211], %swap3A_214 {strides = array<i32>} : memref<128x64xf32, #tpu.memory_space<vmem>>, vector<1x16xf32>,
      %add3A_215 = arith.constant 3 : i32
      %add3A_216 = arith.addi %mul3A_119, %add3A_215 : i32
      %lt3A_217 = arith.constant 128 : i32
      %lt3A_218 = arith.cmpi slt, %add3A_216, %lt3A_217 : i32
      %convert_element_type3A_219 = arith.extui %lt3A_218 : i1 to i32
      %cond3A_220 = arith.constant 0 : i32
      %cond3A_221 = arith.cmpi ne, %convert_element_type3A_219, %cond3A_220 : i32
      scf.if %cond3A_221 {
        %add3A_222 = arith.constant 3 : i32
        %add3A_223 = arith.addi %mul3A_119, %add3A_222 : i32
        %dma_start3A_224 = arith.constant 0 : i32
        %dma_start3A_225 = arith.constant 0 : i32
        %dma_start3A_226 = arith.constant 0 : i32
        %dma_start3A_227 = tpu.memref_slice %arg7[%dma_start3A_225, %dma_start3A_226] : memref<200x64xf32, #tpu.memory_space<vmem>> -> memref<40x64xf32, #tpu.memory_space<vmem>>
        %dma_start3A_228 = arith.constant 0 : i32
        %dma_start3A_229 = tpu.memref_slice %arg5[%add3A_223, %dma_start3A_224, %dma_start3A_228] : memref<128x5x40xi32, #tpu.memory_space<vmem>> -> memref<1x1x40xi32, #tpu.memory_space<vmem>>
        %dma_start3A_230 = tpu.memref_squeeze %dma_start3A_229 : memref<1x1x40xi32, #tpu.memory_space<vmem>> -> memref<40xi32, #tpu.memory_space<vmem>>
        %dma_start3A_231 = arith.constant 0 : i32
        %dma_start3A_232 = arith.constant 0 : i32
        %dma_start3A_233 = tpu.memref_slice %arg3[%dma_start3A_231, %dma_start3A_232] : memref<100000x64xf32, #tpu.memory_space<hbm>> -> memref<100000x64xf32, #tpu.memory_space<hbm>>
        tpu.enqueue_indirect_dma source(%dma_start3A_233 : memref<100000x64xf32, #tpu.memory_space<hbm>>) target(%dma_start3A_227 : memref<40x64xf32, #tpu.memory_space<vmem>>) offsets(%dma_start3A_230 : memref<40xi32, #tpu.memory_space<vmem>>) semaphore(%arg10 : memref<!tpu.dma_semaphore, #tpu.memory_space<semaphore_mem>>)
        %dma_start3A_234 = arith.constant 1 : i32
        %dma_start3A_235 = arith.constant 40 : i32
        %dma_start3A_236 = arith.constant 0 : i32
        %dma_start3A_237 = tpu.memref_slice %arg7[%dma_start3A_235, %dma_start3A_236] : memref<200x64xf32, #tpu.memory_space<vmem>> -> memref<40x64xf32, #tpu.memory_space<vmem>>
        %dma_start3A_238 = arith.constant 0 : i32
        %dma_start3A_239 = tpu.memref_slice %arg5[%add3A_223, %dma_start3A_234, %dma_start3A_238] : memref<128x5x40xi32, #tpu.memory_space<vmem>> -> memref<1x1x40xi32, #tpu.memory_space<vmem>>
        %dma_start3A_240 = tpu.memref_squeeze %dma_start3A_239 : memref<1x1x40xi32, #tpu.memory_space<vmem>> -> memref<40xi32, #tpu.memory_space<vmem>>
        %dma_start3A_241 = arith.constant 0 : i32
        %dma_start3A_242 = arith.constant 0 : i32
        %dma_start3A_243 = tpu.memref_slice %arg3[%dma_start3A_241, %dma_start3A_242] : memref<100000x64xf32, #tpu.memory_space<hbm>> -> memref<100000x64xf32, #tpu.memory_space<hbm>>
        tpu.enqueue_indirect_dma source(%dma_start3A_243 : memref<100000x64xf32, #tpu.memory_space<hbm>>) target(%dma_start3A_237 : memref<40x64xf32, #tpu.memory_space<vmem>>) offsets(%dma_start3A_240 : memref<40xi32, #tpu.memory_space<vmem>>) semaphore(%arg10 : memref<!tpu.dma_semaphore, #tpu.memory_space<semaphore_mem>>)
        %dma_start3A_244 = arith.constant 2 : i32
        %dma_start3A_245 = arith.constant 80 : i32
        %dma_start3A_246 = arith.constant 0 : i32
        %dma_start3A_247 = tpu.memref_slice %arg7[%dma_start3A_245, %dma_start3A_246] : memref<200x64xf32, #tpu.memory_space<vmem>> -> memref<40x64xf32, #tpu.memory_space<vmem>>
        %dma_start3A_248 = arith.constant 0 : i32
        %dma_start3A_249 = tpu.memref_slice %arg5[%add3A_223, %dma_start3A_244, %dma_start3A_248] : memref<128x5x40xi32, #tpu.memory_space<vmem>> -> memref<1x1x40xi32, #tpu.memory_space<vmem>>
        %dma_start3A_250 = tpu.memref_squeeze %dma_start3A_249 : memref<1x1x40xi32, #tpu.memory_space<vmem>> -> memref<40xi32, #tpu.memory_space<vmem>>
        %dma_start3A_251 = arith.constant 0 : i32
        %dma_start3A_252 = arith.constant 0 : i32
        %dma_start3A_253 = tpu.memref_slice %arg3[%dma_start3A_251, %dma_start3A_252] : memref<100000x64xf32, #tpu.memory_space<hbm>> -> memref<100000x64xf32, #tpu.memory_space<hbm>>
        tpu.enqueue_indirect_dma source(%dma_start3A_253 : memref<100000x64xf32, #tpu.memory_space<hbm>>) target(%dma_start3A_247 : memref<40x64xf32, #tpu.memory_space<vmem>>) offsets(%dma_start3A_250 : memref<40xi32, #tpu.memory_space<vmem>>) semaphore(%arg10 : memref<!tpu.dma_semaphore, #tpu.memory_space<semaphore_mem>>)
        %dma_start3A_254 = arith.constant 3 : i32
        %dma_start3A_255 = arith.constant 120 : i32
        %dma_start3A_256 = arith.constant 0 : i32
        %dma_start3A_257 = tpu.memref_slice %arg7[%dma_start3A_255, %dma_start3A_256] : memref<200x64xf32, #tpu.memory_space<vmem>> -> memref<40x64xf32, #tpu.memory_space<vmem>>
        %dma_start3A_258 = arith.constant 0 : i32
        %dma_start3A_259 = tpu.memref_slice %arg5[%add3A_223, %dma_start3A_254, %dma_start3A_258] : memref<128x5x40xi32, #tpu.memory_space<vmem>> -> memref<1x1x40xi32, #tpu.memory_space<vmem>>
        %dma_start3A_260 = tpu.memref_squeeze %dma_start3A_259 : memref<1x1x40xi32, #tpu.memory_space<vmem>> -> memref<40xi32, #tpu.memory_space<vmem>>
        %dma_start3A_261 = arith.constant 0 : i32
        %dma_start3A_262 = arith.constant 0 : i32
        %dma_start3A_263 = tpu.memref_slice %arg3[%dma_start3A_261, %dma_start3A_262] : memref<100000x64xf32, #tpu.memory_space<hbm>> -> memref<100000x64xf32, #tpu.memory_space<hbm>>
        tpu.enqueue_indirect_dma source(%dma_start3A_263 : memref<100000x64xf32, #tpu.memory_space<hbm>>) target(%dma_start3A_257 : memref<40x64xf32, #tpu.memory_space<vmem>>) offsets(%dma_start3A_260 : memref<40xi32, #tpu.memory_space<vmem>>) semaphore(%arg10 : memref<!tpu.dma_semaphore, #tpu.memory_space<semaphore_mem>>)
        %dma_start3A_264 = arith.constant 4 : i32
        %dma_start3A_265 = arith.constant 160 : i32
        %dma_start3A_266 = arith.constant 0 : i32
        %dma_start3A_267 = tpu.memref_slice %arg7[%dma_start3A_265, %dma_start3A_266] : memref<200x64xf32, #tpu.memory_space<vmem>> -> memref<40x64xf32, #tpu.memory_space<vmem>>
        %dma_start3A_268 = arith.constant 0 : i32
        %dma_start3A_269 = tpu.memref_slice %arg5[%add3A_223, %dma_start3A_264, %dma_start3A_268] : memref<128x5x40xi32, #tpu.memory_space<vmem>> -> memref<1x1x40xi32, #tpu.memory_space<vmem>>
        %dma_start3A_270 = tpu.memref_squeeze %dma_start3A_269 : memref<1x1x40xi32, #tpu.memory_space<vmem>> -> memref<40xi32, #tpu.memory_space<vmem>>
        %dma_start3A_271 = arith.constant 0 : i32
        %dma_start3A_272 = arith.constant 0 : i32
        %dma_start3A_273 = tpu.memref_slice %arg3[%dma_start3A_271, %dma_start3A_272] : memref<100000x64xf32, #tpu.memory_space<hbm>> -> memref<100000x64xf32, #tpu.memory_space<hbm>>
        tpu.enqueue_indirect_dma source(%dma_start3A_273 : memref<100000x64xf32, #tpu.memory_space<hbm>>) target(%dma_start3A_267 : memref<40x64xf32, #tpu.memory_space<vmem>>) offsets(%dma_start3A_270 : memref<40xi32, #tpu.memory_space<vmem>>) semaphore(%arg10 : memref<!tpu.dma_semaphore, #tpu.memory_space<semaphore_mem>>)
      } else {
      }
    }
    %scan3A_116 = arith.constant 64 : i32
    "tpu.region"() ({
      %run_scoped3A = tpu.sem_alloc : memref<!tpu.dma_semaphore, #tpu.memory_space<semaphore_mem>>
      %dma_start3A_117 = arith.constant 0 : i32
      %dma_start3A_118 = tpu.memref_slice %arg4[%mul3A_2, %dma_start3A_117] : memref<4096x64xf32, #tpu.memory_space<hbm>> -> memref<128x64xf32, #tpu.memory_space<hbm>>
      %dma_start3A_119 = arith.constant 0 : i32
      %dma_start3A_120 = tpu.memref_slice %arg4[%mul3A_2, %dma_start3A_119] : memref<4096x64xf32, #tpu.memory_space<hbm>> -> memref<128x64xf32, #tpu.memory_space<hbm>>
      tpu.enqueue_dma source(%arg8 : memref<128x64xf32, #tpu.memory_space<vmem>>) target(%dma_start3A_120 : memref<128x64xf32, #tpu.memory_space<hbm>>) target_semaphore(%run_scoped3A : memref<!tpu.dma_semaphore, #tpu.memory_space<semaphore_mem>>)
      %dma_wait3A = arith.constant 0 : i32
      %dma_wait3A_121 = tpu.memref_slice %arg4[%mul3A_2, %dma_wait3A] : memref<4096x64xf32, #tpu.memory_space<hbm>> -> memref<128x64xf32, #tpu.memory_space<hbm>>
      %dma_wait3A_122 = arith.constant 0 : i32
      %dma_wait3A_123 = tpu.memref_slice %arg4[%mul3A_2, %dma_wait3A_122] : memref<4096x64xf32, #tpu.memory_space<hbm>> -> memref<128x64xf32, #tpu.memory_space<hbm>>
      tpu.wait_dma2 semaphore(%run_scoped3A : memref<!tpu.dma_semaphore, #tpu.memory_space<semaphore_mem>>) src(%arg8 : memref<128x64xf32, #tpu.memory_space<vmem>>) dst(%dma_wait3A_123 : memref<128x64xf32, #tpu.memory_space<hbm>>)
      tpu.yield
    }) : () -> ()
    return
  }
}

#map = affine_map<(d0, d1) -> (0, 0, 0)>
#map1 = affine_map<(d0, d1) -> (0, 0)>
module attributes {stable_mosaic.version = 14 : i64} {
  func.func @_pool(%arg0: i32, %arg1: i32, %arg2: memref<4096x5x40xi32, #tpu.memory_space<hbm>>, %arg3: memref<1000000x64xf32, #tpu.memory_space<hbm>>, %arg4: memref<4096x64xf32, #tpu.memory_space<hbm>>, %arg5: memref<128x5x40xi32, #tpu.memory_space<vmem>>, %arg6: memref<200x64xf32, #tpu.memory_space<vmem>>, %arg7: memref<200x64xf32, #tpu.memory_space<vmem>>, %arg8: memref<128x64xf32, #tpu.memory_space<vmem>>, %arg9: memref<!tpu.dma_semaphore, #tpu.memory_space<semaphore_mem>>, %arg10: memref<!tpu.dma_semaphore, #tpu.memory_space<semaphore_mem>>) attributes {dimension_semantics = [#tpu.dimension_semantics<core_parallel>, #tpu.dimension_semantics<subcore_parallel>], iteration_bounds = array<i64: 2, 16>, scalar_prefetch = 0 : i64, scratch_operands = 6 : i64, tpu.core_type = #tpu.core_type<sc_vector_subcore>, window_params = [{transform_indices = #map}, {transform_indices = #map1}, {transform_indices = #map1}]} {
    %mul3A = arith.constant 2 : i32
    %mul3A_0 = arith.muli %arg1, %mul3A : i32
    %add3A = arith.addi %mul3A_0, %arg0 : i32
    %mul3A_1 = arith.constant 128 : i32
    %mul3A_2 = arith.muli %add3A, %mul3A_1 : i32
    "tpu.region"() ({
      %run_scoped3A = tpu.sem_alloc : memref<!tpu.dma_semaphore, #tpu.memory_space<semaphore_mem>>
      %dma_start3A_117 = arith.constant 0 : i32
      %dma_start3A_118 = arith.constant 0 : i32
      %dma_start3A_119 = tpu.memref_slice %arg2[%mul3A_2, %dma_start3A_117, %dma_start3A_118] : memref<4096x5x40xi32, #tpu.memory_space<hbm>> -> memref<128x5x40xi32, #tpu.memory_space<hbm>>
      %dma_start3A_120 = arith.constant 0 : i32
      %dma_start3A_121 = arith.constant 0 : i32
      %dma_start3A_122 = tpu.memref_slice %arg2[%mul3A_2, %dma_start3A_120, %dma_start3A_121] : memref<4096x5x40xi32, #tpu.memory_space<hbm>> -> memref<128x5x40xi32, #tpu.memory_space<hbm>>
      tpu.enqueue_dma source(%dma_start3A_122 : memref<128x5x40xi32, #tpu.memory_space<hbm>>) target(%arg5 : memref<128x5x40xi32, #tpu.memory_space<vmem>>) target_semaphore(%run_scoped3A : memref<!tpu.dma_semaphore, #tpu.memory_space<semaphore_mem>>)
      %dma_wait3A = arith.constant 0 : i32
      %dma_wait3A_123 = arith.constant 0 : i32
      %dma_wait3A_124 = tpu.memref_slice %arg2[%mul3A_2, %dma_wait3A, %dma_wait3A_123] : memref<4096x5x40xi32, #tpu.memory_space<hbm>> -> memref<128x5x40xi32, #tpu.memory_space<hbm>>
      %dma_wait3A_125 = arith.constant 0 : i32
      %dma_wait3A_126 = arith.constant 0 : i32
      %dma_wait3A_127 = tpu.memref_slice %arg2[%mul3A_2, %dma_wait3A_125, %dma_wait3A_126] : memref<4096x5x40xi32, #tpu.memory_space<hbm>> -> memref<128x5x40xi32, #tpu.memory_space<hbm>>
      tpu.wait_dma2 semaphore(%run_scoped3A : memref<!tpu.dma_semaphore, #tpu.memory_space<semaphore_mem>>) src(%dma_wait3A_127 : memref<128x5x40xi32, #tpu.memory_space<hbm>>) dst(%arg5 : memref<128x5x40xi32, #tpu.memory_space<vmem>>)
      tpu.yield
    }) : () -> ()
    %dma_start3A = arith.constant 0 : i32
    %dma_start3A_3 = arith.constant 0 : i32
    %dma_start3A_4 = arith.constant 0 : i32
    %dma_start3A_5 = arith.constant 0 : i32
    %dma_start3A_6 = tpu.memref_slice %arg6[%dma_start3A_4, %dma_start3A_5] : memref<200x64xf32, #tpu.memory_space<vmem>> -> memref<40x64xf32, #tpu.memory_space<vmem>>
    %dma_start3A_7 = arith.constant 0 : i32
    %dma_start3A_8 = tpu.memref_slice %arg5[%dma_start3A, %dma_start3A_3, %dma_start3A_7] : memref<128x5x40xi32, #tpu.memory_space<vmem>> -> memref<1x1x40xi32, #tpu.memory_space<vmem>>
    %dma_start3A_9 = tpu.memref_squeeze %dma_start3A_8 : memref<1x1x40xi32, #tpu.memory_space<vmem>> -> memref<40xi32, #tpu.memory_space<vmem>>
    %dma_start3A_10 = arith.constant 0 : i32
    %dma_start3A_11 = arith.constant 0 : i32
    %dma_start3A_12 = tpu.memref_slice %arg3[%dma_start3A_10, %dma_start3A_11] : memref<1000000x64xf32, #tpu.memory_space<hbm>> -> memref<1000000x64xf32, #tpu.memory_space<hbm>>
    tpu.enqueue_indirect_dma source(%dma_start3A_12 : memref<1000000x64xf32, #tpu.memory_space<hbm>>) target(%dma_start3A_6 : memref<40x64xf32, #tpu.memory_space<vmem>>) offsets(%dma_start3A_9 : memref<40xi32, #tpu.memory_space<vmem>>) semaphore(%arg9 : memref<!tpu.dma_semaphore, #tpu.memory_space<semaphore_mem>>)
    %dma_start3A_13 = arith.constant 0 : i32
    %dma_start3A_14 = arith.constant 1 : i32
    %dma_start3A_15 = arith.constant 40 : i32
    %dma_start3A_16 = arith.constant 0 : i32
    %dma_start3A_17 = tpu.memref_slice %arg6[%dma_start3A_15, %dma_start3A_16] : memref<200x64xf32, #tpu.memory_space<vmem>> -> memref<40x64xf32, #tpu.memory_space<vmem>>
    %dma_start3A_18 = arith.constant 0 : i32
    %dma_start3A_19 = tpu.memref_slice %arg5[%dma_start3A_13, %dma_start3A_14, %dma_start3A_18] : memref<128x5x40xi32, #tpu.memory_space<vmem>> -> memref<1x1x40xi32, #tpu.memory_space<vmem>>
    %dma_start3A_20 = tpu.memref_squeeze %dma_start3A_19 : memref<1x1x40xi32, #tpu.memory_space<vmem>> -> memref<40xi32, #tpu.memory_space<vmem>>
    %dma_start3A_21 = arith.constant 0 : i32
    %dma_start3A_22 = arith.constant 0 : i32
    %dma_start3A_23 = tpu.memref_slice %arg3[%dma_start3A_21, %dma_start3A_22] : memref<1000000x64xf32, #tpu.memory_space<hbm>> -> memref<1000000x64xf32, #tpu.memory_space<hbm>>
    tpu.enqueue_indirect_dma source(%dma_start3A_23 : memref<1000000x64xf32, #tpu.memory_space<hbm>>) target(%dma_start3A_17 : memref<40x64xf32, #tpu.memory_space<vmem>>) offsets(%dma_start3A_20 : memref<40xi32, #tpu.memory_space<vmem>>) semaphore(%arg9 : memref<!tpu.dma_semaphore, #tpu.memory_space<semaphore_mem>>)
    %dma_start3A_24 = arith.constant 0 : i32
    %dma_start3A_25 = arith.constant 2 : i32
    %dma_start3A_26 = arith.constant 80 : i32
    %dma_start3A_27 = arith.constant 0 : i32
    %dma_start3A_28 = tpu.memref_slice %arg6[%dma_start3A_26, %dma_start3A_27] : memref<200x64xf32, #tpu.memory_space<vmem>> -> memref<40x64xf32, #tpu.memory_space<vmem>>
    %dma_start3A_29 = arith.constant 0 : i32
    %dma_start3A_30 = tpu.memref_slice %arg5[%dma_start3A_24, %dma_start3A_25, %dma_start3A_29] : memref<128x5x40xi32, #tpu.memory_space<vmem>> -> memref<1x1x40xi32, #tpu.memory_space<vmem>>
    %dma_start3A_31 = tpu.memref_squeeze %dma_start3A_30 : memref<1x1x40xi32, #tpu.memory_space<vmem>> -> memref<40xi32, #tpu.memory_space<vmem>>
    %dma_start3A_32 = arith.constant 0 : i32
    %dma_start3A_33 = arith.constant 0 : i32
    %dma_start3A_34 = tpu.memref_slice %arg3[%dma_start3A_32, %dma_start3A_33] : memref<1000000x64xf32, #tpu.memory_space<hbm>> -> memref<1000000x64xf32, #tpu.memory_space<hbm>>
    tpu.enqueue_indirect_dma source(%dma_start3A_34 : memref<1000000x64xf32, #tpu.memory_space<hbm>>) target(%dma_start3A_28 : memref<40x64xf32, #tpu.memory_space<vmem>>) offsets(%dma_start3A_31 : memref<40xi32, #tpu.memory_space<vmem>>) semaphore(%arg9 : memref<!tpu.dma_semaphore, #tpu.memory_space<semaphore_mem>>)
    %dma_start3A_35 = arith.constant 0 : i32
    %dma_start3A_36 = arith.constant 3 : i32
    %dma_start3A_37 = arith.constant 120 : i32
    %dma_start3A_38 = arith.constant 0 : i32
    %dma_start3A_39 = tpu.memref_slice %arg6[%dma_start3A_37, %dma_start3A_38] : memref<200x64xf32, #tpu.memory_space<vmem>> -> memref<40x64xf32, #tpu.memory_space<vmem>>
    %dma_start3A_40 = arith.constant 0 : i32
    %dma_start3A_41 = tpu.memref_slice %arg5[%dma_start3A_35, %dma_start3A_36, %dma_start3A_40] : memref<128x5x40xi32, #tpu.memory_space<vmem>> -> memref<1x1x40xi32, #tpu.memory_space<vmem>>
    %dma_start3A_42 = tpu.memref_squeeze %dma_start3A_41 : memref<1x1x40xi32, #tpu.memory_space<vmem>> -> memref<40xi32, #tpu.memory_space<vmem>>
    %dma_start3A_43 = arith.constant 0 : i32
    %dma_start3A_44 = arith.constant 0 : i32
    %dma_start3A_45 = tpu.memref_slice %arg3[%dma_start3A_43, %dma_start3A_44] : memref<1000000x64xf32, #tpu.memory_space<hbm>> -> memref<1000000x64xf32, #tpu.memory_space<hbm>>
    tpu.enqueue_indirect_dma source(%dma_start3A_45 : memref<1000000x64xf32, #tpu.memory_space<hbm>>) target(%dma_start3A_39 : memref<40x64xf32, #tpu.memory_space<vmem>>) offsets(%dma_start3A_42 : memref<40xi32, #tpu.memory_space<vmem>>) semaphore(%arg9 : memref<!tpu.dma_semaphore, #tpu.memory_space<semaphore_mem>>)
    %dma_start3A_46 = arith.constant 0 : i32
    %dma_start3A_47 = arith.constant 4 : i32
    %dma_start3A_48 = arith.constant 160 : i32
    %dma_start3A_49 = arith.constant 0 : i32
    %dma_start3A_50 = tpu.memref_slice %arg6[%dma_start3A_48, %dma_start3A_49] : memref<200x64xf32, #tpu.memory_space<vmem>> -> memref<40x64xf32, #tpu.memory_space<vmem>>
    %dma_start3A_51 = arith.constant 0 : i32
    %dma_start3A_52 = tpu.memref_slice %arg5[%dma_start3A_46, %dma_start3A_47, %dma_start3A_51] : memref<128x5x40xi32, #tpu.memory_space<vmem>> -> memref<1x1x40xi32, #tpu.memory_space<vmem>>
    %dma_start3A_53 = tpu.memref_squeeze %dma_start3A_52 : memref<1x1x40xi32, #tpu.memory_space<vmem>> -> memref<40xi32, #tpu.memory_space<vmem>>
    %dma_start3A_54 = arith.constant 0 : i32
    %dma_start3A_55 = arith.constant 0 : i32
    %dma_start3A_56 = tpu.memref_slice %arg3[%dma_start3A_54, %dma_start3A_55] : memref<1000000x64xf32, #tpu.memory_space<hbm>> -> memref<1000000x64xf32, #tpu.memory_space<hbm>>
    tpu.enqueue_indirect_dma source(%dma_start3A_56 : memref<1000000x64xf32, #tpu.memory_space<hbm>>) target(%dma_start3A_50 : memref<40x64xf32, #tpu.memory_space<vmem>>) offsets(%dma_start3A_53 : memref<40xi32, #tpu.memory_space<vmem>>) semaphore(%arg9 : memref<!tpu.dma_semaphore, #tpu.memory_space<semaphore_mem>>)
    %dma_start3A_57 = arith.constant 1 : i32
    %dma_start3A_58 = arith.constant 0 : i32
    %dma_start3A_59 = arith.constant 0 : i32
    %dma_start3A_60 = arith.constant 0 : i32
    %dma_start3A_61 = tpu.memref_slice %arg7[%dma_start3A_59, %dma_start3A_60] : memref<200x64xf32, #tpu.memory_space<vmem>> -> memref<40x64xf32, #tpu.memory_space<vmem>>
    %dma_start3A_62 = arith.constant 0 : i32
    %dma_start3A_63 = tpu.memref_slice %arg5[%dma_start3A_57, %dma_start3A_58, %dma_start3A_62] : memref<128x5x40xi32, #tpu.memory_space<vmem>> -> memref<1x1x40xi32, #tpu.memory_space<vmem>>
    %dma_start3A_64 = tpu.memref_squeeze %dma_start3A_63 : memref<1x1x40xi32, #tpu.memory_space<vmem>> -> memref<40xi32, #tpu.memory_space<vmem>>
    %dma_start3A_65 = arith.constant 0 : i32
    %dma_start3A_66 = arith.constant 0 : i32
    %dma_start3A_67 = tpu.memref_slice %arg3[%dma_start3A_65, %dma_start3A_66] : memref<1000000x64xf32, #tpu.memory_space<hbm>> -> memref<1000000x64xf32, #tpu.memory_space<hbm>>
    tpu.enqueue_indirect_dma source(%dma_start3A_67 : memref<1000000x64xf32, #tpu.memory_space<hbm>>) target(%dma_start3A_61 : memref<40x64xf32, #tpu.memory_space<vmem>>) offsets(%dma_start3A_64 : memref<40xi32, #tpu.memory_space<vmem>>) semaphore(%arg10 : memref<!tpu.dma_semaphore, #tpu.memory_space<semaphore_mem>>)
    %dma_start3A_68 = arith.constant 1 : i32
    %dma_start3A_69 = arith.constant 1 : i32
    %dma_start3A_70 = arith.constant 40 : i32
    %dma_start3A_71 = arith.constant 0 : i32
    %dma_start3A_72 = tpu.memref_slice %arg7[%dma_start3A_70, %dma_start3A_71] : memref<200x64xf32, #tpu.memory_space<vmem>> -> memref<40x64xf32, #tpu.memory_space<vmem>>
    %dma_start3A_73 = arith.constant 0 : i32
    %dma_start3A_74 = tpu.memref_slice %arg5[%dma_start3A_68, %dma_start3A_69, %dma_start3A_73] : memref<128x5x40xi32, #tpu.memory_space<vmem>> -> memref<1x1x40xi32, #tpu.memory_space<vmem>>
    %dma_start3A_75 = tpu.memref_squeeze %dma_start3A_74 : memref<1x1x40xi32, #tpu.memory_space<vmem>> -> memref<40xi32, #tpu.memory_space<vmem>>
    %dma_start3A_76 = arith.constant 0 : i32
    %dma_start3A_77 = arith.constant 0 : i32
    %dma_start3A_78 = tpu.memref_slice %arg3[%dma_start3A_76, %dma_start3A_77] : memref<1000000x64xf32, #tpu.memory_space<hbm>> -> memref<1000000x64xf32, #tpu.memory_space<hbm>>
    tpu.enqueue_indirect_dma source(%dma_start3A_78 : memref<1000000x64xf32, #tpu.memory_space<hbm>>) target(%dma_start3A_72 : memref<40x64xf32, #tpu.memory_space<vmem>>) offsets(%dma_start3A_75 : memref<40xi32, #tpu.memory_space<vmem>>) semaphore(%arg10 : memref<!tpu.dma_semaphore, #tpu.memory_space<semaphore_mem>>)
    %dma_start3A_79 = arith.constant 1 : i32
    %dma_start3A_80 = arith.constant 2 : i32
    %dma_start3A_81 = arith.constant 80 : i32
    %dma_start3A_82 = arith.constant 0 : i32
    %dma_start3A_83 = tpu.memref_slice %arg7[%dma_start3A_81, %dma_start3A_82] : memref<200x64xf32, #tpu.memory_space<vmem>> -> memref<40x64xf32, #tpu.memory_space<vmem>>
    %dma_start3A_84 = arith.constant 0 : i32
    %dma_start3A_85 = tpu.memref_slice %arg5[%dma_start3A_79, %dma_start3A_80, %dma_start3A_84] : memref<128x5x40xi32, #tpu.memory_space<vmem>> -> memref<1x1x40xi32, #tpu.memory_space<vmem>>
    %dma_start3A_86 = tpu.memref_squeeze %dma_start3A_85 : memref<1x1x40xi32, #tpu.memory_space<vmem>> -> memref<40xi32, #tpu.memory_space<vmem>>
    %dma_start3A_87 = arith.constant 0 : i32
    %dma_start3A_88 = arith.constant 0 : i32
    %dma_start3A_89 = tpu.memref_slice %arg3[%dma_start3A_87, %dma_start3A_88] : memref<1000000x64xf32, #tpu.memory_space<hbm>> -> memref<1000000x64xf32, #tpu.memory_space<hbm>>
    tpu.enqueue_indirect_dma source(%dma_start3A_89 : memref<1000000x64xf32, #tpu.memory_space<hbm>>) target(%dma_start3A_83 : memref<40x64xf32, #tpu.memory_space<vmem>>) offsets(%dma_start3A_86 : memref<40xi32, #tpu.memory_space<vmem>>) semaphore(%arg10 : memref<!tpu.dma_semaphore, #tpu.memory_space<semaphore_mem>>)
    %dma_start3A_90 = arith.constant 1 : i32
    %dma_start3A_91 = arith.constant 3 : i32
    %dma_start3A_92 = arith.constant 120 : i32
    %dma_start3A_93 = arith.constant 0 : i32
    %dma_start3A_94 = tpu.memref_slice %arg7[%dma_start3A_92, %dma_start3A_93] : memref<200x64xf32, #tpu.memory_space<vmem>> -> memref<40x64xf32, #tpu.memory_space<vmem>>
    %dma_start3A_95 = arith.constant 0 : i32
    %dma_start3A_96 = tpu.memref_slice %arg5[%dma_start3A_90, %dma_start3A_91, %dma_start3A_95] : memref<128x5x40xi32, #tpu.memory_space<vmem>> -> memref<1x1x40xi32, #tpu.memory_space<vmem>>
    %dma_start3A_97 = tpu.memref_squeeze %dma_start3A_96 : memref<1x1x40xi32, #tpu.memory_space<vmem>> -> memref<40xi32, #tpu.memory_space<vmem>>
    %dma_start3A_98 = arith.constant 0 : i32
    %dma_start3A_99 = arith.constant 0 : i32
    %dma_start3A_100 = tpu.memref_slice %arg3[%dma_start3A_98, %dma_start3A_99] : memref<1000000x64xf32, #tpu.memory_space<hbm>> -> memref<1000000x64xf32, #tpu.memory_space<hbm>>
    tpu.enqueue_indirect_dma source(%dma_start3A_100 : memref<1000000x64xf32, #tpu.memory_space<hbm>>) target(%dma_start3A_94 : memref<40x64xf32, #tpu.memory_space<vmem>>) offsets(%dma_start3A_97 : memref<40xi32, #tpu.memory_space<vmem>>) semaphore(%arg10 : memref<!tpu.dma_semaphore, #tpu.memory_space<semaphore_mem>>)
    %dma_start3A_101 = arith.constant 1 : i32
    %dma_start3A_102 = arith.constant 4 : i32
    %dma_start3A_103 = arith.constant 160 : i32
    %dma_start3A_104 = arith.constant 0 : i32
    %dma_start3A_105 = tpu.memref_slice %arg7[%dma_start3A_103, %dma_start3A_104] : memref<200x64xf32, #tpu.memory_space<vmem>> -> memref<40x64xf32, #tpu.memory_space<vmem>>
    %dma_start3A_106 = arith.constant 0 : i32
    %dma_start3A_107 = tpu.memref_slice %arg5[%dma_start3A_101, %dma_start3A_102, %dma_start3A_106] : memref<128x5x40xi32, #tpu.memory_space<vmem>> -> memref<1x1x40xi32, #tpu.memory_space<vmem>>
    %dma_start3A_108 = tpu.memref_squeeze %dma_start3A_107 : memref<1x1x40xi32, #tpu.memory_space<vmem>> -> memref<40xi32, #tpu.memory_space<vmem>>
    %dma_start3A_109 = arith.constant 0 : i32
    %dma_start3A_110 = arith.constant 0 : i32
    %dma_start3A_111 = tpu.memref_slice %arg3[%dma_start3A_109, %dma_start3A_110] : memref<1000000x64xf32, #tpu.memory_space<hbm>> -> memref<1000000x64xf32, #tpu.memory_space<hbm>>
    tpu.enqueue_indirect_dma source(%dma_start3A_111 : memref<1000000x64xf32, #tpu.memory_space<hbm>>) target(%dma_start3A_105 : memref<40x64xf32, #tpu.memory_space<vmem>>) offsets(%dma_start3A_108 : memref<40xi32, #tpu.memory_space<vmem>>) semaphore(%arg10 : memref<!tpu.dma_semaphore, #tpu.memory_space<semaphore_mem>>)
    %scan3A = arith.constant 0 : i32
    %scan3A_112 = arith.constant 0 : i32
    %scan3A_113 = arith.constant 64 : i32
    %scan3A_114 = arith.addi %scan3A_112, %scan3A_113 : i32
    %scan3A_115 = arith.constant 1 : i32
    scf.for %scan3A_117 = %scan3A_112 to %scan3A_114 step %scan3A_115  : i32 {
      %mul3A_118 = arith.constant 2 : i32
      %mul3A_119 = arith.muli %mul3A_118, %scan3A_117 : i32
      %dma_wait3A = arith.constant 0 : i32
      %dma_wait3A_120 = arith.constant 0 : i32
      %dma_wait3A_121 = tpu.memref_slice %arg3[%dma_wait3A, %dma_wait3A_120] : memref<1000000x64xf32, #tpu.memory_space<hbm>> -> memref<200x64xf32, #tpu.memory_space<hbm>>
      %dma_wait3A_122 = arith.constant 0 : i32
      %dma_wait3A_123 = arith.constant 0 : i32
      %dma_wait3A_124 = tpu.memref_slice %arg3[%dma_wait3A_122, %dma_wait3A_123] : memref<1000000x64xf32, #tpu.memory_space<hbm>> -> memref<200x64xf32, #tpu.memory_space<hbm>>
      tpu.wait_dma2 semaphore(%arg9 : memref<!tpu.dma_semaphore, #tpu.memory_space<semaphore_mem>>) src(%dma_wait3A_124 : memref<200x64xf32, #tpu.memory_space<hbm>>) dst(%arg6 : memref<200x64xf32, #tpu.memory_space<vmem>>)
      %broadcast_in_dim3A = arith.constant 0.000000e+00 : f32
      %broadcast_in_dim3A_125 = vector.broadcast %broadcast_in_dim3A : f32 to vector<16xf32>
      %scan3A_126 = arith.constant 0 : i32
      %scan3A_127 = arith.constant 25 : i32
      %scan3A_128 = arith.addi %scan3A_126, %scan3A_127 : i32
      %scan3A_129 = arith.constant 1 : i32
      %scan3A_130:4 = scf.for %scan3A_222 = %scan3A_126 to %scan3A_128 step %scan3A_129 iter_args(%scan3A_223 = %broadcast_in_dim3A_125, %scan3A_224 = %broadcast_in_dim3A_125, %scan3A_225 = %broadcast_in_dim3A_125, %scan3A_226 = %broadcast_in_dim3A_125) -> (vector<16xf32>, vector<16xf32>, vector<16xf32>, vector<16xf32>)  : i32 {
        %mul3A_227 = arith.constant 8 : i32
        %mul3A_228 = arith.muli %scan3A_222, %mul3A_227 : i32
        %add3A_229 = arith.constant 0 : i32
        %add3A_230 = arith.addi %mul3A_228, %add3A_229 : i32
        %get3A = arith.index_cast %add3A_230 : i32 to index
        %get3A_231 = arith.constant 0 : index
        %get3A_232 = tpu.vector_load %arg6[%get3A, %get3A_231] {strides = array<i32>} : memref<200x64xf32, #tpu.memory_space<vmem>>, vector<1x16xf32>,
        %get3A_233 = vector.shape_cast %get3A_232 : vector<1x16xf32> to vector<16xf32>
        %add3A_234 = arith.constant 0 : i32
        %add3A_235 = arith.addi %mul3A_228, %add3A_234 : i32
        %get3A_236 = arith.index_cast %add3A_235 : i32 to index
        %get3A_237 = arith.constant 16 : index
        %get3A_238 = tpu.vector_load %arg6[%get3A_236, %get3A_237] {strides = array<i32>} : memref<200x64xf32, #tpu.memory_space<vmem>>, vector<1x16xf32>,
        %get3A_239 = vector.shape_cast %get3A_238 : vector<1x16xf32> to vector<16xf32>
        %add3A_240 = arith.constant 0 : i32
        %add3A_241 = arith.addi %mul3A_228, %add3A_240 : i32
        %get3A_242 = arith.index_cast %add3A_241 : i32 to index
        %get3A_243 = arith.constant 32 : index
        %get3A_244 = tpu.vector_load %arg6[%get3A_242, %get3A_243] {strides = array<i32>} : memref<200x64xf32, #tpu.memory_space<vmem>>, vector<1x16xf32>,
        %get3A_245 = vector.shape_cast %get3A_244 : vector<1x16xf32> to vector<16xf32>
        %add3A_246 = arith.constant 0 : i32
        %add3A_247 = arith.addi %mul3A_228, %add3A_246 : i32
        %get3A_248 = arith.index_cast %add3A_247 : i32 to index
        %get3A_249 = arith.constant 48 : index
        %get3A_250 = tpu.vector_load %arg6[%get3A_248, %get3A_249] {strides = array<i32>} : memref<200x64xf32, #tpu.memory_space<vmem>>, vector<1x16xf32>,
        %get3A_251 = vector.shape_cast %get3A_250 : vector<1x16xf32> to vector<16xf32>
        %add3A_252 = arith.constant 1 : i32
        %add3A_253 = arith.addi %mul3A_228, %add3A_252 : i32
        %get3A_254 = arith.index_cast %add3A_253 : i32 to index
        %get3A_255 = arith.constant 0 : index
        %get3A_256 = tpu.vector_load %arg6[%get3A_254, %get3A_255] {strides = array<i32>} : memref<200x64xf32, #tpu.memory_space<vmem>>, vector<1x16xf32>,
        %get3A_257 = vector.shape_cast %get3A_256 : vector<1x16xf32> to vector<16xf32>
        %add3A_258 = arith.constant 1 : i32
        %add3A_259 = arith.addi %mul3A_228, %add3A_258 : i32
        %get3A_260 = arith.index_cast %add3A_259 : i32 to index
        %get3A_261 = arith.constant 16 : index
        %get3A_262 = tpu.vector_load %arg6[%get3A_260, %get3A_261] {strides = array<i32>} : memref<200x64xf32, #tpu.memory_space<vmem>>, vector<1x16xf32>,
        %get3A_263 = vector.shape_cast %get3A_262 : vector<1x16xf32> to vector<16xf32>
        %add3A_264 = arith.constant 1 : i32
        %add3A_265 = arith.addi %mul3A_228, %add3A_264 : i32
        %get3A_266 = arith.index_cast %add3A_265 : i32 to index
        %get3A_267 = arith.constant 32 : index
        %get3A_268 = tpu.vector_load %arg6[%get3A_266, %get3A_267] {strides = array<i32>} : memref<200x64xf32, #tpu.memory_space<vmem>>, vector<1x16xf32>,
        %get3A_269 = vector.shape_cast %get3A_268 : vector<1x16xf32> to vector<16xf32>
        %add3A_270 = arith.constant 1 : i32
        %add3A_271 = arith.addi %mul3A_228, %add3A_270 : i32
        %get3A_272 = arith.index_cast %add3A_271 : i32 to index
        %get3A_273 = arith.constant 48 : index
        %get3A_274 = tpu.vector_load %arg6[%get3A_272, %get3A_273] {strides = array<i32>} : memref<200x64xf32, #tpu.memory_space<vmem>>, vector<1x16xf32>,
        %get3A_275 = vector.shape_cast %get3A_274 : vector<1x16xf32> to vector<16xf32>
        %add3A_276 = arith.constant 2 : i32
        %add3A_277 = arith.addi %mul3A_228, %add3A_276 : i32
        %get3A_278 = arith.index_cast %add3A_277 : i32 to index
        %get3A_279 = arith.constant 0 : index
        %get3A_280 = tpu.vector_load %arg6[%get3A_278, %get3A_279] {strides = array<i32>} : memref<200x64xf32, #tpu.memory_space<vmem>>, vector<1x16xf32>,
        %get3A_281 = vector.shape_cast %get3A_280 : vector<1x16xf32> to vector<16xf32>
        %add3A_282 = arith.constant 2 : i32
        %add3A_283 = arith.addi %mul3A_228, %add3A_282 : i32
        %get3A_284 = arith.index_cast %add3A_283 : i32 to index
        %get3A_285 = arith.constant 16 : index
        %get3A_286 = tpu.vector_load %arg6[%get3A_284, %get3A_285] {strides = array<i32>} : memref<200x64xf32, #tpu.memory_space<vmem>>, vector<1x16xf32>,
        %get3A_287 = vector.shape_cast %get3A_286 : vector<1x16xf32> to vector<16xf32>
        %add3A_288 = arith.constant 2 : i32
        %add3A_289 = arith.addi %mul3A_228, %add3A_288 : i32
        %get3A_290 = arith.index_cast %add3A_289 : i32 to index
        %get3A_291 = arith.constant 32 : index
        %get3A_292 = tpu.vector_load %arg6[%get3A_290, %get3A_291] {strides = array<i32>} : memref<200x64xf32, #tpu.memory_space<vmem>>, vector<1x16xf32>,
        %get3A_293 = vector.shape_cast %get3A_292 : vector<1x16xf32> to vector<16xf32>
        %add3A_294 = arith.constant 2 : i32
        %add3A_295 = arith.addi %mul3A_228, %add3A_294 : i32
        %get3A_296 = arith.index_cast %add3A_295 : i32 to index
        %get3A_297 = arith.constant 48 : index
        %get3A_298 = tpu.vector_load %arg6[%get3A_296, %get3A_297] {strides = array<i32>} : memref<200x64xf32, #tpu.memory_space<vmem>>, vector<1x16xf32>,
        %get3A_299 = vector.shape_cast %get3A_298 : vector<1x16xf32> to vector<16xf32>
        %add3A_300 = arith.constant 3 : i32
        %add3A_301 = arith.addi %mul3A_228, %add3A_300 : i32
        %get3A_302 = arith.index_cast %add3A_301 : i32 to index
        %get3A_303 = arith.constant 0 : index
        %get3A_304 = tpu.vector_load %arg6[%get3A_302, %get3A_303] {strides = array<i32>} : memref<200x64xf32, #tpu.memory_space<vmem>>, vector<1x16xf32>,
        %get3A_305 = vector.shape_cast %get3A_304 : vector<1x16xf32> to vector<16xf32>
        %add3A_306 = arith.constant 3 : i32
        %add3A_307 = arith.addi %mul3A_228, %add3A_306 : i32
        %get3A_308 = arith.index_cast %add3A_307 : i32 to index
        %get3A_309 = arith.constant 16 : index
        %get3A_310 = tpu.vector_load %arg6[%get3A_308, %get3A_309] {strides = array<i32>} : memref<200x64xf32, #tpu.memory_space<vmem>>, vector<1x16xf32>,
        %get3A_311 = vector.shape_cast %get3A_310 : vector<1x16xf32> to vector<16xf32>
        %add3A_312 = arith.constant 3 : i32
        %add3A_313 = arith.addi %mul3A_228, %add3A_312 : i32
        %get3A_314 = arith.index_cast %add3A_313 : i32 to index
        %get3A_315 = arith.constant 32 : index
        %get3A_316 = tpu.vector_load %arg6[%get3A_314, %get3A_315] {strides = array<i32>} : memref<200x64xf32, #tpu.memory_space<vmem>>, vector<1x16xf32>,
        %get3A_317 = vector.shape_cast %get3A_316 : vector<1x16xf32> to vector<16xf32>
        %add3A_318 = arith.constant 3 : i32
        %add3A_319 = arith.addi %mul3A_228, %add3A_318 : i32
        %get3A_320 = arith.index_cast %add3A_319 : i32 to index
        %get3A_321 = arith.constant 48 : index
        %get3A_322 = tpu.vector_load %arg6[%get3A_320, %get3A_321] {strides = array<i32>} : memref<200x64xf32, #tpu.memory_space<vmem>>, vector<1x16xf32>,
        %get3A_323 = vector.shape_cast %get3A_322 : vector<1x16xf32> to vector<16xf32>
        %add3A_324 = arith.constant 4 : i32
        %add3A_325 = arith.addi %mul3A_228, %add3A_324 : i32
        %get3A_326 = arith.index_cast %add3A_325 : i32 to index
        %get3A_327 = arith.constant 0 : index
        %get3A_328 = tpu.vector_load %arg6[%get3A_326, %get3A_327] {strides = array<i32>} : memref<200x64xf32, #tpu.memory_space<vmem>>, vector<1x16xf32>,
        %get3A_329 = vector.shape_cast %get3A_328 : vector<1x16xf32> to vector<16xf32>
        %add3A_330 = arith.constant 4 : i32
        %add3A_331 = arith.addi %mul3A_228, %add3A_330 : i32
        %get3A_332 = arith.index_cast %add3A_331 : i32 to index
        %get3A_333 = arith.constant 16 : index
        %get3A_334 = tpu.vector_load %arg6[%get3A_332, %get3A_333] {strides = array<i32>} : memref<200x64xf32, #tpu.memory_space<vmem>>, vector<1x16xf32>,
        %get3A_335 = vector.shape_cast %get3A_334 : vector<1x16xf32> to vector<16xf32>
        %add3A_336 = arith.constant 4 : i32
        %add3A_337 = arith.addi %mul3A_228, %add3A_336 : i32
        %get3A_338 = arith.index_cast %add3A_337 : i32 to index
        %get3A_339 = arith.constant 32 : index
        %get3A_340 = tpu.vector_load %arg6[%get3A_338, %get3A_339] {strides = array<i32>} : memref<200x64xf32, #tpu.memory_space<vmem>>, vector<1x16xf32>,
        %get3A_341 = vector.shape_cast %get3A_340 : vector<1x16xf32> to vector<16xf32>
        %add3A_342 = arith.constant 4 : i32
        %add3A_343 = arith.addi %mul3A_228, %add3A_342 : i32
        %get3A_344 = arith.index_cast %add3A_343 : i32 to index
        %get3A_345 = arith.constant 48 : index
        %get3A_346 = tpu.vector_load %arg6[%get3A_344, %get3A_345] {strides = array<i32>} : memref<200x64xf32, #tpu.memory_space<vmem>>, vector<1x16xf32>,
        %get3A_347 = vector.shape_cast %get3A_346 : vector<1x16xf32> to vector<16xf32>
        %add3A_348 = arith.constant 5 : i32
        %add3A_349 = arith.addi %mul3A_228, %add3A_348 : i32
        %get3A_350 = arith.index_cast %add3A_349 : i32 to index
        %get3A_351 = arith.constant 0 : index
        %get3A_352 = tpu.vector_load %arg6[%get3A_350, %get3A_351] {strides = array<i32>} : memref<200x64xf32, #tpu.memory_space<vmem>>, vector<1x16xf32>,
        %get3A_353 = vector.shape_cast %get3A_352 : vector<1x16xf32> to vector<16xf32>
        %add3A_354 = arith.constant 5 : i32
        %add3A_355 = arith.addi %mul3A_228, %add3A_354 : i32
        %get3A_356 = arith.index_cast %add3A_355 : i32 to index
        %get3A_357 = arith.constant 16 : index
        %get3A_358 = tpu.vector_load %arg6[%get3A_356, %get3A_357] {strides = array<i32>} : memref<200x64xf32, #tpu.memory_space<vmem>>, vector<1x16xf32>,
        %get3A_359 = vector.shape_cast %get3A_358 : vector<1x16xf32> to vector<16xf32>
        %add3A_360 = arith.constant 5 : i32
        %add3A_361 = arith.addi %mul3A_228, %add3A_360 : i32
        %get3A_362 = arith.index_cast %add3A_361 : i32 to index
        %get3A_363 = arith.constant 32 : index
        %get3A_364 = tpu.vector_load %arg6[%get3A_362, %get3A_363] {strides = array<i32>} : memref<200x64xf32, #tpu.memory_space<vmem>>, vector<1x16xf32>,
        %get3A_365 = vector.shape_cast %get3A_364 : vector<1x16xf32> to vector<16xf32>
        %add3A_366 = arith.constant 5 : i32
        %add3A_367 = arith.addi %mul3A_228, %add3A_366 : i32
        %get3A_368 = arith.index_cast %add3A_367 : i32 to index
        %get3A_369 = arith.constant 48 : index
        %get3A_370 = tpu.vector_load %arg6[%get3A_368, %get3A_369] {strides = array<i32>} : memref<200x64xf32, #tpu.memory_space<vmem>>, vector<1x16xf32>,
        %get3A_371 = vector.shape_cast %get3A_370 : vector<1x16xf32> to vector<16xf32>
        %add3A_372 = arith.constant 6 : i32
        %add3A_373 = arith.addi %mul3A_228, %add3A_372 : i32
        %get3A_374 = arith.index_cast %add3A_373 : i32 to index
        %get3A_375 = arith.constant 0 : index
        %get3A_376 = tpu.vector_load %arg6[%get3A_374, %get3A_375] {strides = array<i32>} : memref<200x64xf32, #tpu.memory_space<vmem>>, vector<1x16xf32>,
        %get3A_377 = vector.shape_cast %get3A_376 : vector<1x16xf32> to vector<16xf32>
        %add3A_378 = arith.constant 6 : i32
        %add3A_379 = arith.addi %mul3A_228, %add3A_378 : i32
        %get3A_380 = arith.index_cast %add3A_379 : i32 to index
        %get3A_381 = arith.constant 16 : index
        %get3A_382 = tpu.vector_load %arg6[%get3A_380, %get3A_381] {strides = array<i32>} : memref<200x64xf32, #tpu.memory_space<vmem>>, vector<1x16xf32>,
        %get3A_383 = vector.shape_cast %get3A_382 : vector<1x16xf32> to vector<16xf32>
        %add3A_384 = arith.constant 6 : i32
        %add3A_385 = arith.addi %mul3A_228, %add3A_384 : i32
        %get3A_386 = arith.index_cast %add3A_385 : i32 to index
        %get3A_387 = arith.constant 32 : index
        %get3A_388 = tpu.vector_load %arg6[%get3A_386, %get3A_387] {strides = array<i32>} : memref<200x64xf32, #tpu.memory_space<vmem>>, vector<1x16xf32>,
        %get3A_389 = vector.shape_cast %get3A_388 : vector<1x16xf32> to vector<16xf32>
        %add3A_390 = arith.constant 6 : i32
        %add3A_391 = arith.addi %mul3A_228, %add3A_390 : i32
        %get3A_392 = arith.index_cast %add3A_391 : i32 to index
        %get3A_393 = arith.constant 48 : index
        %get3A_394 = tpu.vector_load %arg6[%get3A_392, %get3A_393] {strides = array<i32>} : memref<200x64xf32, #tpu.memory_space<vmem>>, vector<1x16xf32>,
        %get3A_395 = vector.shape_cast %get3A_394 : vector<1x16xf32> to vector<16xf32>
        %add3A_396 = arith.constant 7 : i32
        %add3A_397 = arith.addi %mul3A_228, %add3A_396 : i32
        %get3A_398 = arith.index_cast %add3A_397 : i32 to index
        %get3A_399 = arith.constant 0 : index
        %get3A_400 = tpu.vector_load %arg6[%get3A_398, %get3A_399] {strides = array<i32>} : memref<200x64xf32, #tpu.memory_space<vmem>>, vector<1x16xf32>,
        %get3A_401 = vector.shape_cast %get3A_400 : vector<1x16xf32> to vector<16xf32>
        %add3A_402 = arith.constant 7 : i32
        %add3A_403 = arith.addi %mul3A_228, %add3A_402 : i32
        %get3A_404 = arith.index_cast %add3A_403 : i32 to index
        %get3A_405 = arith.constant 16 : index
        %get3A_406 = tpu.vector_load %arg6[%get3A_404, %get3A_405] {strides = array<i32>} : memref<200x64xf32, #tpu.memory_space<vmem>>, vector<1x16xf32>,
        %get3A_407 = vector.shape_cast %get3A_406 : vector<1x16xf32> to vector<16xf32>
        %add3A_408 = arith.constant 7 : i32
        %add3A_409 = arith.addi %mul3A_228, %add3A_408 : i32
        %get3A_410 = arith.index_cast %add3A_409 : i32 to index
        %get3A_411 = arith.constant 32 : index
        %get3A_412 = tpu.vector_load %arg6[%get3A_410, %get3A_411] {strides = array<i32>} : memref<200x64xf32, #tpu.memory_space<vmem>>, vector<1x16xf32>,
        %get3A_413 = vector.shape_cast %get3A_412 : vector<1x16xf32> to vector<16xf32>
        %add3A_414 = arith.constant 7 : i32
        %add3A_415 = arith.addi %mul3A_228, %add3A_414 : i32
        %get3A_416 = arith.index_cast %add3A_415 : i32 to index
        %get3A_417 = arith.constant 48 : index
        %get3A_418 = tpu.vector_load %arg6[%get3A_416, %get3A_417] {strides = array<i32>} : memref<200x64xf32, #tpu.memory_space<vmem>>, vector<1x16xf32>,
        %get3A_419 = vector.shape_cast %get3A_418 : vector<1x16xf32> to vector<16xf32>
        %add3A_420 = arith.addf %get3A_233, %get3A_257 : vector<16xf32>
        %add3A_421 = arith.addf %get3A_281, %get3A_305 : vector<16xf32>
        %add3A_422 = arith.addf %add3A_420, %add3A_421 : vector<16xf32>
        %add3A_423 = arith.addf %get3A_329, %get3A_353 : vector<16xf32>
        %add3A_424 = arith.addf %get3A_377, %get3A_401 : vector<16xf32>
        %add3A_425 = arith.addf %add3A_423, %add3A_424 : vector<16xf32>
        %add3A_426 = arith.addf %add3A_422, %add3A_425 : vector<16xf32>
        %add3A_427 = arith.addf %scan3A_223, %add3A_426 : vector<16xf32>
        %add3A_428 = arith.addf %get3A_239, %get3A_263 : vector<16xf32>
        %add3A_429 = arith.addf %get3A_287, %get3A_311 : vector<16xf32>
        %add3A_430 = arith.addf %add3A_428, %add3A_429 : vector<16xf32>
        %add3A_431 = arith.addf %get3A_335, %get3A_359 : vector<16xf32>
        %add3A_432 = arith.addf %get3A_383, %get3A_407 : vector<16xf32>
        %add3A_433 = arith.addf %add3A_431, %add3A_432 : vector<16xf32>
        %add3A_434 = arith.addf %add3A_430, %add3A_433 : vector<16xf32>
        %add3A_435 = arith.addf %scan3A_224, %add3A_434 : vector<16xf32>
        %add3A_436 = arith.addf %get3A_245, %get3A_269 : vector<16xf32>
        %add3A_437 = arith.addf %get3A_293, %get3A_317 : vector<16xf32>
        %add3A_438 = arith.addf %add3A_436, %add3A_437 : vector<16xf32>
        %add3A_439 = arith.addf %get3A_341, %get3A_365 : vector<16xf32>
        %add3A_440 = arith.addf %get3A_389, %get3A_413 : vector<16xf32>
        %add3A_441 = arith.addf %add3A_439, %add3A_440 : vector<16xf32>
        %add3A_442 = arith.addf %add3A_438, %add3A_441 : vector<16xf32>
        %add3A_443 = arith.addf %scan3A_225, %add3A_442 : vector<16xf32>
        %add3A_444 = arith.addf %get3A_251, %get3A_275 : vector<16xf32>
        %add3A_445 = arith.addf %get3A_299, %get3A_323 : vector<16xf32>
        %add3A_446 = arith.addf %add3A_444, %add3A_445 : vector<16xf32>
        %add3A_447 = arith.addf %get3A_347, %get3A_371 : vector<16xf32>
        %add3A_448 = arith.addf %get3A_395, %get3A_419 : vector<16xf32>
        %add3A_449 = arith.addf %add3A_447, %add3A_448 : vector<16xf32>
        %add3A_450 = arith.addf %add3A_446, %add3A_449 : vector<16xf32>
        %add3A_451 = arith.addf %scan3A_226, %add3A_450 : vector<16xf32>
        scf.yield %add3A_427, %add3A_435, %add3A_443, %add3A_451 : vector<16xf32>, vector<16xf32>, vector<16xf32>, vector<16xf32>
      }
      %scan3A_131 = arith.constant 25 : i32
      %mul3A_132 = arith.constant 5.000000e-03 : f32
      %mul3A_133 = vector.broadcast %mul3A_132 : f32 to vector<16xf32>
      %mul3A_134 = arith.mulf %scan3A_130#0, %mul3A_133 : vector<16xf32>
      %swap3A = arith.index_cast %mul3A_119 : i32 to index
      %swap3A_135 = arith.constant 0 : index
      %swap3A_136 = tpu.vector_load %arg8[%swap3A, %swap3A_135] {strides = array<i32>} : memref<128x64xf32, #tpu.memory_space<vmem>>, vector<1x16xf32>,
      %swap3A_137 = vector.shape_cast %swap3A_136 : vector<1x16xf32> to vector<16xf32>
      %swap3A_138 = vector.shape_cast %mul3A_134 : vector<16xf32> to vector<1x16xf32>
      tpu.vector_store %arg8[%swap3A, %swap3A_135], %swap3A_138 {strides = array<i32>} : memref<128x64xf32, #tpu.memory_space<vmem>>, vector<1x16xf32>,
      %mul3A_139 = arith.constant 5.000000e-03 : f32
      %mul3A_140 = vector.broadcast %mul3A_139 : f32 to vector<16xf32>
      %mul3A_141 = arith.mulf %scan3A_130#1, %mul3A_140 : vector<16xf32>
      %swap3A_142 = arith.index_cast %mul3A_119 : i32 to index
      %swap3A_143 = arith.constant 16 : index
      %swap3A_144 = tpu.vector_load %arg8[%swap3A_142, %swap3A_143] {strides = array<i32>} : memref<128x64xf32, #tpu.memory_space<vmem>>, vector<1x16xf32>,
      %swap3A_145 = vector.shape_cast %swap3A_144 : vector<1x16xf32> to vector<16xf32>
      %swap3A_146 = vector.shape_cast %mul3A_141 : vector<16xf32> to vector<1x16xf32>
      tpu.vector_store %arg8[%swap3A_142, %swap3A_143], %swap3A_146 {strides = array<i32>} : memref<128x64xf32, #tpu.memory_space<vmem>>, vector<1x16xf32>,
      %mul3A_147 = arith.constant 5.000000e-03 : f32
      %mul3A_148 = vector.broadcast %mul3A_147 : f32 to vector<16xf32>
      %mul3A_149 = arith.mulf %scan3A_130#2, %mul3A_148 : vector<16xf32>
      %swap3A_150 = arith.index_cast %mul3A_119 : i32 to index
      %swap3A_151 = arith.constant 32 : index
      %swap3A_152 = tpu.vector_load %arg8[%swap3A_150, %swap3A_151] {strides = array<i32>} : memref<128x64xf32, #tpu.memory_space<vmem>>, vector<1x16xf32>,
      %swap3A_153 = vector.shape_cast %swap3A_152 : vector<1x16xf32> to vector<16xf32>
      %swap3A_154 = vector.shape_cast %mul3A_149 : vector<16xf32> to vector<1x16xf32>
      tpu.vector_store %arg8[%swap3A_150, %swap3A_151], %swap3A_154 {strides = array<i32>} : memref<128x64xf32, #tpu.memory_space<vmem>>, vector<1x16xf32>,
      %mul3A_155 = arith.constant 5.000000e-03 : f32
      %mul3A_156 = vector.broadcast %mul3A_155 : f32 to vector<16xf32>
      %mul3A_157 = arith.mulf %scan3A_130#3, %mul3A_156 : vector<16xf32>
      %swap3A_158 = arith.index_cast %mul3A_119 : i32 to index
      %swap3A_159 = arith.constant 48 : index
      %swap3A_160 = tpu.vector_load %arg8[%swap3A_158, %swap3A_159] {strides = array<i32>} : memref<128x64xf32, #tpu.memory_space<vmem>>, vector<1x16xf32>,
      %swap3A_161 = vector.shape_cast %swap3A_160 : vector<1x16xf32> to vector<16xf32>
      %swap3A_162 = vector.shape_cast %mul3A_157 : vector<16xf32> to vector<1x16xf32>
      tpu.vector_store %arg8[%swap3A_158, %swap3A_159], %swap3A_162 {strides = array<i32>} : memref<128x64xf32, #tpu.memory_space<vmem>>, vector<1x16xf32>,
      %add3A_163 = arith.constant 2 : i32
      %add3A_164 = arith.addi %mul3A_119, %add3A_163 : i32
      %lt3A = arith.constant 128 : i32
      %lt3A_165 = arith.cmpi slt, %add3A_164, %lt3A : i32
      %convert_element_type3A = arith.extui %lt3A_165 : i1 to i32
      %cond3A = arith.constant 0 : i32
      %cond3A_166 = arith.cmpi ne, %convert_element_type3A, %cond3A : i32
      scf.if %cond3A_166 {
        %add3A_222 = arith.constant 2 : i32
        %add3A_223 = arith.addi %mul3A_119, %add3A_222 : i32
        %dma_start3A_224 = arith.constant 0 : i32
        %dma_start3A_225 = arith.constant 0 : i32
        %dma_start3A_226 = arith.constant 0 : i32
        %dma_start3A_227 = tpu.memref_slice %arg6[%dma_start3A_225, %dma_start3A_226] : memref<200x64xf32, #tpu.memory_space<vmem>> -> memref<40x64xf32, #tpu.memory_space<vmem>>
        %dma_start3A_228 = arith.constant 0 : i32
        %dma_start3A_229 = tpu.memref_slice %arg5[%add3A_223, %dma_start3A_224, %dma_start3A_228] : memref<128x5x40xi32, #tpu.memory_space<vmem>> -> memref<1x1x40xi32, #tpu.memory_space<vmem>>
        %dma_start3A_230 = tpu.memref_squeeze %dma_start3A_229 : memref<1x1x40xi32, #tpu.memory_space<vmem>> -> memref<40xi32, #tpu.memory_space<vmem>>
        %dma_start3A_231 = arith.constant 0 : i32
        %dma_start3A_232 = arith.constant 0 : i32
        %dma_start3A_233 = tpu.memref_slice %arg3[%dma_start3A_231, %dma_start3A_232] : memref<1000000x64xf32, #tpu.memory_space<hbm>> -> memref<1000000x64xf32, #tpu.memory_space<hbm>>
        tpu.enqueue_indirect_dma source(%dma_start3A_233 : memref<1000000x64xf32, #tpu.memory_space<hbm>>) target(%dma_start3A_227 : memref<40x64xf32, #tpu.memory_space<vmem>>) offsets(%dma_start3A_230 : memref<40xi32, #tpu.memory_space<vmem>>) semaphore(%arg9 : memref<!tpu.dma_semaphore, #tpu.memory_space<semaphore_mem>>)
        %dma_start3A_234 = arith.constant 1 : i32
        %dma_start3A_235 = arith.constant 40 : i32
        %dma_start3A_236 = arith.constant 0 : i32
        %dma_start3A_237 = tpu.memref_slice %arg6[%dma_start3A_235, %dma_start3A_236] : memref<200x64xf32, #tpu.memory_space<vmem>> -> memref<40x64xf32, #tpu.memory_space<vmem>>
        %dma_start3A_238 = arith.constant 0 : i32
        %dma_start3A_239 = tpu.memref_slice %arg5[%add3A_223, %dma_start3A_234, %dma_start3A_238] : memref<128x5x40xi32, #tpu.memory_space<vmem>> -> memref<1x1x40xi32, #tpu.memory_space<vmem>>
        %dma_start3A_240 = tpu.memref_squeeze %dma_start3A_239 : memref<1x1x40xi32, #tpu.memory_space<vmem>> -> memref<40xi32, #tpu.memory_space<vmem>>
        %dma_start3A_241 = arith.constant 0 : i32
        %dma_start3A_242 = arith.constant 0 : i32
        %dma_start3A_243 = tpu.memref_slice %arg3[%dma_start3A_241, %dma_start3A_242] : memref<1000000x64xf32, #tpu.memory_space<hbm>> -> memref<1000000x64xf32, #tpu.memory_space<hbm>>
        tpu.enqueue_indirect_dma source(%dma_start3A_243 : memref<1000000x64xf32, #tpu.memory_space<hbm>>) target(%dma_start3A_237 : memref<40x64xf32, #tpu.memory_space<vmem>>) offsets(%dma_start3A_240 : memref<40xi32, #tpu.memory_space<vmem>>) semaphore(%arg9 : memref<!tpu.dma_semaphore, #tpu.memory_space<semaphore_mem>>)
        %dma_start3A_244 = arith.constant 2 : i32
        %dma_start3A_245 = arith.constant 80 : i32
        %dma_start3A_246 = arith.constant 0 : i32
        %dma_start3A_247 = tpu.memref_slice %arg6[%dma_start3A_245, %dma_start3A_246] : memref<200x64xf32, #tpu.memory_space<vmem>> -> memref<40x64xf32, #tpu.memory_space<vmem>>
        %dma_start3A_248 = arith.constant 0 : i32
        %dma_start3A_249 = tpu.memref_slice %arg5[%add3A_223, %dma_start3A_244, %dma_start3A_248] : memref<128x5x40xi32, #tpu.memory_space<vmem>> -> memref<1x1x40xi32, #tpu.memory_space<vmem>>
        %dma_start3A_250 = tpu.memref_squeeze %dma_start3A_249 : memref<1x1x40xi32, #tpu.memory_space<vmem>> -> memref<40xi32, #tpu.memory_space<vmem>>
        %dma_start3A_251 = arith.constant 0 : i32
        %dma_start3A_252 = arith.constant 0 : i32
        %dma_start3A_253 = tpu.memref_slice %arg3[%dma_start3A_251, %dma_start3A_252] : memref<1000000x64xf32, #tpu.memory_space<hbm>> -> memref<1000000x64xf32, #tpu.memory_space<hbm>>
        tpu.enqueue_indirect_dma source(%dma_start3A_253 : memref<1000000x64xf32, #tpu.memory_space<hbm>>) target(%dma_start3A_247 : memref<40x64xf32, #tpu.memory_space<vmem>>) offsets(%dma_start3A_250 : memref<40xi32, #tpu.memory_space<vmem>>) semaphore(%arg9 : memref<!tpu.dma_semaphore, #tpu.memory_space<semaphore_mem>>)
        %dma_start3A_254 = arith.constant 3 : i32
        %dma_start3A_255 = arith.constant 120 : i32
        %dma_start3A_256 = arith.constant 0 : i32
        %dma_start3A_257 = tpu.memref_slice %arg6[%dma_start3A_255, %dma_start3A_256] : memref<200x64xf32, #tpu.memory_space<vmem>> -> memref<40x64xf32, #tpu.memory_space<vmem>>
        %dma_start3A_258 = arith.constant 0 : i32
        %dma_start3A_259 = tpu.memref_slice %arg5[%add3A_223, %dma_start3A_254, %dma_start3A_258] : memref<128x5x40xi32, #tpu.memory_space<vmem>> -> memref<1x1x40xi32, #tpu.memory_space<vmem>>
        %dma_start3A_260 = tpu.memref_squeeze %dma_start3A_259 : memref<1x1x40xi32, #tpu.memory_space<vmem>> -> memref<40xi32, #tpu.memory_space<vmem>>
        %dma_start3A_261 = arith.constant 0 : i32
        %dma_start3A_262 = arith.constant 0 : i32
        %dma_start3A_263 = tpu.memref_slice %arg3[%dma_start3A_261, %dma_start3A_262] : memref<1000000x64xf32, #tpu.memory_space<hbm>> -> memref<1000000x64xf32, #tpu.memory_space<hbm>>
        tpu.enqueue_indirect_dma source(%dma_start3A_263 : memref<1000000x64xf32, #tpu.memory_space<hbm>>) target(%dma_start3A_257 : memref<40x64xf32, #tpu.memory_space<vmem>>) offsets(%dma_start3A_260 : memref<40xi32, #tpu.memory_space<vmem>>) semaphore(%arg9 : memref<!tpu.dma_semaphore, #tpu.memory_space<semaphore_mem>>)
        %dma_start3A_264 = arith.constant 4 : i32
        %dma_start3A_265 = arith.constant 160 : i32
        %dma_start3A_266 = arith.constant 0 : i32
        %dma_start3A_267 = tpu.memref_slice %arg6[%dma_start3A_265, %dma_start3A_266] : memref<200x64xf32, #tpu.memory_space<vmem>> -> memref<40x64xf32, #tpu.memory_space<vmem>>
        %dma_start3A_268 = arith.constant 0 : i32
        %dma_start3A_269 = tpu.memref_slice %arg5[%add3A_223, %dma_start3A_264, %dma_start3A_268] : memref<128x5x40xi32, #tpu.memory_space<vmem>> -> memref<1x1x40xi32, #tpu.memory_space<vmem>>
        %dma_start3A_270 = tpu.memref_squeeze %dma_start3A_269 : memref<1x1x40xi32, #tpu.memory_space<vmem>> -> memref<40xi32, #tpu.memory_space<vmem>>
        %dma_start3A_271 = arith.constant 0 : i32
        %dma_start3A_272 = arith.constant 0 : i32
        %dma_start3A_273 = tpu.memref_slice %arg3[%dma_start3A_271, %dma_start3A_272] : memref<1000000x64xf32, #tpu.memory_space<hbm>> -> memref<1000000x64xf32, #tpu.memory_space<hbm>>
        tpu.enqueue_indirect_dma source(%dma_start3A_273 : memref<1000000x64xf32, #tpu.memory_space<hbm>>) target(%dma_start3A_267 : memref<40x64xf32, #tpu.memory_space<vmem>>) offsets(%dma_start3A_270 : memref<40xi32, #tpu.memory_space<vmem>>) semaphore(%arg9 : memref<!tpu.dma_semaphore, #tpu.memory_space<semaphore_mem>>)
      } else {
      }
      %dma_wait3A_167 = arith.constant 0 : i32
      %dma_wait3A_168 = arith.constant 0 : i32
      %dma_wait3A_169 = tpu.memref_slice %arg3[%dma_wait3A_167, %dma_wait3A_168] : memref<1000000x64xf32, #tpu.memory_space<hbm>> -> memref<200x64xf32, #tpu.memory_space<hbm>>
      %dma_wait3A_170 = arith.constant 0 : i32
      %dma_wait3A_171 = arith.constant 0 : i32
      %dma_wait3A_172 = tpu.memref_slice %arg3[%dma_wait3A_170, %dma_wait3A_171] : memref<1000000x64xf32, #tpu.memory_space<hbm>> -> memref<200x64xf32, #tpu.memory_space<hbm>>
      tpu.wait_dma2 semaphore(%arg10 : memref<!tpu.dma_semaphore, #tpu.memory_space<semaphore_mem>>) src(%dma_wait3A_172 : memref<200x64xf32, #tpu.memory_space<hbm>>) dst(%arg7 : memref<200x64xf32, #tpu.memory_space<vmem>>)
      %add3A_173 = arith.constant 1 : i32
      %add3A_174 = arith.addi %mul3A_119, %add3A_173 : i32
      %broadcast_in_dim3A_175 = arith.constant 0.000000e+00 : f32
      %broadcast_in_dim3A_176 = vector.broadcast %broadcast_in_dim3A_175 : f32 to vector<16xf32>
      %scan3A_177 = arith.constant 0 : i32
      %scan3A_178 = arith.constant 25 : i32
      %scan3A_179 = arith.addi %scan3A_177, %scan3A_178 : i32
      %scan3A_180 = arith.constant 1 : i32
      %scan3A_181:4 = scf.for %scan3A_222 = %scan3A_177 to %scan3A_179 step %scan3A_180 iter_args(%scan3A_223 = %broadcast_in_dim3A_176, %scan3A_224 = %broadcast_in_dim3A_176, %scan3A_225 = %broadcast_in_dim3A_176, %scan3A_226 = %broadcast_in_dim3A_176) -> (vector<16xf32>, vector<16xf32>, vector<16xf32>, vector<16xf32>)  : i32 {
        %mul3A_227 = arith.constant 8 : i32
        %mul3A_228 = arith.muli %scan3A_222, %mul3A_227 : i32
        %add3A_229 = arith.constant 0 : i32
        %add3A_230 = arith.addi %mul3A_228, %add3A_229 : i32
        %get3A = arith.index_cast %add3A_230 : i32 to index
        %get3A_231 = arith.constant 0 : index
        %get3A_232 = tpu.vector_load %arg7[%get3A, %get3A_231] {strides = array<i32>} : memref<200x64xf32, #tpu.memory_space<vmem>>, vector<1x16xf32>,
        %get3A_233 = vector.shape_cast %get3A_232 : vector<1x16xf32> to vector<16xf32>
        %add3A_234 = arith.constant 0 : i32
        %add3A_235 = arith.addi %mul3A_228, %add3A_234 : i32
        %get3A_236 = arith.index_cast %add3A_235 : i32 to index
        %get3A_237 = arith.constant 16 : index
        %get3A_238 = tpu.vector_load %arg7[%get3A_236, %get3A_237] {strides = array<i32>} : memref<200x64xf32, #tpu.memory_space<vmem>>, vector<1x16xf32>,
        %get3A_239 = vector.shape_cast %get3A_238 : vector<1x16xf32> to vector<16xf32>
        %add3A_240 = arith.constant 0 : i32
        %add3A_241 = arith.addi %mul3A_228, %add3A_240 : i32
        %get3A_242 = arith.index_cast %add3A_241 : i32 to index
        %get3A_243 = arith.constant 32 : index
        %get3A_244 = tpu.vector_load %arg7[%get3A_242, %get3A_243] {strides = array<i32>} : memref<200x64xf32, #tpu.memory_space<vmem>>, vector<1x16xf32>,
        %get3A_245 = vector.shape_cast %get3A_244 : vector<1x16xf32> to vector<16xf32>
        %add3A_246 = arith.constant 0 : i32
        %add3A_247 = arith.addi %mul3A_228, %add3A_246 : i32
        %get3A_248 = arith.index_cast %add3A_247 : i32 to index
        %get3A_249 = arith.constant 48 : index
        %get3A_250 = tpu.vector_load %arg7[%get3A_248, %get3A_249] {strides = array<i32>} : memref<200x64xf32, #tpu.memory_space<vmem>>, vector<1x16xf32>,
        %get3A_251 = vector.shape_cast %get3A_250 : vector<1x16xf32> to vector<16xf32>
        %add3A_252 = arith.constant 1 : i32
        %add3A_253 = arith.addi %mul3A_228, %add3A_252 : i32
        %get3A_254 = arith.index_cast %add3A_253 : i32 to index
        %get3A_255 = arith.constant 0 : index
        %get3A_256 = tpu.vector_load %arg7[%get3A_254, %get3A_255] {strides = array<i32>} : memref<200x64xf32, #tpu.memory_space<vmem>>, vector<1x16xf32>,
        %get3A_257 = vector.shape_cast %get3A_256 : vector<1x16xf32> to vector<16xf32>
        %add3A_258 = arith.constant 1 : i32
        %add3A_259 = arith.addi %mul3A_228, %add3A_258 : i32
        %get3A_260 = arith.index_cast %add3A_259 : i32 to index
        %get3A_261 = arith.constant 16 : index
        %get3A_262 = tpu.vector_load %arg7[%get3A_260, %get3A_261] {strides = array<i32>} : memref<200x64xf32, #tpu.memory_space<vmem>>, vector<1x16xf32>,
        %get3A_263 = vector.shape_cast %get3A_262 : vector<1x16xf32> to vector<16xf32>
        %add3A_264 = arith.constant 1 : i32
        %add3A_265 = arith.addi %mul3A_228, %add3A_264 : i32
        %get3A_266 = arith.index_cast %add3A_265 : i32 to index
        %get3A_267 = arith.constant 32 : index
        %get3A_268 = tpu.vector_load %arg7[%get3A_266, %get3A_267] {strides = array<i32>} : memref<200x64xf32, #tpu.memory_space<vmem>>, vector<1x16xf32>,
        %get3A_269 = vector.shape_cast %get3A_268 : vector<1x16xf32> to vector<16xf32>
        %add3A_270 = arith.constant 1 : i32
        %add3A_271 = arith.addi %mul3A_228, %add3A_270 : i32
        %get3A_272 = arith.index_cast %add3A_271 : i32 to index
        %get3A_273 = arith.constant 48 : index
        %get3A_274 = tpu.vector_load %arg7[%get3A_272, %get3A_273] {strides = array<i32>} : memref<200x64xf32, #tpu.memory_space<vmem>>, vector<1x16xf32>,
        %get3A_275 = vector.shape_cast %get3A_274 : vector<1x16xf32> to vector<16xf32>
        %add3A_276 = arith.constant 2 : i32
        %add3A_277 = arith.addi %mul3A_228, %add3A_276 : i32
        %get3A_278 = arith.index_cast %add3A_277 : i32 to index
        %get3A_279 = arith.constant 0 : index
        %get3A_280 = tpu.vector_load %arg7[%get3A_278, %get3A_279] {strides = array<i32>} : memref<200x64xf32, #tpu.memory_space<vmem>>, vector<1x16xf32>,
        %get3A_281 = vector.shape_cast %get3A_280 : vector<1x16xf32> to vector<16xf32>
        %add3A_282 = arith.constant 2 : i32
        %add3A_283 = arith.addi %mul3A_228, %add3A_282 : i32
        %get3A_284 = arith.index_cast %add3A_283 : i32 to index
        %get3A_285 = arith.constant 16 : index
        %get3A_286 = tpu.vector_load %arg7[%get3A_284, %get3A_285] {strides = array<i32>} : memref<200x64xf32, #tpu.memory_space<vmem>>, vector<1x16xf32>,
        %get3A_287 = vector.shape_cast %get3A_286 : vector<1x16xf32> to vector<16xf32>
        %add3A_288 = arith.constant 2 : i32
        %add3A_289 = arith.addi %mul3A_228, %add3A_288 : i32
        %get3A_290 = arith.index_cast %add3A_289 : i32 to index
        %get3A_291 = arith.constant 32 : index
        %get3A_292 = tpu.vector_load %arg7[%get3A_290, %get3A_291] {strides = array<i32>} : memref<200x64xf32, #tpu.memory_space<vmem>>, vector<1x16xf32>,
        %get3A_293 = vector.shape_cast %get3A_292 : vector<1x16xf32> to vector<16xf32>
        %add3A_294 = arith.constant 2 : i32
        %add3A_295 = arith.addi %mul3A_228, %add3A_294 : i32
        %get3A_296 = arith.index_cast %add3A_295 : i32 to index
        %get3A_297 = arith.constant 48 : index
        %get3A_298 = tpu.vector_load %arg7[%get3A_296, %get3A_297] {strides = array<i32>} : memref<200x64xf32, #tpu.memory_space<vmem>>, vector<1x16xf32>,
        %get3A_299 = vector.shape_cast %get3A_298 : vector<1x16xf32> to vector<16xf32>
        %add3A_300 = arith.constant 3 : i32
        %add3A_301 = arith.addi %mul3A_228, %add3A_300 : i32
        %get3A_302 = arith.index_cast %add3A_301 : i32 to index
        %get3A_303 = arith.constant 0 : index
        %get3A_304 = tpu.vector_load %arg7[%get3A_302, %get3A_303] {strides = array<i32>} : memref<200x64xf32, #tpu.memory_space<vmem>>, vector<1x16xf32>,
        %get3A_305 = vector.shape_cast %get3A_304 : vector<1x16xf32> to vector<16xf32>
        %add3A_306 = arith.constant 3 : i32
        %add3A_307 = arith.addi %mul3A_228, %add3A_306 : i32
        %get3A_308 = arith.index_cast %add3A_307 : i32 to index
        %get3A_309 = arith.constant 16 : index
        %get3A_310 = tpu.vector_load %arg7[%get3A_308, %get3A_309] {strides = array<i32>} : memref<200x64xf32, #tpu.memory_space<vmem>>, vector<1x16xf32>,
        %get3A_311 = vector.shape_cast %get3A_310 : vector<1x16xf32> to vector<16xf32>
        %add3A_312 = arith.constant 3 : i32
        %add3A_313 = arith.addi %mul3A_228, %add3A_312 : i32
        %get3A_314 = arith.index_cast %add3A_313 : i32 to index
        %get3A_315 = arith.constant 32 : index
        %get3A_316 = tpu.vector_load %arg7[%get3A_314, %get3A_315] {strides = array<i32>} : memref<200x64xf32, #tpu.memory_space<vmem>>, vector<1x16xf32>,
        %get3A_317 = vector.shape_cast %get3A_316 : vector<1x16xf32> to vector<16xf32>
        %add3A_318 = arith.constant 3 : i32
        %add3A_319 = arith.addi %mul3A_228, %add3A_318 : i32
        %get3A_320 = arith.index_cast %add3A_319 : i32 to index
        %get3A_321 = arith.constant 48 : index
        %get3A_322 = tpu.vector_load %arg7[%get3A_320, %get3A_321] {strides = array<i32>} : memref<200x64xf32, #tpu.memory_space<vmem>>, vector<1x16xf32>,
        %get3A_323 = vector.shape_cast %get3A_322 : vector<1x16xf32> to vector<16xf32>
        %add3A_324 = arith.constant 4 : i32
        %add3A_325 = arith.addi %mul3A_228, %add3A_324 : i32
        %get3A_326 = arith.index_cast %add3A_325 : i32 to index
        %get3A_327 = arith.constant 0 : index
        %get3A_328 = tpu.vector_load %arg7[%get3A_326, %get3A_327] {strides = array<i32>} : memref<200x64xf32, #tpu.memory_space<vmem>>, vector<1x16xf32>,
        %get3A_329 = vector.shape_cast %get3A_328 : vector<1x16xf32> to vector<16xf32>
        %add3A_330 = arith.constant 4 : i32
        %add3A_331 = arith.addi %mul3A_228, %add3A_330 : i32
        %get3A_332 = arith.index_cast %add3A_331 : i32 to index
        %get3A_333 = arith.constant 16 : index
        %get3A_334 = tpu.vector_load %arg7[%get3A_332, %get3A_333] {strides = array<i32>} : memref<200x64xf32, #tpu.memory_space<vmem>>, vector<1x16xf32>,
        %get3A_335 = vector.shape_cast %get3A_334 : vector<1x16xf32> to vector<16xf32>
        %add3A_336 = arith.constant 4 : i32
        %add3A_337 = arith.addi %mul3A_228, %add3A_336 : i32
        %get3A_338 = arith.index_cast %add3A_337 : i32 to index
        %get3A_339 = arith.constant 32 : index
        %get3A_340 = tpu.vector_load %arg7[%get3A_338, %get3A_339] {strides = array<i32>} : memref<200x64xf32, #tpu.memory_space<vmem>>, vector<1x16xf32>,
        %get3A_341 = vector.shape_cast %get3A_340 : vector<1x16xf32> to vector<16xf32>
        %add3A_342 = arith.constant 4 : i32
        %add3A_343 = arith.addi %mul3A_228, %add3A_342 : i32
        %get3A_344 = arith.index_cast %add3A_343 : i32 to index
        %get3A_345 = arith.constant 48 : index
        %get3A_346 = tpu.vector_load %arg7[%get3A_344, %get3A_345] {strides = array<i32>} : memref<200x64xf32, #tpu.memory_space<vmem>>, vector<1x16xf32>,
        %get3A_347 = vector.shape_cast %get3A_346 : vector<1x16xf32> to vector<16xf32>
        %add3A_348 = arith.constant 5 : i32
        %add3A_349 = arith.addi %mul3A_228, %add3A_348 : i32
        %get3A_350 = arith.index_cast %add3A_349 : i32 to index
        %get3A_351 = arith.constant 0 : index
        %get3A_352 = tpu.vector_load %arg7[%get3A_350, %get3A_351] {strides = array<i32>} : memref<200x64xf32, #tpu.memory_space<vmem>>, vector<1x16xf32>,
        %get3A_353 = vector.shape_cast %get3A_352 : vector<1x16xf32> to vector<16xf32>
        %add3A_354 = arith.constant 5 : i32
        %add3A_355 = arith.addi %mul3A_228, %add3A_354 : i32
        %get3A_356 = arith.index_cast %add3A_355 : i32 to index
        %get3A_357 = arith.constant 16 : index
        %get3A_358 = tpu.vector_load %arg7[%get3A_356, %get3A_357] {strides = array<i32>} : memref<200x64xf32, #tpu.memory_space<vmem>>, vector<1x16xf32>,
        %get3A_359 = vector.shape_cast %get3A_358 : vector<1x16xf32> to vector<16xf32>
        %add3A_360 = arith.constant 5 : i32
        %add3A_361 = arith.addi %mul3A_228, %add3A_360 : i32
        %get3A_362 = arith.index_cast %add3A_361 : i32 to index
        %get3A_363 = arith.constant 32 : index
        %get3A_364 = tpu.vector_load %arg7[%get3A_362, %get3A_363] {strides = array<i32>} : memref<200x64xf32, #tpu.memory_space<vmem>>, vector<1x16xf32>,
        %get3A_365 = vector.shape_cast %get3A_364 : vector<1x16xf32> to vector<16xf32>
        %add3A_366 = arith.constant 5 : i32
        %add3A_367 = arith.addi %mul3A_228, %add3A_366 : i32
        %get3A_368 = arith.index_cast %add3A_367 : i32 to index
        %get3A_369 = arith.constant 48 : index
        %get3A_370 = tpu.vector_load %arg7[%get3A_368, %get3A_369] {strides = array<i32>} : memref<200x64xf32, #tpu.memory_space<vmem>>, vector<1x16xf32>,
        %get3A_371 = vector.shape_cast %get3A_370 : vector<1x16xf32> to vector<16xf32>
        %add3A_372 = arith.constant 6 : i32
        %add3A_373 = arith.addi %mul3A_228, %add3A_372 : i32
        %get3A_374 = arith.index_cast %add3A_373 : i32 to index
        %get3A_375 = arith.constant 0 : index
        %get3A_376 = tpu.vector_load %arg7[%get3A_374, %get3A_375] {strides = array<i32>} : memref<200x64xf32, #tpu.memory_space<vmem>>, vector<1x16xf32>,
        %get3A_377 = vector.shape_cast %get3A_376 : vector<1x16xf32> to vector<16xf32>
        %add3A_378 = arith.constant 6 : i32
        %add3A_379 = arith.addi %mul3A_228, %add3A_378 : i32
        %get3A_380 = arith.index_cast %add3A_379 : i32 to index
        %get3A_381 = arith.constant 16 : index
        %get3A_382 = tpu.vector_load %arg7[%get3A_380, %get3A_381] {strides = array<i32>} : memref<200x64xf32, #tpu.memory_space<vmem>>, vector<1x16xf32>,
        %get3A_383 = vector.shape_cast %get3A_382 : vector<1x16xf32> to vector<16xf32>
        %add3A_384 = arith.constant 6 : i32
        %add3A_385 = arith.addi %mul3A_228, %add3A_384 : i32
        %get3A_386 = arith.index_cast %add3A_385 : i32 to index
        %get3A_387 = arith.constant 32 : index
        %get3A_388 = tpu.vector_load %arg7[%get3A_386, %get3A_387] {strides = array<i32>} : memref<200x64xf32, #tpu.memory_space<vmem>>, vector<1x16xf32>,
        %get3A_389 = vector.shape_cast %get3A_388 : vector<1x16xf32> to vector<16xf32>
        %add3A_390 = arith.constant 6 : i32
        %add3A_391 = arith.addi %mul3A_228, %add3A_390 : i32
        %get3A_392 = arith.index_cast %add3A_391 : i32 to index
        %get3A_393 = arith.constant 48 : index
        %get3A_394 = tpu.vector_load %arg7[%get3A_392, %get3A_393] {strides = array<i32>} : memref<200x64xf32, #tpu.memory_space<vmem>>, vector<1x16xf32>,
        %get3A_395 = vector.shape_cast %get3A_394 : vector<1x16xf32> to vector<16xf32>
        %add3A_396 = arith.constant 7 : i32
        %add3A_397 = arith.addi %mul3A_228, %add3A_396 : i32
        %get3A_398 = arith.index_cast %add3A_397 : i32 to index
        %get3A_399 = arith.constant 0 : index
        %get3A_400 = tpu.vector_load %arg7[%get3A_398, %get3A_399] {strides = array<i32>} : memref<200x64xf32, #tpu.memory_space<vmem>>, vector<1x16xf32>,
        %get3A_401 = vector.shape_cast %get3A_400 : vector<1x16xf32> to vector<16xf32>
        %add3A_402 = arith.constant 7 : i32
        %add3A_403 = arith.addi %mul3A_228, %add3A_402 : i32
        %get3A_404 = arith.index_cast %add3A_403 : i32 to index
        %get3A_405 = arith.constant 16 : index
        %get3A_406 = tpu.vector_load %arg7[%get3A_404, %get3A_405] {strides = array<i32>} : memref<200x64xf32, #tpu.memory_space<vmem>>, vector<1x16xf32>,
        %get3A_407 = vector.shape_cast %get3A_406 : vector<1x16xf32> to vector<16xf32>
        %add3A_408 = arith.constant 7 : i32
        %add3A_409 = arith.addi %mul3A_228, %add3A_408 : i32
        %get3A_410 = arith.index_cast %add3A_409 : i32 to index
        %get3A_411 = arith.constant 32 : index
        %get3A_412 = tpu.vector_load %arg7[%get3A_410, %get3A_411] {strides = array<i32>} : memref<200x64xf32, #tpu.memory_space<vmem>>, vector<1x16xf32>,
        %get3A_413 = vector.shape_cast %get3A_412 : vector<1x16xf32> to vector<16xf32>
        %add3A_414 = arith.constant 7 : i32
        %add3A_415 = arith.addi %mul3A_228, %add3A_414 : i32
        %get3A_416 = arith.index_cast %add3A_415 : i32 to index
        %get3A_417 = arith.constant 48 : index
        %get3A_418 = tpu.vector_load %arg7[%get3A_416, %get3A_417] {strides = array<i32>} : memref<200x64xf32, #tpu.memory_space<vmem>>, vector<1x16xf32>,
        %get3A_419 = vector.shape_cast %get3A_418 : vector<1x16xf32> to vector<16xf32>
        %add3A_420 = arith.addf %get3A_233, %get3A_257 : vector<16xf32>
        %add3A_421 = arith.addf %get3A_281, %get3A_305 : vector<16xf32>
        %add3A_422 = arith.addf %add3A_420, %add3A_421 : vector<16xf32>
        %add3A_423 = arith.addf %get3A_329, %get3A_353 : vector<16xf32>
        %add3A_424 = arith.addf %get3A_377, %get3A_401 : vector<16xf32>
        %add3A_425 = arith.addf %add3A_423, %add3A_424 : vector<16xf32>
        %add3A_426 = arith.addf %add3A_422, %add3A_425 : vector<16xf32>
        %add3A_427 = arith.addf %scan3A_223, %add3A_426 : vector<16xf32>
        %add3A_428 = arith.addf %get3A_239, %get3A_263 : vector<16xf32>
        %add3A_429 = arith.addf %get3A_287, %get3A_311 : vector<16xf32>
        %add3A_430 = arith.addf %add3A_428, %add3A_429 : vector<16xf32>
        %add3A_431 = arith.addf %get3A_335, %get3A_359 : vector<16xf32>
        %add3A_432 = arith.addf %get3A_383, %get3A_407 : vector<16xf32>
        %add3A_433 = arith.addf %add3A_431, %add3A_432 : vector<16xf32>
        %add3A_434 = arith.addf %add3A_430, %add3A_433 : vector<16xf32>
        %add3A_435 = arith.addf %scan3A_224, %add3A_434 : vector<16xf32>
        %add3A_436 = arith.addf %get3A_245, %get3A_269 : vector<16xf32>
        %add3A_437 = arith.addf %get3A_293, %get3A_317 : vector<16xf32>
        %add3A_438 = arith.addf %add3A_436, %add3A_437 : vector<16xf32>
        %add3A_439 = arith.addf %get3A_341, %get3A_365 : vector<16xf32>
        %add3A_440 = arith.addf %get3A_389, %get3A_413 : vector<16xf32>
        %add3A_441 = arith.addf %add3A_439, %add3A_440 : vector<16xf32>
        %add3A_442 = arith.addf %add3A_438, %add3A_441 : vector<16xf32>
        %add3A_443 = arith.addf %scan3A_225, %add3A_442 : vector<16xf32>
        %add3A_444 = arith.addf %get3A_251, %get3A_275 : vector<16xf32>
        %add3A_445 = arith.addf %get3A_299, %get3A_323 : vector<16xf32>
        %add3A_446 = arith.addf %add3A_444, %add3A_445 : vector<16xf32>
        %add3A_447 = arith.addf %get3A_347, %get3A_371 : vector<16xf32>
        %add3A_448 = arith.addf %get3A_395, %get3A_419 : vector<16xf32>
        %add3A_449 = arith.addf %add3A_447, %add3A_448 : vector<16xf32>
        %add3A_450 = arith.addf %add3A_446, %add3A_449 : vector<16xf32>
        %add3A_451 = arith.addf %scan3A_226, %add3A_450 : vector<16xf32>
        scf.yield %add3A_427, %add3A_435, %add3A_443, %add3A_451 : vector<16xf32>, vector<16xf32>, vector<16xf32>, vector<16xf32>
      }
      %scan3A_182 = arith.constant 25 : i32
      %mul3A_183 = arith.constant 5.000000e-03 : f32
      %mul3A_184 = vector.broadcast %mul3A_183 : f32 to vector<16xf32>
      %mul3A_185 = arith.mulf %scan3A_181#0, %mul3A_184 : vector<16xf32>
      %swap3A_186 = arith.index_cast %add3A_174 : i32 to index
      %swap3A_187 = arith.constant 0 : index
      %swap3A_188 = tpu.vector_load %arg8[%swap3A_186, %swap3A_187] {strides = array<i32>} : memref<128x64xf32, #tpu.memory_space<vmem>>, vector<1x16xf32>,
      %swap3A_189 = vector.shape_cast %swap3A_188 : vector<1x16xf32> to vector<16xf32>
      %swap3A_190 = vector.shape_cast %mul3A_185 : vector<16xf32> to vector<1x16xf32>
      tpu.vector_store %arg8[%swap3A_186, %swap3A_187], %swap3A_190 {strides = array<i32>} : memref<128x64xf32, #tpu.memory_space<vmem>>, vector<1x16xf32>,
      %mul3A_191 = arith.constant 5.000000e-03 : f32
      %mul3A_192 = vector.broadcast %mul3A_191 : f32 to vector<16xf32>
      %mul3A_193 = arith.mulf %scan3A_181#1, %mul3A_192 : vector<16xf32>
      %swap3A_194 = arith.index_cast %add3A_174 : i32 to index
      %swap3A_195 = arith.constant 16 : index
      %swap3A_196 = tpu.vector_load %arg8[%swap3A_194, %swap3A_195] {strides = array<i32>} : memref<128x64xf32, #tpu.memory_space<vmem>>, vector<1x16xf32>,
      %swap3A_197 = vector.shape_cast %swap3A_196 : vector<1x16xf32> to vector<16xf32>
      %swap3A_198 = vector.shape_cast %mul3A_193 : vector<16xf32> to vector<1x16xf32>
      tpu.vector_store %arg8[%swap3A_194, %swap3A_195], %swap3A_198 {strides = array<i32>} : memref<128x64xf32, #tpu.memory_space<vmem>>, vector<1x16xf32>,
      %mul3A_199 = arith.constant 5.000000e-03 : f32
      %mul3A_200 = vector.broadcast %mul3A_199 : f32 to vector<16xf32>
      %mul3A_201 = arith.mulf %scan3A_181#2, %mul3A_200 : vector<16xf32>
      %swap3A_202 = arith.index_cast %add3A_174 : i32 to index
      %swap3A_203 = arith.constant 32 : index
      %swap3A_204 = tpu.vector_load %arg8[%swap3A_202, %swap3A_203] {strides = array<i32>} : memref<128x64xf32, #tpu.memory_space<vmem>>, vector<1x16xf32>,
      %swap3A_205 = vector.shape_cast %swap3A_204 : vector<1x16xf32> to vector<16xf32>
      %swap3A_206 = vector.shape_cast %mul3A_201 : vector<16xf32> to vector<1x16xf32>
      tpu.vector_store %arg8[%swap3A_202, %swap3A_203], %swap3A_206 {strides = array<i32>} : memref<128x64xf32, #tpu.memory_space<vmem>>, vector<1x16xf32>,
      %mul3A_207 = arith.constant 5.000000e-03 : f32
      %mul3A_208 = vector.broadcast %mul3A_207 : f32 to vector<16xf32>
      %mul3A_209 = arith.mulf %scan3A_181#3, %mul3A_208 : vector<16xf32>
      %swap3A_210 = arith.index_cast %add3A_174 : i32 to index
      %swap3A_211 = arith.constant 48 : index
      %swap3A_212 = tpu.vector_load %arg8[%swap3A_210, %swap3A_211] {strides = array<i32>} : memref<128x64xf32, #tpu.memory_space<vmem>>, vector<1x16xf32>,
      %swap3A_213 = vector.shape_cast %swap3A_212 : vector<1x16xf32> to vector<16xf32>
      %swap3A_214 = vector.shape_cast %mul3A_209 : vector<16xf32> to vector<1x16xf32>
      tpu.vector_store %arg8[%swap3A_210, %swap3A_211], %swap3A_214 {strides = array<i32>} : memref<128x64xf32, #tpu.memory_space<vmem>>, vector<1x16xf32>,
      %add3A_215 = arith.constant 3 : i32
      %add3A_216 = arith.addi %mul3A_119, %add3A_215 : i32
      %lt3A_217 = arith.constant 128 : i32
      %lt3A_218 = arith.cmpi slt, %add3A_216, %lt3A_217 : i32
      %convert_element_type3A_219 = arith.extui %lt3A_218 : i1 to i32
      %cond3A_220 = arith.constant 0 : i32
      %cond3A_221 = arith.cmpi ne, %convert_element_type3A_219, %cond3A_220 : i32
      scf.if %cond3A_221 {
        %add3A_222 = arith.constant 3 : i32
        %add3A_223 = arith.addi %mul3A_119, %add3A_222 : i32
        %dma_start3A_224 = arith.constant 0 : i32
        %dma_start3A_225 = arith.constant 0 : i32
        %dma_start3A_226 = arith.constant 0 : i32
        %dma_start3A_227 = tpu.memref_slice %arg7[%dma_start3A_225, %dma_start3A_226] : memref<200x64xf32, #tpu.memory_space<vmem>> -> memref<40x64xf32, #tpu.memory_space<vmem>>
        %dma_start3A_228 = arith.constant 0 : i32
        %dma_start3A_229 = tpu.memref_slice %arg5[%add3A_223, %dma_start3A_224, %dma_start3A_228] : memref<128x5x40xi32, #tpu.memory_space<vmem>> -> memref<1x1x40xi32, #tpu.memory_space<vmem>>
        %dma_start3A_230 = tpu.memref_squeeze %dma_start3A_229 : memref<1x1x40xi32, #tpu.memory_space<vmem>> -> memref<40xi32, #tpu.memory_space<vmem>>
        %dma_start3A_231 = arith.constant 0 : i32
        %dma_start3A_232 = arith.constant 0 : i32
        %dma_start3A_233 = tpu.memref_slice %arg3[%dma_start3A_231, %dma_start3A_232] : memref<1000000x64xf32, #tpu.memory_space<hbm>> -> memref<1000000x64xf32, #tpu.memory_space<hbm>>
        tpu.enqueue_indirect_dma source(%dma_start3A_233 : memref<1000000x64xf32, #tpu.memory_space<hbm>>) target(%dma_start3A_227 : memref<40x64xf32, #tpu.memory_space<vmem>>) offsets(%dma_start3A_230 : memref<40xi32, #tpu.memory_space<vmem>>) semaphore(%arg10 : memref<!tpu.dma_semaphore, #tpu.memory_space<semaphore_mem>>)
        %dma_start3A_234 = arith.constant 1 : i32
        %dma_start3A_235 = arith.constant 40 : i32
        %dma_start3A_236 = arith.constant 0 : i32
        %dma_start3A_237 = tpu.memref_slice %arg7[%dma_start3A_235, %dma_start3A_236] : memref<200x64xf32, #tpu.memory_space<vmem>> -> memref<40x64xf32, #tpu.memory_space<vmem>>
        %dma_start3A_238 = arith.constant 0 : i32
        %dma_start3A_239 = tpu.memref_slice %arg5[%add3A_223, %dma_start3A_234, %dma_start3A_238] : memref<128x5x40xi32, #tpu.memory_space<vmem>> -> memref<1x1x40xi32, #tpu.memory_space<vmem>>
        %dma_start3A_240 = tpu.memref_squeeze %dma_start3A_239 : memref<1x1x40xi32, #tpu.memory_space<vmem>> -> memref<40xi32, #tpu.memory_space<vmem>>
        %dma_start3A_241 = arith.constant 0 : i32
        %dma_start3A_242 = arith.constant 0 : i32
        %dma_start3A_243 = tpu.memref_slice %arg3[%dma_start3A_241, %dma_start3A_242] : memref<1000000x64xf32, #tpu.memory_space<hbm>> -> memref<1000000x64xf32, #tpu.memory_space<hbm>>
        tpu.enqueue_indirect_dma source(%dma_start3A_243 : memref<1000000x64xf32, #tpu.memory_space<hbm>>) target(%dma_start3A_237 : memref<40x64xf32, #tpu.memory_space<vmem>>) offsets(%dma_start3A_240 : memref<40xi32, #tpu.memory_space<vmem>>) semaphore(%arg10 : memref<!tpu.dma_semaphore, #tpu.memory_space<semaphore_mem>>)
        %dma_start3A_244 = arith.constant 2 : i32
        %dma_start3A_245 = arith.constant 80 : i32
        %dma_start3A_246 = arith.constant 0 : i32
        %dma_start3A_247 = tpu.memref_slice %arg7[%dma_start3A_245, %dma_start3A_246] : memref<200x64xf32, #tpu.memory_space<vmem>> -> memref<40x64xf32, #tpu.memory_space<vmem>>
        %dma_start3A_248 = arith.constant 0 : i32
        %dma_start3A_249 = tpu.memref_slice %arg5[%add3A_223, %dma_start3A_244, %dma_start3A_248] : memref<128x5x40xi32, #tpu.memory_space<vmem>> -> memref<1x1x40xi32, #tpu.memory_space<vmem>>
        %dma_start3A_250 = tpu.memref_squeeze %dma_start3A_249 : memref<1x1x40xi32, #tpu.memory_space<vmem>> -> memref<40xi32, #tpu.memory_space<vmem>>
        %dma_start3A_251 = arith.constant 0 : i32
        %dma_start3A_252 = arith.constant 0 : i32
        %dma_start3A_253 = tpu.memref_slice %arg3[%dma_start3A_251, %dma_start3A_252] : memref<1000000x64xf32, #tpu.memory_space<hbm>> -> memref<1000000x64xf32, #tpu.memory_space<hbm>>
        tpu.enqueue_indirect_dma source(%dma_start3A_253 : memref<1000000x64xf32, #tpu.memory_space<hbm>>) target(%dma_start3A_247 : memref<40x64xf32, #tpu.memory_space<vmem>>) offsets(%dma_start3A_250 : memref<40xi32, #tpu.memory_space<vmem>>) semaphore(%arg10 : memref<!tpu.dma_semaphore, #tpu.memory_space<semaphore_mem>>)
        %dma_start3A_254 = arith.constant 3 : i32
        %dma_start3A_255 = arith.constant 120 : i32
        %dma_start3A_256 = arith.constant 0 : i32
        %dma_start3A_257 = tpu.memref_slice %arg7[%dma_start3A_255, %dma_start3A_256] : memref<200x64xf32, #tpu.memory_space<vmem>> -> memref<40x64xf32, #tpu.memory_space<vmem>>
        %dma_start3A_258 = arith.constant 0 : i32
        %dma_start3A_259 = tpu.memref_slice %arg5[%add3A_223, %dma_start3A_254, %dma_start3A_258] : memref<128x5x40xi32, #tpu.memory_space<vmem>> -> memref<1x1x40xi32, #tpu.memory_space<vmem>>
        %dma_start3A_260 = tpu.memref_squeeze %dma_start3A_259 : memref<1x1x40xi32, #tpu.memory_space<vmem>> -> memref<40xi32, #tpu.memory_space<vmem>>
        %dma_start3A_261 = arith.constant 0 : i32
        %dma_start3A_262 = arith.constant 0 : i32
        %dma_start3A_263 = tpu.memref_slice %arg3[%dma_start3A_261, %dma_start3A_262] : memref<1000000x64xf32, #tpu.memory_space<hbm>> -> memref<1000000x64xf32, #tpu.memory_space<hbm>>
        tpu.enqueue_indirect_dma source(%dma_start3A_263 : memref<1000000x64xf32, #tpu.memory_space<hbm>>) target(%dma_start3A_257 : memref<40x64xf32, #tpu.memory_space<vmem>>) offsets(%dma_start3A_260 : memref<40xi32, #tpu.memory_space<vmem>>) semaphore(%arg10 : memref<!tpu.dma_semaphore, #tpu.memory_space<semaphore_mem>>)
        %dma_start3A_264 = arith.constant 4 : i32
        %dma_start3A_265 = arith.constant 160 : i32
        %dma_start3A_266 = arith.constant 0 : i32
        %dma_start3A_267 = tpu.memref_slice %arg7[%dma_start3A_265, %dma_start3A_266] : memref<200x64xf32, #tpu.memory_space<vmem>> -> memref<40x64xf32, #tpu.memory_space<vmem>>
        %dma_start3A_268 = arith.constant 0 : i32
        %dma_start3A_269 = tpu.memref_slice %arg5[%add3A_223, %dma_start3A_264, %dma_start3A_268] : memref<128x5x40xi32, #tpu.memory_space<vmem>> -> memref<1x1x40xi32, #tpu.memory_space<vmem>>
        %dma_start3A_270 = tpu.memref_squeeze %dma_start3A_269 : memref<1x1x40xi32, #tpu.memory_space<vmem>> -> memref<40xi32, #tpu.memory_space<vmem>>
        %dma_start3A_271 = arith.constant 0 : i32
        %dma_start3A_272 = arith.constant 0 : i32
        %dma_start3A_273 = tpu.memref_slice %arg3[%dma_start3A_271, %dma_start3A_272] : memref<1000000x64xf32, #tpu.memory_space<hbm>> -> memref<1000000x64xf32, #tpu.memory_space<hbm>>
        tpu.enqueue_indirect_dma source(%dma_start3A_273 : memref<1000000x64xf32, #tpu.memory_space<hbm>>) target(%dma_start3A_267 : memref<40x64xf32, #tpu.memory_space<vmem>>) offsets(%dma_start3A_270 : memref<40xi32, #tpu.memory_space<vmem>>) semaphore(%arg10 : memref<!tpu.dma_semaphore, #tpu.memory_space<semaphore_mem>>)
      } else {
      }
    }
    %scan3A_116 = arith.constant 64 : i32
    "tpu.region"() ({
      %run_scoped3A = tpu.sem_alloc : memref<!tpu.dma_semaphore, #tpu.memory_space<semaphore_mem>>
      %dma_start3A_117 = arith.constant 0 : i32
      %dma_start3A_118 = tpu.memref_slice %arg4[%mul3A_2, %dma_start3A_117] : memref<4096x64xf32, #tpu.memory_space<hbm>> -> memref<128x64xf32, #tpu.memory_space<hbm>>
      %dma_start3A_119 = arith.constant 0 : i32
      %dma_start3A_120 = tpu.memref_slice %arg4[%mul3A_2, %dma_start3A_119] : memref<4096x64xf32, #tpu.memory_space<hbm>> -> memref<128x64xf32, #tpu.memory_space<hbm>>
      tpu.enqueue_dma source(%arg8 : memref<128x64xf32, #tpu.memory_space<vmem>>) target(%dma_start3A_120 : memref<128x64xf32, #tpu.memory_space<hbm>>) target_semaphore(%run_scoped3A : memref<!tpu.dma_semaphore, #tpu.memory_space<semaphore_mem>>)
      %dma_wait3A = arith.constant 0 : i32
      %dma_wait3A_121 = tpu.memref_slice %arg4[%mul3A_2, %dma_wait3A] : memref<4096x64xf32, #tpu.memory_space<hbm>> -> memref<128x64xf32, #tpu.memory_space<hbm>>
      %dma_wait3A_122 = arith.constant 0 : i32
      %dma_wait3A_123 = tpu.memref_slice %arg4[%mul3A_2, %dma_wait3A_122] : memref<4096x64xf32, #tpu.memory_space<hbm>> -> memref<128x64xf32, #tpu.memory_space<hbm>>
      tpu.wait_dma2 semaphore(%run_scoped3A : memref<!tpu.dma_semaphore, #tpu.memory_space<semaphore_mem>>) src(%arg8 : memref<128x64xf32, #tpu.memory_space<vmem>>) dst(%dma_wait3A_123 : memref<128x64xf32, #tpu.memory_space<hbm>>)
      tpu.yield
    }) : () -> ()
    return
  }
}

module attributes {stable_mosaic.version = 14 : i64} {
  func.func @_mlp_body(%arg0: memref<4096x64xf32, #tpu.memory_space<vmem>>, %arg1: memref<4096x64xf32, #tpu.memory_space<vmem>>, %arg2: memref<128x128xf32, #tpu.memory_space<vmem>>, %arg3: memref<1x128xf32, #tpu.memory_space<vmem>>, %arg4: memref<128x128xf32, #tpu.memory_space<vmem>>, %arg5: memref<1x128xf32, #tpu.memory_space<vmem>>, %arg6: memref<128x128xf32, #tpu.memory_space<vmem>>, %arg7: memref<1x128xf32, #tpu.memory_space<vmem>>, %arg8: memref<128x128xf32, #tpu.memory_space<vmem>>, %arg9: memref<1x128xf32, #tpu.memory_space<vmem>>, %arg10: memref<128x128xf32, #tpu.memory_space<vmem>>, %arg11: memref<1x128xf32, #tpu.memory_space<vmem>>, %arg12: memref<128x128xf32, #tpu.memory_space<vmem>>, %arg13: memref<1x128xf32, #tpu.memory_space<vmem>>, %arg14: memref<10x128xf32, #tpu.memory_space<vmem>>, %arg15: memref<1x10xf32, #tpu.memory_space<vmem>>, %arg16: memref<4096x10xf32, #tpu.memory_space<vmem>>) attributes {dimension_semantics = [], scalar_prefetch = 0 : i64, scratch_operands = 0 : i64, tpu.core_type = #tpu.core_type<tc>} {
    %get3A = arith.constant 0 : index
    %get3A_0 = arith.constant 0 : index
    %get3A_1 = vector.load %arg0[%get3A, %get3A_0] : memref<4096x64xf32, #tpu.memory_space<vmem>>, vector<4096x64xf32>
    %get3A_2 = arith.constant 0 : index
    %get3A_3 = arith.constant 0 : index
    %get3A_4 = vector.load %arg1[%get3A_2, %get3A_3] : memref<4096x64xf32, #tpu.memory_space<vmem>>, vector<4096x64xf32>
    %concatenate3A = tpu.concatenate %get3A_1, %get3A_4 in 1 : vector<4096x64xf32>, vector<4096x64xf32> -> vector<4096x128xf32>
    %get3A_5 = arith.constant 0 : index
    %get3A_6 = arith.constant 0 : index
    %get3A_7 = vector.load %arg6[%get3A_5, %get3A_6] : memref<128x128xf32, #tpu.memory_space<vmem>>, vector<128x128xf32>
    %dot_general3A = arith.constant dense<0.000000e+00> : vector<4096x128xf32>
    %dot_general3A_8 = tpu.matmul %concatenate3A, %get3A_7, %dot_general3A {dimension_numbers = #tpu.dot_dimension_numbers<[1], [1], [0], [0], [0, 0, 1, 0], [], []>, transpose_lhs_hint = false} : vector<4096x128xf32>, vector<128x128xf32>, vector<4096x128xf32> -> vector<4096x128xf32>
    %get3A_9 = arith.constant 0 : index
    %get3A_10 = arith.constant 0 : index
    %get3A_11 = vector.load %arg7[%get3A_9, %get3A_10] : memref<1x128xf32, #tpu.memory_space<vmem>>, vector<1x128xf32>
    %add3A = vector.broadcast %get3A_11 : vector<1x128xf32> to vector<4096x128xf32>
    %add3A_12 = arith.addf %dot_general3A_8, %add3A : vector<4096x128xf32>
    %logistic3A = arith.negf %add3A_12 : vector<4096x128xf32>
    %logistic3A_13 = math.exp %logistic3A : vector<4096x128xf32>
    %logistic3A_14 = arith.constant 1.000000e+00 : f32
    %logistic3A_15 = vector.broadcast %logistic3A_14 : f32 to vector<4096x128xf32>
    %logistic3A_16 = arith.addf %logistic3A_15, %logistic3A_13 : vector<4096x128xf32>
    %logistic3A_17 = arith.divf %logistic3A_15, %logistic3A_16 : vector<4096x128xf32>
    %get3A_18 = arith.constant 0 : index
    %get3A_19 = arith.constant 0 : index
    %get3A_20 = vector.load %arg2[%get3A_18, %get3A_19] : memref<128x128xf32, #tpu.memory_space<vmem>>, vector<128x128xf32>
    %dot_general3A_21 = arith.constant dense<0.000000e+00> : vector<4096x128xf32>
    %dot_general3A_22 = tpu.matmul %concatenate3A, %get3A_20, %dot_general3A_21 {dimension_numbers = #tpu.dot_dimension_numbers<[1], [1], [0], [0], [0, 0, 1, 0], [], []>, transpose_lhs_hint = false} : vector<4096x128xf32>, vector<128x128xf32>, vector<4096x128xf32> -> vector<4096x128xf32>
    %get3A_23 = arith.constant 0 : index
    %get3A_24 = arith.constant 0 : index
    %get3A_25 = vector.load %arg3[%get3A_23, %get3A_24] : memref<1x128xf32, #tpu.memory_space<vmem>>, vector<1x128xf32>
    %add3A_26 = vector.broadcast %get3A_25 : vector<1x128xf32> to vector<4096x128xf32>
    %add3A_27 = arith.addf %dot_general3A_22, %add3A_26 : vector<4096x128xf32>
    %max3A = arith.constant 0.000000e+00 : f32
    %max3A_28 = vector.broadcast %max3A : f32 to vector<4096x128xf32>
    %max3A_29 = arith.maximumf %add3A_27, %max3A_28 : vector<4096x128xf32>
    %get3A_30 = arith.constant 0 : index
    %get3A_31 = arith.constant 0 : index
    %get3A_32 = vector.load %arg4[%get3A_30, %get3A_31] : memref<128x128xf32, #tpu.memory_space<vmem>>, vector<128x128xf32>
    %dot_general3A_33 = arith.constant dense<0.000000e+00> : vector<4096x128xf32>
    %dot_general3A_34 = tpu.matmul %concatenate3A, %get3A_32, %dot_general3A_33 {dimension_numbers = #tpu.dot_dimension_numbers<[1], [1], [0], [0], [0, 0, 1, 0], [], []>, transpose_lhs_hint = false} : vector<4096x128xf32>, vector<128x128xf32>, vector<4096x128xf32> -> vector<4096x128xf32>
    %get3A_35 = arith.constant 0 : index
    %get3A_36 = arith.constant 0 : index
    %get3A_37 = vector.load %arg5[%get3A_35, %get3A_36] : memref<1x128xf32, #tpu.memory_space<vmem>>, vector<1x128xf32>
    %add3A_38 = vector.broadcast %get3A_37 : vector<1x128xf32> to vector<4096x128xf32>
    %add3A_39 = arith.addf %dot_general3A_34, %add3A_38 : vector<4096x128xf32>
    %mul3A = arith.mulf %logistic3A_17, %max3A_29 : vector<4096x128xf32>
    %sub3A = arith.constant 1.000000e+00 : f32
    %sub3A_40 = vector.broadcast %sub3A : f32 to vector<4096x128xf32>
    %sub3A_41 = arith.subf %sub3A_40, %logistic3A_17 : vector<4096x128xf32>
    %mul3A_42 = arith.mulf %sub3A_41, %add3A_39 : vector<4096x128xf32>
    %add3A_43 = arith.addf %mul3A, %mul3A_42 : vector<4096x128xf32>
    %get3A_44 = arith.constant 0 : index
    %get3A_45 = arith.constant 0 : index
    %get3A_46 = vector.load %arg12[%get3A_44, %get3A_45] : memref<128x128xf32, #tpu.memory_space<vmem>>, vector<128x128xf32>
    %dot_general3A_47 = arith.constant dense<0.000000e+00> : vector<4096x128xf32>
    %dot_general3A_48 = tpu.matmul %add3A_43, %get3A_46, %dot_general3A_47 {dimension_numbers = #tpu.dot_dimension_numbers<[1], [1], [0], [0], [0, 0, 1, 0], [], []>, transpose_lhs_hint = false} : vector<4096x128xf32>, vector<128x128xf32>, vector<4096x128xf32> -> vector<4096x128xf32>
    %get3A_49 = arith.constant 0 : index
    %get3A_50 = arith.constant 0 : index
    %get3A_51 = vector.load %arg13[%get3A_49, %get3A_50] : memref<1x128xf32, #tpu.memory_space<vmem>>, vector<1x128xf32>
    %add3A_52 = vector.broadcast %get3A_51 : vector<1x128xf32> to vector<4096x128xf32>
    %add3A_53 = arith.addf %dot_general3A_48, %add3A_52 : vector<4096x128xf32>
    %logistic3A_54 = arith.negf %add3A_53 : vector<4096x128xf32>
    %logistic3A_55 = math.exp %logistic3A_54 : vector<4096x128xf32>
    %logistic3A_56 = arith.constant 1.000000e+00 : f32
    %logistic3A_57 = vector.broadcast %logistic3A_56 : f32 to vector<4096x128xf32>
    %logistic3A_58 = arith.addf %logistic3A_57, %logistic3A_55 : vector<4096x128xf32>
    %logistic3A_59 = arith.divf %logistic3A_57, %logistic3A_58 : vector<4096x128xf32>
    %get3A_60 = arith.constant 0 : index
    %get3A_61 = arith.constant 0 : index
    %get3A_62 = vector.load %arg8[%get3A_60, %get3A_61] : memref<128x128xf32, #tpu.memory_space<vmem>>, vector<128x128xf32>
    %dot_general3A_63 = arith.constant dense<0.000000e+00> : vector<4096x128xf32>
    %dot_general3A_64 = tpu.matmul %add3A_43, %get3A_62, %dot_general3A_63 {dimension_numbers = #tpu.dot_dimension_numbers<[1], [1], [0], [0], [0, 0, 1, 0], [], []>, transpose_lhs_hint = false} : vector<4096x128xf32>, vector<128x128xf32>, vector<4096x128xf32> -> vector<4096x128xf32>
    %get3A_65 = arith.constant 0 : index
    %get3A_66 = arith.constant 0 : index
    %get3A_67 = vector.load %arg9[%get3A_65, %get3A_66] : memref<1x128xf32, #tpu.memory_space<vmem>>, vector<1x128xf32>
    %add3A_68 = vector.broadcast %get3A_67 : vector<1x128xf32> to vector<4096x128xf32>
    %add3A_69 = arith.addf %dot_general3A_64, %add3A_68 : vector<4096x128xf32>
    %max3A_70 = arith.constant 0.000000e+00 : f32
    %max3A_71 = vector.broadcast %max3A_70 : f32 to vector<4096x128xf32>
    %max3A_72 = arith.maximumf %add3A_69, %max3A_71 : vector<4096x128xf32>
    %get3A_73 = arith.constant 0 : index
    %get3A_74 = arith.constant 0 : index
    %get3A_75 = vector.load %arg10[%get3A_73, %get3A_74] : memref<128x128xf32, #tpu.memory_space<vmem>>, vector<128x128xf32>
    %dot_general3A_76 = arith.constant dense<0.000000e+00> : vector<4096x128xf32>
    %dot_general3A_77 = tpu.matmul %add3A_43, %get3A_75, %dot_general3A_76 {dimension_numbers = #tpu.dot_dimension_numbers<[1], [1], [0], [0], [0, 0, 1, 0], [], []>, transpose_lhs_hint = false} : vector<4096x128xf32>, vector<128x128xf32>, vector<4096x128xf32> -> vector<4096x128xf32>
    %get3A_78 = arith.constant 0 : index
    %get3A_79 = arith.constant 0 : index
    %get3A_80 = vector.load %arg11[%get3A_78, %get3A_79] : memref<1x128xf32, #tpu.memory_space<vmem>>, vector<1x128xf32>
    %add3A_81 = vector.broadcast %get3A_80 : vector<1x128xf32> to vector<4096x128xf32>
    %add3A_82 = arith.addf %dot_general3A_77, %add3A_81 : vector<4096x128xf32>
    %mul3A_83 = arith.mulf %logistic3A_59, %max3A_72 : vector<4096x128xf32>
    %sub3A_84 = arith.constant 1.000000e+00 : f32
    %sub3A_85 = vector.broadcast %sub3A_84 : f32 to vector<4096x128xf32>
    %sub3A_86 = arith.subf %sub3A_85, %logistic3A_59 : vector<4096x128xf32>
    %mul3A_87 = arith.mulf %sub3A_86, %add3A_82 : vector<4096x128xf32>
    %add3A_88 = arith.addf %mul3A_83, %mul3A_87 : vector<4096x128xf32>
    %get3A_89 = arith.constant 0 : index
    %get3A_90 = arith.constant 0 : index
    %get3A_91 = vector.load %arg14[%get3A_89, %get3A_90] : memref<10x128xf32, #tpu.memory_space<vmem>>, vector<10x128xf32>
    %dot_general3A_92 = arith.constant dense<0.000000e+00> : vector<4096x10xf32>
    %dot_general3A_93 = tpu.matmul %add3A_88, %get3A_91, %dot_general3A_92 {dimension_numbers = #tpu.dot_dimension_numbers<[1], [1], [0], [0], [0, 0, 1, 0], [], []>, transpose_lhs_hint = false} : vector<4096x128xf32>, vector<10x128xf32>, vector<4096x10xf32> -> vector<4096x10xf32>
    %get3A_94 = arith.constant 0 : index
    %get3A_95 = arith.constant 0 : index
    %get3A_96 = vector.load %arg15[%get3A_94, %get3A_95] : memref<1x10xf32, #tpu.memory_space<vmem>>, vector<1x10xf32>
    %add3A_97 = vector.broadcast %get3A_96 : vector<1x10xf32> to vector<4096x10xf32>
    %add3A_98 = arith.addf %dot_general3A_93, %add3A_97 : vector<4096x10xf32>
    %swap3A = arith.constant 0 : index
    %swap3A_99 = arith.constant 0 : index
    %swap3A_100 = vector.load %arg16[%swap3A, %swap3A_99] : memref<4096x10xf32, #tpu.memory_space<vmem>>, vector<4096x10xf32>
    tpu.vector_store %arg16[%swap3A, %swap3A_99], %add3A_98 {strides = array<i32>} : memref<4096x10xf32, #tpu.memory_space<vmem>>, vector<4096x10xf32>,
    return
  }
}

</mosaic_0001>

<sc_bundles>
// kernel: kernel.5.cloned.1.call-start
scs
__scs_entry_jumppad:
0x0: {  	(pc) =	sbr.rel $0x88, $3  }
0x1: {  	(tag) =	ssettag $0x0;
	lr =	simm.s32 $0x1  }
0x2: {  	[smem:$0x3F8F] =	sst lr;
	_ =	strace $0xD0000000  }
0x3: {  	_ = 	snop  }
0x4: {  	_ = 	snop  }
0x5: {  	_ = 	snop  }
0x6: {  	_ = 	snop  }
0x7: {  	_ = 	snop  }
__scs_overlays_trampoline_lowered:
0x8: {  	[smem:$0x3F9E] =	sst s0  }
0x9: {  	[smem:$0x3F9F] =	sst s1  }
0xa: {  	[smem:$0x3FA0] =	sst s2  }
0xb: {  	[smem:$0x3FA1] =	sst s3  }
0xc: {  	[smem:$0x3FA2] =	sst s4  }
0xd: {  	[smem:$0x3FA3] =	sst s5  }
0xe: {  	[smem:$0x3FA4] =	sst s6  }
0xf: {  	[smem:$0x3FA5] =	sst s7  }
0x10: {  	[smem:$0x3FA6] =	sst s8  }
0x11: {  	[smem:$0x3FA7] =	sst s9;
	s0 =	simm.s32 @!p0 $0x0  }
0x12: {  	s1 =	sld [smem:$0x3F8D];
	s0 =	simm.s32 @p0 $0x1  }
0x13: {  	[smem:$0x3FA8] =	sst s0;
	s0 =	simm.s32 @!p1 $0x0  }
0x14: {  	s2 =	sld [smem:$0x3F8C];
	s0 =	simm.s32 @p1 $0x1  }
0x15: {  	[smem:$0x3FA9] =	sst s0;
	s0 =	simm.s32 @!p2 $0x0  }
0x16: {  	s3 =	sld [smem:$0x3FDB];
	s0 =	simm.s32 @p2 $0x1  }
0x17: {  	s4 =	simm.s32 $0x1BF5;
	[smem:$0x3FAB] =	sst s0  }
0x18: {  	s0 =	sld [smem:$0x3F8E];
	_ =	swait.ge [sflag:s4], $0x0  }
0x19: {  	s7 =	sld [smem:$0x3F8F]  }
0x1a: {  	s8 =	sadd.s32 $0xFFFFE003, lr  }
0x1b: {  	s9 =	sadd.s32 $0xFFFFFEF7, lr;
	s5 =	simm.s32 $0xFFFFFFFF;
	p2 =	slt.u32 s8, $0xFFFFF086  }
0x1c: {  	p1 =	slt.u32 s9, $0xF7A;
	s5 =	simm.s32 @!p2 $0x0  }
0x1d: {  	s5 =	simm.s32 @p1 $0x1;
	p0 =	seq.s32 s7, s2  }
0x1e: {  	s7 =	smul.u32 @!p0 $0xF7A, s2;
	p2 =	seq.s32 @!p0 s5, $0x0  }
0x1f: {  	s9 =	smul.u32 $0xF7A, s1;
	s8 =	simm.s32 @!p0 $0x1BF5;
	p2 =	por !p2, p0  }
0x20: {  	[sflag:s8] =	ssyncset.s32 @!p0 $0xFFFFF086;
	s6 =	sadd.s32 @!p0 s3, s7;
	s7 =	simm.s32 @!p0 $0x108  }
0x21: {  	s3 =	sadd.s32 s3, s9;
	s6 =	sadd.s32 @!p0 $0x88, s6;
	s7 =	simm.s32 @p2 $0x1082  }
0x22: {  	[simem:s7], [sflag:s8] =	dma.local @!p0 [hbm:s6], $0xF7A  }
0x23: {  	s9 =	sor.u32 $0xD0000000, s2;
	s6 =	simm.s32 $0x108;
	_ =	swait.ge @!p0 [sflag:s8], $0x0  }
0x24: {  	s3 =	sadd.s32 $0x88, s3;
	s6 =	simm.s32 @!p1 $0x1082;
	[sflag:s4] =	ssyncset.s32 $0xFFFFF086  }
0x25: {  	[simem:s6], [sflag:s4] =	dma.local [hbm:s3], $0xF7A  }
0x26: {  	[smem:$0x3F8F] =	sst s1;
	(tag) =	ssettag s2;
	_ =	strace s9  }
0x27: {  	s1 =	sld [smem:$0x3F9F]  }
0x28: {  	s2 =	sld [smem:$0x3FA0]  }
0x29: {  	s4 =	sld [smem:$0x3FA2]  }
0x2a: {  	p0 =	seq.s32 s5, $0x0;
	s5 =	sld [smem:$0x3FA3]  }
0x2b: {  	s6 =	sld [smem:$0x3FA4]  }
0x2c: {  	s7 =	sld [smem:$0x3FA5]  }
0x2d: {  	s3 =	simm.s32 $0x108;
	s8 =	sld [smem:$0x3FA6]  }
0x2e: {  	s3 =	simm.s32 @!p0 $0x1082;
	s9 =	sld [smem:$0x3FA7]  }
0x2f: {  	lr =	sadd.s32 s0, s3;
	s0 =	sld [smem:$0x3F9E]  }
0x30: {  	s3 =	sld [smem:$0x3FA1]  }
0x31: {  	[smem:$0x3FAA] =	sst s10  }
0x32: {  	s10 =	sld [smem:$0x3FA8];
	_ =	sdelay $0x3  }
0x33: {  	p0 =	seq.s32 s10, $0x1;
	s10 =	sld [smem:$0x3FAA];
	_ =	sdelay $0x3  }
0x34: {  	[smem:$0x3FAA] =	sst s10  }
0x35: {  	s10 =	sld [smem:$0x3FA9];
	_ =	sdelay $0x3  }
0x36: {  	p1 =	seq.s32 s10, $0x1;
	s10 =	sld [smem:$0x3FAA];
	_ =	sdelay $0x3  }
0x37: {  	[smem:$0x3FAA] =	sst s10  }
0x38: {  	s10 =	sld [smem:$0x3FAB]  }
0x39: {  	_ = 	snop;
	(pc) =	sbr.ind lr, $3  }
0x3a: {  	_ = 	snop  }
0x3b: {  	_ = 	snop  }
0x3c: {  	p2 =	seq.s32 s10, $0x1;
	s10 =	sld [smem:$0x3FAA]  }
0x3d: {  	_ =	shalt  }
0x3e: {  	_ =	shalt  }
0x3f: {  	_ =	shalt  }
0x40: {  	_ =	shalt  }
0x41: {  	_ =	shalt  }
0x42: {  	_ =	shalt  }
0x43: {  	_ =	shalt  }
0x44: {  	_ =	shalt  }
0x45: {  	_ =	shalt  }
0x46: {  	_ =	shalt  }
0x47: {  	_ =	shalt  }
0x48: {  	_ =	shalt  }
0x49: {  	_ =	shalt  }
0x4a: {  	_ =	shalt  }
0x4b: {  	_ =	shalt  }
0x4c: {  	_ =	shalt  }
0x4d: {  	_ =	shalt  }
0x4e: {  	_ =	shalt  }
0x4f: {  	_ =	shalt  }
0x50: {  	_ =	shalt  }
0x51: {  	_ =	shalt  }
0x52: {  	_ =	shalt  }
0x53: {  	_ =	shalt  }
0x54: {  	_ =	shalt  }
0x55: {  	_ =	shalt  }
0x56: {  	_ =	shalt  }
0x57: {  	_ =	shalt  }
0x58: {  	_ =	shalt  }
0x59: {  	_ =	shalt  }
0x5a: {  	_ =	shalt  }
0x5b: {  	_ =	shalt  }
0x5c: {  	_ =	shalt  }
0x5d: {  	_ =	shalt  }
0x5e: {  	_ =	shalt  }
0x5f: {  	_ =	shalt  }
0x60: {  	_ =	shalt  }
0x61: {  	_ =	shalt  }
0x62: {  	_ =	shalt  }
0x63: {  	_ =	shalt  }
0x64: {  	_ =	shalt  }
0x65: {  	_ =	shalt  }
0x66: {  	_ =	shalt  }
0x67: {  	_ =	shalt  }
0x68: {  	_ =	shalt  }
0x69: {  	_ =	shalt  }
0x6a: {  	_ =	shalt  }
0x6b: {  	_ =	shalt  }
0x6c: {  	_ =	shalt  }
0x6d: {  	_ =	shalt  }
0x6e: {  	_ =	shalt  }
0x6f: {  	_ =	shalt  }
0x70: {  	_ =	shalt  }
0x71: {  	_ =	shalt  }
0x72: {  	_ =	shalt  }
0x73: {  	_ =	shalt  }
0x74: {  	_ =	shalt  }
0x75: {  	_ =	shalt  }
0x76: {  	_ =	shalt  }
0x77: {  	_ =	shalt  }
0x78: {  	_ =	shalt  }
0x79: {  	_ =	shalt  }
0x7a: {  	_ =	shalt  }
0x7b: {  	_ =	shalt  }
0x7c: {  	_ =	shalt  }
0x7d: {  	_ =	shalt  }
0x7e: {  	_ =	shalt  }
0x7f: {  	_ =	shalt  }
0x80: {  	_ =	shalt  }
0x81: {  	_ =	shalt  }
0x82: {  	_ =	shalt  }
0x83: {  	_ =	shalt  }
0x84: {  	_ =	shalt  }
0x85: {  	_ =	shalt  }
0x86: {  	_ =	shalt  }
0x87: {  	_ =	shalt  }
.Lfunc_end0:
.L_simem_size_0:
called_computation_lowered:
.L_overlay_start_0:
0x88: {  	s2 =	sld [smem:$0x3FD9]  }
0x89: {  	s3 =	sld [smem:$0x3FFE];
	_ =	sdelay $0x1  }
0x8a: {  	s1 =	srdreg.scid  }
0x8b: {  	s0 =	sand.u32 $0x1, s1  }
0x8c: {  	s16 =	sshll.u32 s0, $0xA;
	s2 =	sadd.s32 s3, s2  }
0x8d: {  	s2 =	sadd.s32 s2, s16  }
0x8e: {  	[smem:$0x3FB6] =	sst s2  }
0x8f: {  	_ = 	snop  }
0x90: {  	(tm) =	ssettm $0x1  }
0x91: {  	s17 =	sld [smem:$0x3FFB];
	_ =	sdelay $0x3  }
0x92: {  	_ =	strace s17  }
0x93: {  	s2 =	sld [smem:$0x3FFC];
	_ =	sdelay $0x3  }
0x94: {  	_ =	strace s2  }
0x95: {  	s2 =	sld [smem:$0x3FFD];
	_ =	sdelay $0x3  }
0x96: {  	_ =	strace s2  }
0x97: {  	_ =	strace $0x8FFFFFFF  }
0x98: {  	s18 =	sld [smem:$0x3FDB];
	_ =	sdelay $0x1  }
0x99: {  	s19 =	simm.s32 $_scs_section_size  }
0x9a: {  	s4 =	simm.s32 $_size__tile_overlayer_lowered;
	s5 =	simm.s32 $_tile_overlayer_lowered  }
0x9b: {  	s22 =	simm.s32 $0x1BFF;
	s21 =	sshll.u32 s5, $0x1;
	s2 =	sadd.s32 s19, s18  }
0x9c: {  	s6 =	simm.s32 $0x0;
	s20 =	sshll.u32 s4, $0x1;
	s4 =	sadd.s32 s21, s2  }
0x9d: {  	[timem:s6], [sflag:s22] =	dma.local [hbm:s4], s20  }
0x9e: {  	_ =	swait.ge [sflag:s22], s20  }
0x9f: {  	s3 =	ssub.s32 $0x0, s20;
	[sflag:s22] =	ssyncset.done $0x0  }
0xa0: {  	[sflag:s22] =	ssyncadd.s32 s3;
	_ =	sdelay $0x1  }
0xa1: {  	s23 =	simm.s32 $0x1B8B  }
0xa2: {  	_ =	swait.ge [sflag:s23], $0x1  }
0xa3: {  	[sflag:s23] =	ssyncset.done $0x0  }
0xa4: {  	s25 =	simm.s32 $0x1B8E;
	s24 =	sld [smem:$0x3FFE];
	[sflag:s23] =	ssyncadd.s32 $0xFFFFFFFF  }
0xa5: {  	s26 =	simm.s32 $execute0_lowered;
	[smem:$0x3FD2] =	sst s25  }
0xa6: {  	s4 =	sshll.u32 s26, $0x1;
	_ =	strace $0x80000046;
	[dreg:$0x1] =	wrdreg $0xFFFFFFFF  }
0xa7: {  	s28 =	simm.s32 $_size_execute0_lowered;
	s2 =	sadd.s32 s2, s4;
	[dreg:$0x0] =	wrdreg $0x0  }
0xa8: {  	s4 =	sshll.u32 s28, $0x1;
	[dreg:$0x2] =	wrdreg s2  }
0xa9: {  	[dreg:$0x3] =	wrdreg s4  }
0xaa: {  	[dreg:$0x4] =	wrdreg $0xC0  }
0xab: {  	_ =	task [dreg:s6], $0x5FFFF  }
0xac: {  	[dreg:$0x1] =	wrdreg $0xFFFFFFFF  }
0xad: {  	[dreg:$0x0] =	wrdreg $0x60  }
0xae: {  	[dreg:$0x2] =	wrdreg s24  }
0xaf: {  	[dreg:$0x3] =	wrdreg $0x9  }
0xb0: {  	_ =	task.clear_ibuf [dreg:s6], $0x4FFFF;
	_ =	strace $0x90000046  }
0xb1: {  	s29 =	simm.s32 $0x9;
	_ =	strace $0x80000048  }
0xb2: {  	_ =	swait.ge [sflag:s29], $0x1  }
0xb3: {  	[sflag:s29] =	ssyncadd.s32 $0xFFFFFFFF  }
0xb4: {  	_ =	strace $0x90000048  }
0xb5: {  	_ =	sfence  }
0xb6: {  	s30 =	sld [smem:$0x0];
	_ =	sdelay $0x2  }
0xb7: {  	s31 =	sshll.u32 s1, $0xD;
	s1 =	sshrl.u32 s1, $0x2  }
0xb8: {  	s3 =	sand.u32 $0x4000, s31;
	s1 =	sadd.s32 s1, s30  }
0xb9: {  	s0 =	sor.u32 s3, s0;
	s1 =	sshll.u32 s1, $0x11  }
0xba: {  	s0 =	sor.u32 s1, s0  }
0xbb: {  	s0 =	sadd.s32 $0x8F2B, s0  }
0xbc: {  	[sflag:s0] =	ssyncadd.remote.s32 $0x1  }
0xbd: {  	_ =	sfence.sel $0xFFFF  }
0xbe: {  	[dreg:$0x0] =	wrdreg $0xFFFFFFFF;
	(pc) =	sbr.abs _section_cstart, $3  }
0xbf: {  	[dreg:$0x1] =	wrdreg $0xFFFFFFFF  }
0xc0: {  	_ =	task.clear_ibuf [dreg:s6], $0x2FFFF;
	_ =	strace $0x9FFFFFFF  }
0xc1: {  	(tm) =	ssettm $0x7FFFFFFF  }
tec
execute0_lowered:
.L_overlay_start_1:
0x0: {  	(tag) =	ssettag $0x1  }
0x1: {  	s0 =	srdreg.scid  }
0x2: {  	s2 =	stileid.u32;
	s1 =	rddreg [dreg:$0x0]  }
0x3: {  	s7 =	simm.s32 $0x3;
	s8 =	simm.s32 $0x28;
	s13 =	simm.s32 $0x78  }
0x4: {  	s14 =	simm.s32 $0x8200;
	s15 =	simm.s32 $0xA0;
	s16 =	simm.s32 $0x8C00  }
0x5: {  	s17 =	simm.s32 $0xC8;
	s18 =	simm.s32 $0x9600;
	s19 =	simm.s32 $0xF0  }
0x6: {  	s20 =	simm.s32 $0xA000;
	s21 =	simm.s32 $0x118;
	s22 =	simm.s32 $0xAA00  }
0x7: {  	s23 =	simm.s32 $0x140;
	s24 =	simm.s32 $0xB400;
	s25 =	simm.s32 $0x168  }
0x8: {  	s26 =	simm.s32 $0xBE00;
	s28 =	simm.s32 $0x1;
	s29 =	simm.s32 $0x2  }
0x9: {  	s30 =	simm.s32 $0xC800;
	s31 =	simm.s32 $0x0;
	s0 =	sand.u32 $0x1, s0  }
0xa: {  	s3 =	sshll.u32 s2, $0x8;
	s2 =	simm.s32 $0x0;
	s4 =	sshll.u32 s0, $0x7  }
.Ltmp0:
0xb: {  	[smem:$0x7FF] =	sst s2;
	s3 =	sor.u32 s4, s3;
	(pc) =	sbr.rel .LBB2_1-.Ltmp0, $4  }
0xc: {  	s0 =	ssub.s32 $0x2, s0;
	_ =	strace $0x80000047;
	s4 =	smul.u32 $0x19, s3  }
0xd: {  	s6 =	sshrl.u32 s0, $0x1;
	s5 =	sshll.u32 s3, $0x3;
	s3 =	sadd.s32 $0xF44C00, s1  }
0xe: {  	s0 =	ssub.s32 s0, s6;
	s4 =	sadd.s32 s4, s1;
	s1 =	sadd.s32 s5, s1  }
0xf: {  	s6 =	smax.u32 s0, $0x1;
	s4 =	sadd.s32 $0x2800, s4;
	s5 =	sadd.s32 $0x1B800, s1  }
.LBB2_8:
0x10: {  	s31 =	sadd.s32 $0x1, s31  }
0x11: {  	p0 =	sne.s32 s31, s6  }
.Ltmp1:
0x12: {  	_ = 	snop;
	(pc) =	sbr.rel @!p0 .LBB2_9-.Ltmp1, $4  }
0x13: {  	[hbm4b:s5+s2] =	stream.linear.scatter [tilespmem:s30], [sflag:$0x3], $0x2000, $0x38;
	[tilespmem:$0xE800] =	vst v63  }
0x14: {  	_ =	swait.ge [sflag:s7], $0x2000  }
0x15: {  	[sflag:s7] =	ssyncset.done $0x0  }
0x16: {  	[sflag:s7] =	ssyncadd.s32 $0xFFFFE000  }
.LBB2_1:
0x17: {  	[tilespmem:s2], [sflag:$0x3] =	stream.linear.gather [hbm4b:s4+s2], $0x6400, $0x38;
	[tilespmem:$0xE800] =	vst v63  }
0x18: {  	_ =	swait.ge [sflag:s7], $0x6400  }
0x19: {  	[sflag:s7] =	ssyncset.done $0x0  }
0x1a: {  	s0 =	simm.s32 $0x6400;
	[sflag:s7] =	ssyncadd.s32 $0xFFFF9C00  }
0x1b: {  	[tilespmem:s0], [sflag:$0x1] =	stream.indirect.gather [hbm4b:s3+s8], $0x40, s2, s8, $0xb8;
	[tilespmem:$0xE800] =	vst v63  }
0x1c: {  	s11 =	simm.s32 $0x6E00  }
0x1d: {  	[tilespmem:s11], [sflag:$0x1] =	stream.indirect.gather [hbm4b:s3+s8], $0x40, s8, s8, $0xb8;
	[tilespmem:$0xE800] =	vst v63  }
0x1e: {  	s12 =	simm.s32 $0x50;
	s1 =	simm.s32 $0x7800  }
0x1f: {  	[tilespmem:s1], [sflag:$0x1] =	stream.indirect.gather [hbm4b:s3+s8], $0x40, s12, s8, $0xb8;
	[tilespmem:$0xE800] =	vst v63  }
0x20: {  	_ = 	snop  }
0x21: {  	[tilespmem:s14], [sflag:$0x1] =	stream.indirect.gather [hbm4b:s3+s8], $0x40, s13, s8, $0xb8;
	[tilespmem:$0xE800] =	vst v63  }
0x22: {  	_ = 	snop  }
0x23: {  	[tilespmem:s16], [sflag:$0x1] =	stream.indirect.gather [hbm4b:s3+s8], $0x40, s15, s8, $0xb8;
	[tilespmem:$0xE800] =	vst v63  }
0x24: {  	_ = 	snop  }
0x25: {  	[tilespmem:s18], [sflag:$0x2] =	stream.indirect.gather [hbm4b:s3+s8], $0x40, s17, s8, $0xb8;
	[tilespmem:$0xE800] =	vst v63  }
0x26: {  	_ = 	snop  }
0x27: {  	[tilespmem:s20], [sflag:$0x2] =	stream.indirect.gather [hbm4b:s3+s8], $0x40, s19, s8, $0xb8;
	[tilespmem:$0xE800] =	vst v63  }
0x28: {  	_ = 	snop  }
0x29: {  	[tilespmem:s22], [sflag:$0x2] =	stream.indirect.gather [hbm4b:s3+s8], $0x40, s21, s8, $0xb8;
	[tilespmem:$0xE800] =	vst v63  }
0x2a: {  	_ = 	snop  }
0x2b: {  	[tilespmem:s24], [sflag:$0x2] =	stream.indirect.gather [hbm4b:s3+s8], $0x40, s23, s8, $0xb8;
	[tilespmem:$0xE800] =	vst v63  }
0x2c: {  	s1 =	simm.s32 $0x0  }
0x2d: {  	[tilespmem:s26], [sflag:$0x2] =	stream.indirect.gather [hbm4b:s3+s8], $0x40, s25, s8, $0xb8;
	[tilespmem:$0xE800] =	vst v63  }
.LBB2_2:
0x2e: {  	_ =	swait.ge [sflag:s28], $0x3200  }
0x2f: {  	[sflag:s28] =	ssyncset.done $0x0  }
0x30: {  	s9 =	simm.s32 $0x0;
	[sflag:s28] =	ssyncadd.s32 $0xFFFFCE00  }
0x31: {  	v0 =	vld [tilespmem:s9+$0x6430]  }
0x32: {  	v1 =	vld [tilespmem:s9+$0x6470]  }
0x33: {  	v2 =	vld [tilespmem:s9+$0x64B0]  }
0x34: {  	v3 =	vld [tilespmem:s9+$0x64F0]  }
0x35: {  	v4 =	vld [tilespmem:s9+$0x6530]  }
0x36: {  	v5 =	vld [tilespmem:s9+$0x6570]  }
0x37: {  	v6 =	vld [tilespmem:s9+$0x65B0]  }
0x38: {  	v7 =	vld [tilespmem:s9+$0x65F0]  }
0x39: {  	v8 =	vld [tilespmem:s9+$0x6400]  }
0x3a: {  	v9 =	vld [tilespmem:s9+$0x6410]  }
0x3b: {  	v10 =	vld [tilespmem:s9+$0x6420]  }
0x3c: {  	v11 =	vld [tilespmem:s9+$0x6440]  }
0x3d: {  	v12 =	vld [tilespmem:s9+$0x6450]  }
0x3e: {  	v13 =	vld [tilespmem:s9+$0x6460]  }
0x3f: {  	v14 =	vld [tilespmem:s9+$0x6480]  }
0x40: {  	v15 =	vld [tilespmem:s9+$0x6490]  }
0x41: {  	v16 =	vld [tilespmem:s9+$0x64A0]  }
0x42: {  	v17 =	vld [tilespmem:s9+$0x64C0]  }
0x43: {  	v18 =	vld [tilespmem:s9+$0x64D0]  }
0x44: {  	v19 =	vld [tilespmem:s9+$0x64E0]  }
0x45: {  	v20 =	vld [tilespmem:s9+$0x6500]  }
0x46: {  	v21 =	vld [tilespmem:s9+$0x6510]  }
0x47: {  	v22 =	vld [tilespmem:s9+$0x6520]  }
0x48: {  	v23 =	vld [tilespmem:s9+$0x6540]  }
0x49: {  	v24 =	vld [tilespmem:s9+$0x6560]  }
0x4a: {  	v0 =	vadd.f32 v1, v0;
	v1 =	vadd.f32 v3, v2;
	v2 =	vld [tilespmem:s9+$0x6550]  }
0x4b: {  	v3 =	vadd.f32 v5, v4;
	v4 =	vadd.f32 v7, v6;
	v7 =	vld [tilespmem:s9+$0x6580]  }
0x4c: {  	v5 =	vadd.f32 v12, v9;
	v6 =	vadd.f32 v13, v10;
	v13 =	vld [tilespmem:s9+$0x65D0]  }
0x4d: {  	v9 =	vadd.f32 v17, v14;
	v14 =	vld [tilespmem:s9+$0x65E0];
	v0 =	vadd.f32 v1, v0  }
0x4e: {  	v1 =	vadd.f32 v4, v3;
	v4 =	vadd.f32 v11, v8;
	v8 =	vld [tilespmem:s9+$0x65C0]  }
0x4f: {  	v12 =	vadd.f32 v19, v16;
	v3 =	vld [tilespmem:s9+$0x6590]  }
0x50: {  	s0 =	simm.s32 $0x200;
	v10 =	vadd.f32 v18, v15;
	v16 =	vadd.f32 v24, v22;
	v11 =	vld [tilespmem:s9+$0x65A0]  }
0x51: {  	v15 =	vadd.f32 v9, v4;
	v4 =	vadd.f32 v12, v6;
	v6 =	vld [tilespmem:s0+$0x6430]  }
0x52: {  	v5 =	vadd.f32 v10, v5;
	v10 =	vadd.f32 v23, v20;
	v9 =	vld [tilespmem:s0+$0x64F0]  }
0x53: {  	v0 =	vadd.f32 v1, v0;
	v12 =	vadd.f32 v8, v7;
	v7 =	vld [tilespmem:s0+$0x6470]  }
0x54: {  	v2 =	vadd.f32 v2, v21;
	v8 =	vld [tilespmem:s0+$0x64B0];
	v3 =	vadd.f32 v13, v3  }
0x55: {  	v1 =	vimm.f32 $0.0e+00;
	v17 =	vadd.f32 v14, v11;
	v11 =	vld [tilespmem:s0+$0x6570];
	v12 =	vadd.f32 v12, v10  }
0x56: {  	v0 =	vadd.f32 v0, v1;
	v10 =	vld [tilespmem:s0+$0x6530];
	v14 =	vadd.f32 v3, v2;
	v2 =	vimm.f32 $0.0e+00  }
0x57: {  	s9 =	simm.s32 $0x1000;
	v3 =	vimm.f32 $0.0e+00;
	v13 =	vadd.f32 v12, v15;
	v12 =	vld [tilespmem:s0+$0x65B0];
	v15 =	vadd.f32 v17, v16  }
.LBB2_3:
0x58: {  	p0 =	sne.s32 s9, $0xC000;
	v16 =	vld [tilespmem:s0+$0x65F0];
	v5 =	vadd.f32 v14, v5  }
0x59: {  	v14 =	vld [tilespmem:s0+$0x6400];
	v1 =	vadd.f32 v13, v1;
	v4 =	vadd.f32 v15, v4  }
0x5a: {  	v13 =	vld [tilespmem:s0+$0x6410];
	v2 =	vadd.f32 v5, v2  }
0x5b: {  	v5 =	vld [tilespmem:s0+$0x6420];
	v3 =	vadd.f32 v4, v3  }
0x5c: {  	v6 =	vadd.f32 v7, v6;
	v7 =	vadd.f32 v9, v8;
	v4 =	vld [tilespmem:s0+$0x6440]  }
0x5d: {  	v9 =	vadd.f32 v11, v10;
	v8 =	vld [tilespmem:s0+$0x6450];
	v10 =	vadd.f32 v16, v12  }
0x5e: {  	v11 =	vld [tilespmem:s0+$0x6460]  }
0x5f: {  	v6 =	vadd.f32 v7, v6;
	v12 =	vld [tilespmem:s0+$0x6480];
	v7 =	vadd.f32 v10, v9  }
0x60: {  	v9 =	vld [tilespmem:s0+$0x6490]  }
0x61: {  	v10 =	vld [tilespmem:s0+$0x64A0];
	v4 =	vadd.f32 v4, v14;
	v6 =	vadd.f32 v7, v6  }
0x62: {  	v7 =	vld [tilespmem:s0+$0x64C0];
	v8 =	vadd.f32 v8, v13  }
0x63: {  	v13 =	vld [tilespmem:s0+$0x64D0];
	v11 =	vadd.f32 v11, v5;
	v0 =	vadd.f32 v6, v0  }
0x64: {  	v5 =	vld [tilespmem:s0+$0x64E0]  }
0x65: {  	v6 =	vld [tilespmem:s0+$0x6500]  }
0x66: {  	v14 =	vld [tilespmem:s0+$0x6510]  }
0x67: {  	v15 =	vld [tilespmem:s0+$0x6520];
	v7 =	vadd.f32 v7, v12  }
0x68: {  	v12 =	vld [tilespmem:s0+$0x6540];
	v9 =	vadd.f32 v13, v9  }
0x69: {  	v13 =	vld [tilespmem:s0+$0x6550];
	v16 =	vadd.f32 v7, v4;
	v4 =	vadd.f32 v5, v10  }
0x6a: {  	v7 =	vld [tilespmem:s0+$0x6560];
	v5 =	vadd.f32 v9, v8  }
0x6b: {  	v9 =	vld [tilespmem:s0+$0x6580];
	v4 =	vadd.f32 v4, v11  }
0x6c: {  	v10 =	vld [tilespmem:s0+$0x6590]  }
0x6d: {  	v11 =	vld [tilespmem:s0+$0x65A0];
	v12 =	vadd.f32 v12, v6  }
0x6e: {  	v17 =	vld [tilespmem:s0+$0x65C0];
	v13 =	vadd.f32 v13, v14  }
0x6f: {  	v14 =	vld [tilespmem:s0+$0x65D0];
	v15 =	vadd.f32 v7, v15  }
0x70: {  	v18 =	vld [tilespmem:s0+$0x65E0];
	s0 =	sshra.s32 s9, $0x2  }
0x71: {  	v6 =	vld [tilespmem:s0+$0x6430]  }
0x72: {  	v7 =	vld [tilespmem:s0+$0x6470]  }
.Ltmp2:
0x73: {  	v8 =	vld [tilespmem:s0+$0x64B0];
	v17 =	vadd.f32 v17, v9;
	(pc) =	sbr.rel @p0 .LBB2_3-.Ltmp2, $4  }
0x74: {  	v9 =	vld [tilespmem:s0+$0x64F0];
	v14 =	vadd.f32 v14, v10  }
0x75: {  	v10 =	vld [tilespmem:s0+$0x6530];
	v17 =	vadd.f32 v17, v12;
	v18 =	vadd.f32 v18, v11  }
0x76: {  	v11 =	vld [tilespmem:s0+$0x6570];
	v14 =	vadd.f32 v14, v13  }
0x77: {  	s9 =	sadd.s32 $0x800, s9;
	v12 =	vld [tilespmem:s0+$0x65B0];
	v13 =	vadd.f32 v17, v16;
	v15 =	vadd.f32 v18, v15  }
0x78: {  	v16 =	vld [tilespmem:s0+$0x65F0]  }
0x79: {  	v17 =	vld [tilespmem:s0+$0x6400]  }
0x7a: {  	v18 =	vld [tilespmem:s0+$0x6410]  }
0x7b: {  	v19 =	vld [tilespmem:s0+$0x6420]  }
0x7c: {  	v20 =	vld [tilespmem:s0+$0x6440]  }
0x7d: {  	v21 =	vld [tilespmem:s0+$0x6450]  }
0x7e: {  	v22 =	vld [tilespmem:s0+$0x6460]  }
0x7f: {  	v23 =	vld [tilespmem:s0+$0x6480]  }
0x80: {  	v24 =	vld [tilespmem:s0+$0x6490]  }
0x81: {  	v25 =	vld [tilespmem:s0+$0x64A0]  }
0x82: {  	v26 =	vld [tilespmem:s0+$0x64C0]  }
0x83: {  	v27 =	vld [tilespmem:s0+$0x64D0]  }
0x84: {  	v28 =	vld [tilespmem:s0+$0x64E0]  }
0x85: {  	v29 =	vld [tilespmem:s0+$0x6500]  }
0x86: {  	v30 =	vld [tilespmem:s0+$0x6510]  }
0x87: {  	v31 =	vld [tilespmem:s0+$0x6520]  }
0x88: {  	v32 =	vld [tilespmem:s0+$0x6540];
	v5 =	vadd.f32 v14, v5  }
0x89: {  	v14 =	vld [tilespmem:s0+$0x6550];
	v4 =	vadd.f32 v15, v4  }
0x8a: {  	v55 =	vld [tilespmem:s0+$0x65E0];
	v1 =	vadd.f32 v13, v1;
	v2 =	vadd.f32 v5, v2  }
0x8b: {  	v13 =	vld [tilespmem:s0+$0x6560];
	v5 =	vadd.f32 v7, v6;
	v6 =	vadd.f32 v9, v8  }
0x8c: {  	v7 =	vld [tilespmem:s0+$0x6590];
	v3 =	vadd.f32 v4, v3  }
0x8d: {  	v4 =	vld [tilespmem:s0+$0x6580];
	v8 =	vadd.f32 v11, v10;
	v5 =	vadd.f32 v6, v5  }
0x8e: {  	v10 =	vld [tilespmem:s0+$0x65A0];
	v9 =	vadd.f32 v16, v12;
	v6 =	vadd.f32 v20, v17  }
0x8f: {  	v11 =	vld [tilespmem:s0+$0x65C0];
	v12 =	vadd.f32 v21, v18;
	v15 =	vadd.f32 v26, v23  }
0x90: {  	v16 =	vld [tilespmem:s0+$0x65D0];
	v17 =	vadd.f32 v22, v19;
	v54 =	vadd.f32 v27, v24  }
0x91: {  	v56 =	vadd.f32 v32, v29;
	v14 =	vadd.f32 v14, v30  }
0x92: {  	v6 =	vadd.f32 v15, v6;
	v15 =	vadd.f32 v28, v25  }
0x93: {  	v12 =	vadd.f32 v54, v12;
	v8 =	vadd.f32 v9, v8  }
0x94: {  	v4 =	vadd.f32 v11, v4;
	v11 =	vadd.f32 v13, v31  }
0x95: {  	v10 =	vadd.f32 v55, v10;
	v7 =	vadd.f32 v16, v7  }
0x96: {  	v13 =	vadd.f32 v15, v17;
	v4 =	vadd.f32 v4, v56  }
0x97: {  	v5 =	vadd.f32 v8, v5;
	v7 =	vadd.f32 v7, v14  }
0x98: {  	v4 =	vadd.f32 v4, v6;
	v6 =	vadd.f32 v10, v11  }
0x99: {  	v0 =	vadd.f32 v5, v0;
	v7 =	vadd.f32 v7, v12  }
0x9a: {  	v1 =	vadd.f32 v4, v1;
	v4 =	vadd.f32 v6, v13  }
0x9b: {  	s11 =	sshll.u32 s1, $0x7;
	v0 =	vmul.f32 $4.999999890e-03, v0;
	v2 =	vadd.f32 v7, v2  }
0x9c: {  	p0 =	seq.s32 s1, $0x3F;
	s0 =	sand.u32 $0x3FFFFF80, s11;
	v3 =	vadd.f32 v4, v3;
	v1 =	vmul.f32 $4.999999890e-03, v1  }
0x9d: {  	s9 =	smul.u32 @!p0 $0x640, s1;
	[tilespmem:s0+$0xC830] =	vst v0;
	v2 =	vmul.f32 $4.999999890e-03, v2  }
0x9e: {  	[tilespmem:s0+$0xC800] =	vst v1;
	v1 =	vmul.f32 $4.999999890e-03, v3  }
0x9f: {  	s9 =	sshra.s32 @!p0 s9, $0x2;
	[tilespmem:s0+$0xC810] =	vst v2  }
0xa0: {  	s12 =	simm.s32 @!p0 $0x6400;
	s10 =	sadd.s32 @!p0 $0x190, s9;
	s11 =	simm.s32 @!p0 $0x28;
	[tilespmem:s0+$0xC820] =	vst v1  }
0xa1: {  	[tilespmem:s12], [sflag:$0x1] =	stream.indirect.gather @!p0 [hbm4b:s3+s11], $0x40, s10, s11, $0xb8;
	[tilespmem:$0xE800] =	vst v63  }
0xa2: {  	s10 =	sadd.s32 @!p0 $0x1B8, s9;
	s12 =	simm.s32 @!p0 $0x6E00  }
0xa3: {  	[tilespmem:s12], [sflag:$0x1] =	stream.indirect.gather @!p0 [hbm4b:s3+s11], $0x40, s10, s11, $0xb8;
	[tilespmem:$0xE800] =	vst v63  }
0xa4: {  	s10 =	sadd.s32 @!p0 $0x1E0, s9;
	s12 =	simm.s32 @!p0 $0x7800  }
0xa5: {  	[tilespmem:s12], [sflag:$0x1] =	stream.indirect.gather @!p0 [hbm4b:s3+s11], $0x40, s10, s11, $0xb8;
	[tilespmem:$0xE800] =	vst v63  }
0xa6: {  	s10 =	sadd.s32 @!p0 $0x208, s9;
	s12 =	simm.s32 @!p0 $0x8200  }
0xa7: {  	[tilespmem:s12], [sflag:$0x1] =	stream.indirect.gather @!p0 [hbm4b:s3+s11], $0x40, s10, s11, $0xb8;
	[tilespmem:$0xE800] =	vst v63  }
0xa8: {  	s9 =	sadd.s32 @!p0 $0x230, s9;
	s10 =	simm.s32 @!p0 $0x8C00  }
0xa9: {  	[tilespmem:s10], [sflag:$0x1] =	stream.indirect.gather @!p0 [hbm4b:s3+s11], $0x40, s9, s11, $0xb8;
	[tilespmem:$0xE800] =	vst v63  }
0xaa: {  	_ =	swait.ge [sflag:s29], $0x3200  }
0xab: {  	[sflag:s29] =	ssyncset.done $0x0  }
0xac: {  	s12 =	simm.s32 $0x0;
	[sflag:s29] =	ssyncadd.s32 $0xFFFFCE00  }
0xad: {  	v0 =	vld [tilespmem:s12+$0x9630]  }
0xae: {  	v1 =	vld [tilespmem:s12+$0x9670]  }
0xaf: {  	v2 =	vld [tilespmem:s12+$0x96B0]  }
0xb0: {  	v3 =	vld [tilespmem:s12+$0x96F0]  }
0xb1: {  	v4 =	vld [tilespmem:s12+$0x9730]  }
0xb2: {  	v5 =	vld [tilespmem:s12+$0x9770]  }
0xb3: {  	v6 =	vld [tilespmem:s12+$0x97B0]  }
0xb4: {  	v7 =	vld [tilespmem:s12+$0x97F0]  }
0xb5: {  	v8 =	vld [tilespmem:s12+$0x9600]  }
0xb6: {  	v9 =	vld [tilespmem:s12+$0x9610]  }
0xb7: {  	v10 =	vld [tilespmem:s12+$0x9620]  }
0xb8: {  	v11 =	vld [tilespmem:s12+$0x9640]  }
0xb9: {  	v12 =	vld [tilespmem:s12+$0x9650]  }
0xba: {  	v13 =	vld [tilespmem:s12+$0x9660]  }
0xbb: {  	v14 =	vld [tilespmem:s12+$0x9680]  }
0xbc: {  	v15 =	vld [tilespmem:s12+$0x9690]  }
0xbd: {  	v16 =	vld [tilespmem:s12+$0x96A0]  }
0xbe: {  	v17 =	vld [tilespmem:s12+$0x96C0]  }
0xbf: {  	v57 =	vld [tilespmem:s12+$0x96D0]  }
0xc0: {  	v58 =	vld [tilespmem:s12+$0x96E0]  }
0xc1: {  	v59 =	vld [tilespmem:s12+$0x9700]  }
0xc2: {  	v60 =	vld [tilespmem:s12+$0x9710]  }
0xc3: {  	v61 =	vld [tilespmem:s12+$0x9720]  }
0xc4: {  	v62 =	vld [tilespmem:s12+$0x9740]  }
0xc5: {  	v63 =	vld [tilespmem:s12+$0x9760]  }
0xc6: {  	v0 =	vadd.f32 v1, v0;
	v1 =	vadd.f32 v3, v2;
	v2 =	vld [tilespmem:s12+$0x9750]  }
0xc7: {  	v3 =	vadd.f32 v5, v4;
	v4 =	vadd.f32 v7, v6;
	v7 =	vld [tilespmem:s12+$0x9780]  }
0xc8: {  	v5 =	vadd.f32 v12, v9;
	v6 =	vadd.f32 v13, v10;
	v13 =	vld [tilespmem:s12+$0x97D0]  }
0xc9: {  	v9 =	vadd.f32 v17, v14;
	v14 =	vld [tilespmem:s12+$0x97E0];
	v0 =	vadd.f32 v1, v0  }
0xca: {  	v1 =	vadd.f32 v4, v3;
	v4 =	vadd.f32 v11, v8;
	v8 =	vld [tilespmem:s12+$0x97C0]  }
0xcb: {  	v12 =	vadd.f32 v58, v16;
	v3 =	vld [tilespmem:s12+$0x9790]  }
0xcc: {  	s9 =	simm.s32 $0x200;
	v10 =	vadd.f32 v57, v15;
	v16 =	vadd.f32 v63, v61;
	v11 =	vld [tilespmem:s12+$0x97A0]  }
0xcd: {  	v15 =	vadd.f32 v9, v4;
	v4 =	vadd.f32 v12, v6;
	v6 =	vld [tilespmem:s9+$0x9630]  }
0xce: {  	v5 =	vadd.f32 v10, v5;
	v10 =	vadd.f32 v62, v59;
	v9 =	vld [tilespmem:s9+$0x96F0]  }
0xcf: {  	v0 =	vadd.f32 v1, v0;
	v12 =	vadd.f32 v8, v7;
	v7 =	vld [tilespmem:s9+$0x9670]  }
0xd0: {  	v2 =	vadd.f32 v2, v60;
	v8 =	vld [tilespmem:s9+$0x96B0];
	v3 =	vadd.f32 v13, v3  }
0xd1: {  	v1 =	vimm.f32 $0.0e+00;
	v17 =	vadd.f32 v14, v11;
	v11 =	vld [tilespmem:s9+$0x9770];
	v12 =	vadd.f32 v12, v10  }
0xd2: {  	v0 =	vadd.f32 v0, v1;
	v10 =	vld [tilespmem:s9+$0x9730];
	v14 =	vadd.f32 v3, v2;
	v2 =	vimm.f32 $0.0e+00  }
0xd3: {  	s10 =	simm.s32 $0x1000;
	v3 =	vimm.f32 $0.0e+00;
	v13 =	vadd.f32 v12, v15;
	v12 =	vld [tilespmem:s9+$0x97B0];
	v15 =	vadd.f32 v17, v16  }
.LBB2_5:
0xd4: {  	p1 =	sne.s32 s10, $0xC000;
	v16 =	vld [tilespmem:s9+$0x97F0];
	v5 =	vadd.f32 v14, v5  }
0xd5: {  	v14 =	vld [tilespmem:s9+$0x9600];
	v1 =	vadd.f32 v13, v1;
	v4 =	vadd.f32 v15, v4  }
0xd6: {  	v13 =	vld [tilespmem:s9+$0x9610];
	v2 =	vadd.f32 v5, v2  }
0xd7: {  	v5 =	vld [tilespmem:s9+$0x9620];
	v3 =	vadd.f32 v4, v3  }
0xd8: {  	v6 =	vadd.f32 v7, v6;
	v7 =	vadd.f32 v9, v8;
	v4 =	vld [tilespmem:s9+$0x9640]  }
0xd9: {  	v9 =	vadd.f32 v11, v10;
	v8 =	vld [tilespmem:s9+$0x9650];
	v10 =	vadd.f32 v16, v12  }
0xda: {  	v11 =	vld [tilespmem:s9+$0x9660]  }
0xdb: {  	v6 =	vadd.f32 v7, v6;
	v12 =	vld [tilespmem:s9+$0x9680];
	v7 =	vadd.f32 v10, v9  }
0xdc: {  	v9 =	vld [tilespmem:s9+$0x9690]  }
0xdd: {  	v10 =	vld [tilespmem:s9+$0x96A0];
	v4 =	vadd.f32 v4, v14;
	v6 =	vadd.f32 v7, v6  }
0xde: {  	v7 =	vld [tilespmem:s9+$0x96C0];
	v8 =	vadd.f32 v8, v13  }
0xdf: {  	v13 =	vld [tilespmem:s9+$0x96D0];
	v11 =	vadd.f32 v11, v5;
	v0 =	vadd.f32 v6, v0  }
0xe0: {  	v5 =	vld [tilespmem:s9+$0x96E0]  }
0xe1: {  	v6 =	vld [tilespmem:s9+$0x9700]  }
0xe2: {  	v14 =	vld [tilespmem:s9+$0x9710]  }
0xe3: {  	v15 =	vld [tilespmem:s9+$0x9720];
	v7 =	vadd.f32 v7, v12  }
0xe4: {  	v12 =	vld [tilespmem:s9+$0x9740];
	v9 =	vadd.f32 v13, v9  }
0xe5: {  	v13 =	vld [tilespmem:s9+$0x9750];
	v16 =	vadd.f32 v7, v4;
	v4 =	vadd.f32 v5, v10  }
0xe6: {  	v7 =	vld [tilespmem:s9+$0x9760];
	v5 =	vadd.f32 v9, v8  }
0xe7: {  	v9 =	vld [tilespmem:s9+$0x9780];
	v4 =	vadd.f32 v4, v11  }
0xe8: {  	v10 =	vld [tilespmem:s9+$0x9790]  }
0xe9: {  	v11 =	vld [tilespmem:s9+$0x97A0];
	v12 =	vadd.f32 v12, v6  }
0xea: {  	v17 =	vld [tilespmem:s9+$0x97C0];
	v13 =	vadd.f32 v13, v14  }
0xeb: {  	v14 =	vld [tilespmem:s9+$0x97D0];
	v15 =	vadd.f32 v7, v15  }
0xec: {  	v18 =	vld [tilespmem:s9+$0x97E0];
	s9 =	sshra.s32 s10, $0x2  }
0xed: {  	v6 =	vld [tilespmem:s9+$0x9630]  }
0xee: {  	v7 =	vld [tilespmem:s9+$0x9670]  }
.Ltmp3:
0xef: {  	v8 =	vld [tilespmem:s9+$0x96B0];
	v17 =	vadd.f32 v17, v9;
	(pc) =	sbr.rel @p1 .LBB2_5-.Ltmp3, $4  }
0xf0: {  	v9 =	vld [tilespmem:s9+$0x96F0];
	v14 =	vadd.f32 v14, v10  }
0xf1: {  	v10 =	vld [tilespmem:s9+$0x9730];
	v17 =	vadd.f32 v17, v12;
	v18 =	vadd.f32 v18, v11  }
0xf2: {  	v11 =	vld [tilespmem:s9+$0x9770];
	v14 =	vadd.f32 v14, v13  }
0xf3: {  	s10 =	sadd.s32 $0x800, s10;
	v12 =	vld [tilespmem:s9+$0x97B0];
	v13 =	vadd.f32 v17, v16;
	v15 =	vadd.f32 v18, v15  }
0xf4: {  	v16 =	vld [tilespmem:s9+$0x97F0]  }
0xf5: {  	v17 =	vld [tilespmem:s9+$0x9600]  }
0xf6: {  	v18 =	vld [tilespmem:s9+$0x9610]  }
0xf7: {  	v19 =	vld [tilespmem:s9+$0x9620]  }
0xf8: {  	v20 =	vld [tilespmem:s9+$0x9640]  }
0xf9: {  	v21 =	vld [tilespmem:s9+$0x9650]  }
0xfa: {  	v22 =	vld [tilespmem:s9+$0x9660]  }
0xfb: {  	v23 =	vld [tilespmem:s9+$0x9680]  }
0xfc: {  	v24 =	vld [tilespmem:s9+$0x9690]  }
0xfd: {  	v25 =	vld [tilespmem:s9+$0x96A0]  }
0xfe: {  	v26 =	vld [tilespmem:s9+$0x96C0]  }
0xff: {  	v27 =	vld [tilespmem:s9+$0x96D0]  }
0x100: {  	v28 =	vld [tilespmem:s9+$0x96E0]  }
0x101: {  	v29 =	vld [tilespmem:s9+$0x9700]  }
0x102: {  	v30 =	vld [tilespmem:s9+$0x9710]  }
0x103: {  	v31 =	vld [tilespmem:s9+$0x9720]  }
0x104: {  	v32 =	vld [tilespmem:s9+$0x9740]  }
0x105: {  	v40 =	vld [tilespmem:s9+$0x9750]  }
0x106: {  	v5 =	vadd.f32 v14, v5;
	v41 =	vld [tilespmem:s9+$0x9760]  }
0x107: {  	v42 =	vld [tilespmem:s9+$0x9780];
	v43 =	vadd.f32 v7, v6;
	v4 =	vadd.f32 v15, v4  }
0x108: {  	v45 =	vld [tilespmem:s9+$0x9790];
	v1 =	vadd.f32 v13, v1;
	v44 =	vadd.f32 v9, v8  }
0x109: {  	v48 =	vld [tilespmem:s9+$0x97A0];
	v2 =	vadd.f32 v5, v2;
	v3 =	vadd.f32 v4, v3  }
0x10a: {  	v50 =	vld [tilespmem:s9+$0x97C0];
	v46 =	vadd.f32 v11, v10;
	v5 =	vadd.f32 v44, v43  }
0x10b: {  	v53 =	vld [tilespmem:s9+$0x97D0];
	v47 =	vadd.f32 v16, v12;
	v49 =	vadd.f32 v20, v17  }
0x10c: {  	v56 =	vld [tilespmem:s9+$0x97E0];
	v51 =	vadd.f32 v21, v18;
	v52 =	vadd.f32 v26, v23  }
0x10d: {  	v54 =	vadd.f32 v22, v19;
	v55 =	vadd.f32 v27, v24  }
0x10e: {  	v57 =	vadd.f32 v28, v25;
	v58 =	vadd.f32 v32, v29  }
0x10f: {  	v14 =	vadd.f32 v40, v30;
	v4 =	vadd.f32 v50, v42  }
0x110: {  	v59 =	vadd.f32 v41, v31;
	v7 =	vadd.f32 v53, v45  }
0x111: {  	v10 =	vadd.f32 v56, v48;
	v6 =	vadd.f32 v52, v49  }
0x112: {  	v12 =	vadd.f32 v55, v51;
	v4 =	vadd.f32 v4, v58  }
0x113: {  	v60 =	vadd.f32 v57, v54;
	v7 =	vadd.f32 v7, v14  }
0x114: {  	v61 =	vadd.f32 v10, v59;
	v4 =	vadd.f32 v4, v6  }
0x115: {  	v8 =	vadd.f32 v47, v46;
	v7 =	vadd.f32 v7, v12  }
0x116: {  	v62 =	vadd.f32 v61, v60;
	v1 =	vadd.f32 v4, v1  }
0x117: {  	v5 =	vadd.f32 v8, v5;
	v2 =	vadd.f32 v7, v2  }
0x118: {  	v3 =	vadd.f32 v62, v3;
	v1 =	vmul.f32 $4.999999890e-03, v1  }
.Ltmp4:
0x119: {  	v0 =	vadd.f32 v5, v0;
	v2 =	vmul.f32 $4.999999890e-03, v2;
	(pc) =	sbr.rel @p0 .LBB2_8-.Ltmp4, $4  }
0x11a: {  	v63 =	vmul.f32 $4.999999890e-03, v3;
	[tilespmem:s0+$0xC840] =	vst v1  }
0x11b: {  	v0 =	vmul.f32 $4.999999890e-03, v0;
	[tilespmem:s0+$0xC850] =	vst v2  }
0x11c: {  	[tilespmem:s0+$0xC860] =	vst v63  }
0x11d: {  	[tilespmem:s0+$0xC870] =	vst v0  }
0x11e: {  	s0 =	smul.u32 $0x640, s1;
	_ =	sdelay $0x1  }
0x11f: {  	s0 =	sshra.s32 s0, $0x2  }
0x120: {  	s9 =	sadd.s32 $0x258, s0  }
0x121: {  	[tilespmem:s18], [sflag:$0x2] =	stream.indirect.gather [hbm4b:s3+s8], $0x40, s9, s8, $0xb8;
	[tilespmem:$0xE800] =	vst v63  }
0x122: {  	s10 =	sadd.s32 $0x280, s0  }
0x123: {  	[tilespmem:s20], [sflag:$0x2] =	stream.indirect.gather [hbm4b:s3+s8], $0x40, s10, s8, $0xb8;
	[tilespmem:$0xE800] =	vst v63  }
0x124: {  	s11 =	sadd.s32 $0x2A8, s0  }
0x125: {  	[tilespmem:s22], [sflag:$0x2] =	stream.indirect.gather [hbm4b:s3+s8], $0x40, s11, s8, $0xb8;
	[tilespmem:$0xE800] =	vst v63  }
.Ltmp5:
0x126: {  	_ = 	snop;
	(pc) =	sbr.rel .LBB2_2-.Ltmp5, $4  }
0x127: {  	s12 =	sadd.s32 $0x2D0, s0  }
0x128: {  	[tilespmem:s24], [sflag:$0x2] =	stream.indirect.gather [hbm4b:s3+s8], $0x40, s12, s8, $0xb8;
	[tilespmem:$0xE800] =	vst v63  }
0x129: {  	s1 =	sadd.s32 $0x1, s1;
	s0 =	sadd.s32 $0x2F8, s0  }
0x12a: {  	[tilespmem:s26], [sflag:$0x2] =	stream.indirect.gather [hbm4b:s3+s8], $0x40, s0, s8, $0xb8;
	[tilespmem:$0xE800] =	vst v63  }
.LBB2_9:
0x12b: {  	_ =	sfence.sel $0x180000  }
0x12c: {  	[bflag:$0x0] =	sbarrier.arrive $0xFFFF  }
0x12d: {  	_ =	strace $0x90000047  }
0x12e: {  	s0 =	stileid.u32;
	[bflag:$0x2] =	sbarrier.arrive $0xFFFF  }
0x12f: {  	p0 =	sne.s32 s0, $0x0;
	s0 =	rddreg [dreg:$0x1]  }
0x130: {  	s0 =	sadd.s32 @!p0 $0x100000, s0  }
0x131: {  	[sflag:s0] =	ssyncadd.tile.s32 @!p0 $0x1;
	_ =	shalt  }
.Lfunc_end2:
_tile_overlayer_lowered:
.L_overlay_start_2:
0x132: {  	(tag) =	ssettag $0x2  }
0x133: {  	s0 =	rddreg [dreg:$0x0];
	s2 =	stileid.u32  }
0x134: {  	s1 =	rddreg [dreg:$0x1];
	p0 =	sne.s32 s2, $0x0  }
0x135: {  	s3 =	rddreg [dreg:$0x2];
	[bflag:$0x3] =	sbarrier.arrive $0xFFFF;
	s2 =	simm.s32 @!p0 $0x1C03  }
0x136: {  	[timem:s3], [sflag:s2] =	dma.local @!p0 [hbm:s0], s1  }
0x137: {  	s0 =	simm.s32 @!p0 $0x3  }
0x138: {  	_ =	swait.ge @!p0 [sflag:s0], s1  }
0x139: {  	s1 =	ssub.s32 @!p0 $0x0, s1;
	[sflag:s0] =	ssyncset.done @!p0 $0x0  }
0x13a: {  	[sflag:s0] =	ssyncadd.s32 @!p0 s1  }
0x13b: {  	[bflag:$0x3] =	sbarrier.arrive $0xFFFF  }
0x13c: {  	_ =	shalt  }

// kernel: kernel.8.cloned.1.call-start
scs
__scs_entry_jumppad:
0x0: {  	(pc) =	sbr.rel $0x88, $3  }
0x1: {  	(tag) =	ssettag $0x0;
	lr =	simm.s32 $0x1  }
0x2: {  	[smem:$0x3F8F] =	sst lr;
	_ =	strace $0xD0000000  }
0x3: {  	_ = 	snop  }
0x4: {  	_ = 	snop  }
0x5: {  	_ = 	snop  }
0x6: {  	_ = 	snop  }
0x7: {  	_ = 	snop  }
__scs_overlays_trampoline_lowered:
0x8: {  	[smem:$0x3F9E] =	sst s0  }
0x9: {  	[smem:$0x3F9F] =	sst s1  }
0xa: {  	[smem:$0x3FA0] =	sst s2  }
0xb: {  	[smem:$0x3FA1] =	sst s3  }
0xc: {  	[smem:$0x3FA2] =	sst s4  }
0xd: {  	[smem:$0x3FA3] =	sst s5  }
0xe: {  	[smem:$0x3FA4] =	sst s6  }
0xf: {  	[smem:$0x3FA5] =	sst s7  }
0x10: {  	[smem:$0x3FA6] =	sst s8  }
0x11: {  	[smem:$0x3FA7] =	sst s9;
	s0 =	simm.s32 @!p0 $0x0  }
0x12: {  	s1 =	sld [smem:$0x3F8D];
	s0 =	simm.s32 @p0 $0x1  }
0x13: {  	[smem:$0x3FA8] =	sst s0;
	s0 =	simm.s32 @!p1 $0x0  }
0x14: {  	s2 =	sld [smem:$0x3F8C];
	s0 =	simm.s32 @p1 $0x1  }
0x15: {  	[smem:$0x3FA9] =	sst s0;
	s0 =	simm.s32 @!p2 $0x0  }
0x16: {  	s3 =	sld [smem:$0x3FDB];
	s0 =	simm.s32 @p2 $0x1  }
0x17: {  	s4 =	simm.s32 $0x1BF5;
	[smem:$0x3FAB] =	sst s0  }
0x18: {  	s0 =	sld [smem:$0x3F8E];
	_ =	swait.ge [sflag:s4], $0x0  }
0x19: {  	s7 =	sld [smem:$0x3F8F]  }
0x1a: {  	s8 =	sadd.s32 $0xFFFFE003, lr  }
0x1b: {  	s9 =	sadd.s32 $0xFFFFFEF7, lr;
	s5 =	simm.s32 $0xFFFFFFFF;
	p2 =	slt.u32 s8, $0xFFFFF086  }
0x1c: {  	p1 =	slt.u32 s9, $0xF7A;
	s5 =	simm.s32 @!p2 $0x0  }
0x1d: {  	s5 =	simm.s32 @p1 $0x1;
	p0 =	seq.s32 s7, s2  }
0x1e: {  	s7 =	smul.u32 @!p0 $0xF7A, s2;
	p2 =	seq.s32 @!p0 s5, $0x0  }
0x1f: {  	s9 =	smul.u32 $0xF7A, s1;
	s8 =	simm.s32 @!p0 $0x1BF5;
	p2 =	por !p2, p0  }
0x20: {  	[sflag:s8] =	ssyncset.s32 @!p0 $0xFFFFF086;
	s6 =	sadd.s32 @!p0 s3, s7;
	s7 =	simm.s32 @!p0 $0x108  }
0x21: {  	s3 =	sadd.s32 s3, s9;
	s6 =	sadd.s32 @!p0 $0x88, s6;
	s7 =	simm.s32 @p2 $0x1082  }
0x22: {  	[simem:s7], [sflag:s8] =	dma.local @!p0 [hbm:s6], $0xF7A  }
0x23: {  	s9 =	sor.u32 $0xD0000000, s2;
	s6 =	simm.s32 $0x108;
	_ =	swait.ge @!p0 [sflag:s8], $0x0  }
0x24: {  	s3 =	sadd.s32 $0x88, s3;
	s6 =	simm.s32 @!p1 $0x1082;
	[sflag:s4] =	ssyncset.s32 $0xFFFFF086  }
0x25: {  	[simem:s6], [sflag:s4] =	dma.local [hbm:s3], $0xF7A  }
0x26: {  	[smem:$0x3F8F] =	sst s1;
	(tag) =	ssettag s2;
	_ =	strace s9  }
0x27: {  	s1 =	sld [smem:$0x3F9F]  }
0x28: {  	s2 =	sld [smem:$0x3FA0]  }
0x29: {  	s4 =	sld [smem:$0x3FA2]  }
0x2a: {  	p0 =	seq.s32 s5, $0x0;
	s5 =	sld [smem:$0x3FA3]  }
0x2b: {  	s6 =	sld [smem:$0x3FA4]  }
0x2c: {  	s7 =	sld [smem:$0x3FA5]  }
0x2d: {  	s3 =	simm.s32 $0x108;
	s8 =	sld [smem:$0x3FA6]  }
0x2e: {  	s3 =	simm.s32 @!p0 $0x1082;
	s9 =	sld [smem:$0x3FA7]  }
0x2f: {  	lr =	sadd.s32 s0, s3;
	s0 =	sld [smem:$0x3F9E]  }
0x30: {  	s3 =	sld [smem:$0x3FA1]  }
0x31: {  	[smem:$0x3FAA] =	sst s10  }
0x32: {  	s10 =	sld [smem:$0x3FA8];
	_ =	sdelay $0x3  }
0x33: {  	p0 =	seq.s32 s10, $0x1;
	s10 =	sld [smem:$0x3FAA];
	_ =	sdelay $0x3  }
0x34: {  	[smem:$0x3FAA] =	sst s10  }
0x35: {  	s10 =	sld [smem:$0x3FA9];
	_ =	sdelay $0x3  }
0x36: {  	p1 =	seq.s32 s10, $0x1;
	s10 =	sld [smem:$0x3FAA];
	_ =	sdelay $0x3  }
0x37: {  	[smem:$0x3FAA] =	sst s10  }
0x38: {  	s10 =	sld [smem:$0x3FAB]  }
0x39: {  	_ = 	snop;
	(pc) =	sbr.ind lr, $3  }
0x3a: {  	_ = 	snop  }
0x3b: {  	_ = 	snop  }
0x3c: {  	p2 =	seq.s32 s10, $0x1;
	s10 =	sld [smem:$0x3FAA]  }
0x3d: {  	_ =	shalt  }
0x3e: {  	_ =	shalt  }
0x3f: {  	_ =	shalt  }
0x40: {  	_ =	shalt  }
0x41: {  	_ =	shalt  }
0x42: {  	_ =	shalt  }
0x43: {  	_ =	shalt  }
0x44: {  	_ =	shalt  }
0x45: {  	_ =	shalt  }
0x46: {  	_ =	shalt  }
0x47: {  	_ =	shalt  }
0x48: {  	_ =	shalt  }
0x49: {  	_ =	shalt  }
0x4a: {  	_ =	shalt  }
0x4b: {  	_ =	shalt  }
0x4c: {  	_ =	shalt  }
0x4d: {  	_ =	shalt  }
0x4e: {  	_ =	shalt  }
0x4f: {  	_ =	shalt  }
0x50: {  	_ =	shalt  }
0x51: {  	_ =	shalt  }
0x52: {  	_ =	shalt  }
0x53: {  	_ =	shalt  }
0x54: {  	_ =	shalt  }
0x55: {  	_ =	shalt  }
0x56: {  	_ =	shalt  }
0x57: {  	_ =	shalt  }
0x58: {  	_ =	shalt  }
0x59: {  	_ =	shalt  }
0x5a: {  	_ =	shalt  }
0x5b: {  	_ =	shalt  }
0x5c: {  	_ =	shalt  }
0x5d: {  	_ =	shalt  }
0x5e: {  	_ =	shalt  }
0x5f: {  	_ =	shalt  }
0x60: {  	_ =	shalt  }
0x61: {  	_ =	shalt  }
0x62: {  	_ =	shalt  }
0x63: {  	_ =	shalt  }
0x64: {  	_ =	shalt  }
0x65: {  	_ =	shalt  }
0x66: {  	_ =	shalt  }
0x67: {  	_ =	shalt  }
0x68: {  	_ =	shalt  }
0x69: {  	_ =	shalt  }
0x6a: {  	_ =	shalt  }
0x6b: {  	_ =	shalt  }
0x6c: {  	_ =	shalt  }
0x6d: {  	_ =	shalt  }
0x6e: {  	_ =	shalt  }
0x6f: {  	_ =	shalt  }
0x70: {  	_ =	shalt  }
0x71: {  	_ =	shalt  }
0x72: {  	_ =	shalt  }
0x73: {  	_ =	shalt  }
0x74: {  	_ =	shalt  }
0x75: {  	_ =	shalt  }
0x76: {  	_ =	shalt  }
0x77: {  	_ =	shalt  }
0x78: {  	_ =	shalt  }
0x79: {  	_ =	shalt  }
0x7a: {  	_ =	shalt  }
0x7b: {  	_ =	shalt  }
0x7c: {  	_ =	shalt  }
0x7d: {  	_ =	shalt  }
0x7e: {  	_ =	shalt  }
0x7f: {  	_ =	shalt  }
0x80: {  	_ =	shalt  }
0x81: {  	_ =	shalt  }
0x82: {  	_ =	shalt  }
0x83: {  	_ =	shalt  }
0x84: {  	_ =	shalt  }
0x85: {  	_ =	shalt  }
0x86: {  	_ =	shalt  }
0x87: {  	_ =	shalt  }
.Lfunc_end0:
.L_simem_size_0:
called_computation.1_lowered:
.L_overlay_start_0:
0x88: {  	s2 =	sld [smem:$0x3FD9]  }
0x89: {  	s3 =	sld [smem:$0x3FFE];
	_ =	sdelay $0x1  }
0x8a: {  	s1 =	srdreg.scid  }
0x8b: {  	s0 =	sand.u32 $0x1, s1  }
0x8c: {  	s17 =	sshll.u32 s0, $0xA;
	s2 =	sadd.s32 s3, s2  }
0x8d: {  	s2 =	sadd.s32 s2, s17  }
0x8e: {  	[smem:$0x3FB6] =	sst s2  }
0x8f: {  	_ = 	snop  }
0x90: {  	(tm) =	ssettm $0x1  }
0x91: {  	s18 =	sld [smem:$0x3FFB];
	_ =	sdelay $0x3  }
0x92: {  	_ =	strace s18  }
0x93: {  	s2 =	sld [smem:$0x3FFC];
	_ =	sdelay $0x3  }
0x94: {  	_ =	strace s2  }
0x95: {  	s2 =	sld [smem:$0x3FFD];
	_ =	sdelay $0x3  }
0x96: {  	_ =	strace s2  }
0x97: {  	_ =	strace $0x8FFFFFFF  }
0x98: {  	s19 =	sld [smem:$0x3FDB];
	_ =	sdelay $0x1  }
0x99: {  	s20 =	simm.s32 $_scs_section_size  }
0x9a: {  	s4 =	simm.s32 $_size__tile_overlayer_lowered;
	s5 =	simm.s32 $_tile_overlayer_lowered  }
0x9b: {  	s6 =	simm.s32 $0x1BFF;
	s21 =	sshll.u32 s5, $0x1;
	s3 =	sadd.s32 s20, s19  }
0x9c: {  	s22 =	simm.s32 $0x0;
	s4 =	sshll.u32 s4, $0x1;
	s5 =	sadd.s32 s21, s3  }
0x9d: {  	[timem:s22], [sflag:s6] =	dma.local [hbm:s5], s4  }
0x9e: {  	_ =	swait.ge [sflag:s6], s4  }
0x9f: {  	s4 =	ssub.s32 $0x0, s4;
	[sflag:s6] =	ssyncset.done $0x0  }
0xa0: {  	[sflag:s6] =	ssyncadd.s32 s4;
	_ =	sdelay $0x1  }
0xa1: {  	s23 =	simm.s32 $0x1B8B  }
0xa2: {  	_ =	swait.ge [sflag:s23], $0x1  }
0xa3: {  	[sflag:s23] =	ssyncset.done $0x0  }
0xa4: {  	[sflag:s23] =	ssyncadd.s32 $0xFFFFFFFF  }
0xa5: {  	s4 =	sld [smem:$0x0]  }
0xa6: {  	s5 =	sand.u32 $0xFFFFFFFE, s1  }
0xa7: {  	p0 =	sne.s32 s1, s5  }
0xa8: {  	s5 =	sshll.u32 @p0 s5, $0xE  }
0xa9: {  	s5 =	sadd.s32 @p0 $0x11B8D, s5;
	s6 =	sshll.u32 @p0 s4, $0x11  }
0xaa: {  	s5 =	sor.u32 @p0 s6, s5  }
0xab: {  	[sflag:s5] =	ssyncadd.remote.s32 @p0 $0x1;
	_ =	sdelay $0x1  }
0xac: {  	s5 =	simm.s32 @p0 $0x1B8D  }
0xad: {  	_ =	swait.eq @p0 [sflag:s5], $0x1  }
0xae: {  	[sflag:s5] =	ssyncadd.s32 @p0 $0xFFFFFFFF  }
0xaf: {  	s6 =	sshll.u32 @!p0 s1, $0xE  }
0xb0: {  	s6 =	sor.u32 @!p0 $0x4000, s6;
	s5 =	simm.s32 @!p0 $0x1B8D  }
0xb1: {  	s4 =	sshll.u32 @!p0 s4, $0x11;
	s6 =	sadd.s32 @!p0 $0x11B8D, s6;
	_ =	swait.eq @!p0 [sflag:s5], $0x1  }
0xb2: {  	s4 =	sor.u32 @!p0 s4, s6;
	[sflag:s5] =	ssyncadd.s32 @!p0 $0xFFFFFFFF  }
0xb3: {  	s25 =	simm.s32 $0x1B8E;
	s24 =	sld [smem:$0x3FFE];
	[sflag:s4] =	ssyncadd.remote.s32 @!p0 $0x1  }
0xb4: {  	s26 =	simm.s32 $execute0_lowered;
	[smem:$0x3FD2] =	sst s25  }
0xb5: {  	s5 =	sshll.u32 s26, $0x1;
	_ =	strace $0x80000049;
	[dreg:$0x1] =	wrdreg $0xFFFFFFFF  }
0xb6: {  	s28 =	simm.s32 $_size_execute0_lowered;
	s3 =	sadd.s32 s3, s5;
	[dreg:$0x0] =	wrdreg $0x0  }
0xb7: {  	s5 =	sshll.u32 s28, $0x1;
	[dreg:$0x2] =	wrdreg s3  }
0xb8: {  	[dreg:$0x3] =	wrdreg s5  }
0xb9: {  	[dreg:$0x4] =	wrdreg $0xC0  }
0xba: {  	_ =	task [dreg:s22], $0x5FFFF  }
0xbb: {  	[dreg:$0x1] =	wrdreg $0xFFFFFFFF  }
0xbc: {  	[dreg:$0x0] =	wrdreg $0x60  }
0xbd: {  	[dreg:$0x2] =	wrdreg s24  }
0xbe: {  	[dreg:$0x3] =	wrdreg $0xA  }
0xbf: {  	_ =	task.clear_ibuf [dreg:s22], $0x4FFFF;
	_ =	strace $0x90000049  }
0xc0: {  	s29 =	simm.s32 $0xA;
	_ =	strace $0x8000004B  }
0xc1: {  	_ =	swait.ge [sflag:s29], $0x1  }
0xc2: {  	[sflag:s29] =	ssyncadd.s32 $0xFFFFFFFF  }
0xc3: {  	_ =	strace $0x9000004B  }
0xc4: {  	_ =	sfence  }
0xc5: {  	s30 =	sld [smem:$0x0];
	_ =	sdelay $0x2  }
0xc6: {  	s31 =	sshll.u32 s1, $0xD;
	s1 =	sshrl.u32 s1, $0x2  }
0xc7: {  	s4 =	sand.u32 $0x4000, s31;
	s1 =	sadd.s32 s1, s30  }
0xc8: {  	s0 =	sor.u32 s4, s0;
	s1 =	sshll.u32 s1, $0x11  }
0xc9: {  	s0 =	sor.u32 s1, s0  }
0xca: {  	s0 =	sadd.s32 $0x8F2B, s0  }
0xcb: {  	[sflag:s0] =	ssyncadd.remote.s32 $0x1  }
0xcc: {  	_ =	sfence.sel $0xFFFF  }
0xcd: {  	[dreg:$0x0] =	wrdreg $0xFFFFFFFF;
	(pc) =	sbr.abs _section_cstart, $3  }
0xce: {  	[dreg:$0x1] =	wrdreg $0xFFFFFFFF  }
0xcf: {  	_ =	task.clear_ibuf [dreg:s22], $0x2FFFF;
	_ =	strace $0x9FFFFFFF  }
0xd0: {  	(tm) =	ssettm $0x7FFFFFFF  }
0xd1: {  	_ =	shalt  }
tec
execute0_lowered:
.L_overlay_start_1:
0x0: {  	(tag) =	ssettag $0x1  }
0x1: {  	s0 =	srdreg.scid  }
0x2: {  	s2 =	stileid.u32;
	s1 =	rddreg [dreg:$0x0]  }
0x3: {  	s7 =	simm.s32 $0x3;
	s8 =	simm.s32 $0x28;
	s13 =	simm.s32 $0x78  }
0x4: {  	s14 =	simm.s32 $0x8200;
	s15 =	simm.s32 $0xA0;
	s16 =	simm.s32 $0x8C00  }
0x5: {  	s17 =	simm.s32 $0xC8;
	s18 =	simm.s32 $0x9600;
	s19 =	simm.s32 $0xF0  }
0x6: {  	s20 =	simm.s32 $0xA000;
	s21 =	simm.s32 $0x118;
	s22 =	simm.s32 $0xAA00  }
0x7: {  	s23 =	simm.s32 $0x140;
	s24 =	simm.s32 $0xB400;
	s25 =	simm.s32 $0x168  }
0x8: {  	s26 =	simm.s32 $0xBE00;
	s28 =	simm.s32 $0x1;
	s29 =	simm.s32 $0x2  }
0x9: {  	s30 =	simm.s32 $0xC800;
	s31 =	simm.s32 $0x0;
	s0 =	sand.u32 $0x1, s0  }
0xa: {  	s3 =	sshll.u32 s2, $0x8;
	s2 =	simm.s32 $0x0;
	s4 =	sshll.u32 s0, $0x7  }
.Ltmp0:
0xb: {  	[smem:$0x7FF] =	sst s2;
	s3 =	sor.u32 s4, s3;
	(pc) =	sbr.rel .LBB2_1-.Ltmp0, $4  }
0xc: {  	s0 =	ssub.s32 $0x2, s0;
	_ =	strace $0x8000004A;
	s4 =	smul.u32 $0x19, s3  }
0xd: {  	s6 =	sshrl.u32 s0, $0x1;
	s5 =	sshll.u32 s3, $0x3;
	s3 =	sadd.s32 $0x1AA200, s1  }
0xe: {  	s0 =	ssub.s32 s0, s6;
	s4 =	sadd.s32 s4, s1;
	s1 =	sadd.s32 s5, s1  }
0xf: {  	s6 =	smax.u32 s0, $0x1;
	s4 =	sadd.s32 $0x23800, s4;
	s5 =	sadd.s32 $0x3C800, s1  }
.LBB2_8:
0x10: {  	s31 =	sadd.s32 $0x1, s31  }
0x11: {  	p0 =	sne.s32 s31, s6  }
.Ltmp1:
0x12: {  	_ = 	snop;
	(pc) =	sbr.rel @!p0 .LBB2_9-.Ltmp1, $4  }
0x13: {  	[hbm4b:s5+s2] =	stream.linear.scatter [tilespmem:s30], [sflag:$0x3], $0x2000, $0x38;
	[tilespmem:$0xE800] =	vst v63  }
0x14: {  	_ =	swait.ge [sflag:s7], $0x2000  }
0x15: {  	[sflag:s7] =	ssyncset.done $0x0  }
0x16: {  	[sflag:s7] =	ssyncadd.s32 $0xFFFFE000  }
.LBB2_1:
0x17: {  	[tilespmem:s2], [sflag:$0x3] =	stream.linear.gather [hbm4b:s4+s2], $0x6400, $0x38;
	[tilespmem:$0xE800] =	vst v63  }
0x18: {  	_ =	swait.ge [sflag:s7], $0x6400  }
0x19: {  	[sflag:s7] =	ssyncset.done $0x0  }
0x1a: {  	s0 =	simm.s32 $0x6400;
	[sflag:s7] =	ssyncadd.s32 $0xFFFF9C00  }
0x1b: {  	[tilespmem:s0], [sflag:$0x1] =	stream.indirect.gather [hbm4b:s3+s8], $0x40, s2, s8, $0xb8;
	[tilespmem:$0xE800] =	vst v63  }
0x1c: {  	s11 =	simm.s32 $0x6E00  }
0x1d: {  	[tilespmem:s11], [sflag:$0x1] =	stream.indirect.gather [hbm4b:s3+s8], $0x40, s8, s8, $0xb8;
	[tilespmem:$0xE800] =	vst v63  }
0x1e: {  	s12 =	simm.s32 $0x50;
	s1 =	simm.s32 $0x7800  }
0x1f: {  	[tilespmem:s1], [sflag:$0x1] =	stream.indirect.gather [hbm4b:s3+s8], $0x40, s12, s8, $0xb8;
	[tilespmem:$0xE800] =	vst v63  }
0x20: {  	_ = 	snop  }
0x21: {  	[tilespmem:s14], [sflag:$0x1] =	stream.indirect.gather [hbm4b:s3+s8], $0x40, s13, s8, $0xb8;
	[tilespmem:$0xE800] =	vst v63  }
0x22: {  	_ = 	snop  }
0x23: {  	[tilespmem:s16], [sflag:$0x1] =	stream.indirect.gather [hbm4b:s3+s8], $0x40, s15, s8, $0xb8;
	[tilespmem:$0xE800] =	vst v63  }
0x24: {  	_ = 	snop  }
0x25: {  	[tilespmem:s18], [sflag:$0x2] =	stream.indirect.gather [hbm4b:s3+s8], $0x40, s17, s8, $0xb8;
	[tilespmem:$0xE800] =	vst v63  }
0x26: {  	_ = 	snop  }
0x27: {  	[tilespmem:s20], [sflag:$0x2] =	stream.indirect.gather [hbm4b:s3+s8], $0x40, s19, s8, $0xb8;
	[tilespmem:$0xE800] =	vst v63  }
0x28: {  	_ = 	snop  }
0x29: {  	[tilespmem:s22], [sflag:$0x2] =	stream.indirect.gather [hbm4b:s3+s8], $0x40, s21, s8, $0xb8;
	[tilespmem:$0xE800] =	vst v63  }
0x2a: {  	_ = 	snop  }
0x2b: {  	[tilespmem:s24], [sflag:$0x2] =	stream.indirect.gather [hbm4b:s3+s8], $0x40, s23, s8, $0xb8;
	[tilespmem:$0xE800] =	vst v63  }
0x2c: {  	s1 =	simm.s32 $0x0  }
0x2d: {  	[tilespmem:s26], [sflag:$0x2] =	stream.indirect.gather [hbm4b:s3+s8], $0x40, s25, s8, $0xb8;
	[tilespmem:$0xE800] =	vst v63  }
.LBB2_2:
0x2e: {  	_ =	swait.ge [sflag:s28], $0x3200  }
0x2f: {  	[sflag:s28] =	ssyncset.done $0x0  }
0x30: {  	s9 =	simm.s32 $0x0;
	[sflag:s28] =	ssyncadd.s32 $0xFFFFCE00  }
0x31: {  	v0 =	vld [tilespmem:s9+$0x6430]  }
0x32: {  	v1 =	vld [tilespmem:s9+$0x6470]  }
0x33: {  	v2 =	vld [tilespmem:s9+$0x64B0]  }
0x34: {  	v3 =	vld [tilespmem:s9+$0x64F0]  }
0x35: {  	v4 =	vld [tilespmem:s9+$0x6530]  }
0x36: {  	v5 =	vld [tilespmem:s9+$0x6570]  }
0x37: {  	v6 =	vld [tilespmem:s9+$0x65B0]  }
0x38: {  	v7 =	vld [tilespmem:s9+$0x65F0]  }
0x39: {  	v8 =	vld [tilespmem:s9+$0x6400]  }
0x3a: {  	v9 =	vld [tilespmem:s9+$0x6410]  }
0x3b: {  	v10 =	vld [tilespmem:s9+$0x6420]  }
0x3c: {  	v11 =	vld [tilespmem:s9+$0x6440]  }
0x3d: {  	v12 =	vld [tilespmem:s9+$0x6450]  }
0x3e: {  	v13 =	vld [tilespmem:s9+$0x6460]  }
0x3f: {  	v14 =	vld [tilespmem:s9+$0x6480]  }
0x40: {  	v15 =	vld [tilespmem:s9+$0x6490]  }
0x41: {  	v16 =	vld [tilespmem:s9+$0x64A0]  }
0x42: {  	v17 =	vld [tilespmem:s9+$0x64C0]  }
0x43: {  	v18 =	vld [tilespmem:s9+$0x64D0]  }
0x44: {  	v19 =	vld [tilespmem:s9+$0x64E0]  }
0x45: {  	v20 =	vld [tilespmem:s9+$0x6500]  }
0x46: {  	v21 =	vld [tilespmem:s9+$0x6510]  }
0x47: {  	v22 =	vld [tilespmem:s9+$0x6520]  }
0x48: {  	v23 =	vld [tilespmem:s9+$0x6540]  }
0x49: {  	v24 =	vld [tilespmem:s9+$0x6560]  }
0x4a: {  	v0 =	vadd.f32 v1, v0;
	v1 =	vadd.f32 v3, v2;
	v2 =	vld [tilespmem:s9+$0x6550]  }
0x4b: {  	v3 =	vadd.f32 v5, v4;
	v4 =	vadd.f32 v7, v6;
	v7 =	vld [tilespmem:s9+$0x6580]  }
0x4c: {  	v5 =	vadd.f32 v12, v9;
	v6 =	vadd.f32 v13, v10;
	v13 =	vld [tilespmem:s9+$0x65D0]  }
0x4d: {  	v9 =	vadd.f32 v17, v14;
	v14 =	vld [tilespmem:s9+$0x65E0];
	v0 =	vadd.f32 v1, v0  }
0x4e: {  	v1 =	vadd.f32 v4, v3;
	v4 =	vadd.f32 v11, v8;
	v8 =	vld [tilespmem:s9+$0x65C0]  }
0x4f: {  	v12 =	vadd.f32 v19, v16;
	v3 =	vld [tilespmem:s9+$0x6590]  }
0x50: {  	s0 =	simm.s32 $0x200;
	v10 =	vadd.f32 v18, v15;
	v16 =	vadd.f32 v24, v22;
	v11 =	vld [tilespmem:s9+$0x65A0]  }
0x51: {  	v15 =	vadd.f32 v9, v4;
	v4 =	vadd.f32 v12, v6;
	v6 =	vld [tilespmem:s0+$0x6430]  }
0x52: {  	v5 =	vadd.f32 v10, v5;
	v10 =	vadd.f32 v23, v20;
	v9 =	vld [tilespmem:s0+$0x64F0]  }
0x53: {  	v0 =	vadd.f32 v1, v0;
	v12 =	vadd.f32 v8, v7;
	v7 =	vld [tilespmem:s0+$0x6470]  }
0x54: {  	v2 =	vadd.f32 v2, v21;
	v8 =	vld [tilespmem:s0+$0x64B0];
	v3 =	vadd.f32 v13, v3  }
0x55: {  	v1 =	vimm.f32 $0.0e+00;
	v17 =	vadd.f32 v14, v11;
	v11 =	vld [tilespmem:s0+$0x6570];
	v12 =	vadd.f32 v12, v10  }
0x56: {  	v0 =	vadd.f32 v0, v1;
	v10 =	vld [tilespmem:s0+$0x6530];
	v14 =	vadd.f32 v3, v2;
	v2 =	vimm.f32 $0.0e+00  }
0x57: {  	s9 =	simm.s32 $0x1000;
	v3 =	vimm.f32 $0.0e+00;
	v13 =	vadd.f32 v12, v15;
	v12 =	vld [tilespmem:s0+$0x65B0];
	v15 =	vadd.f32 v17, v16  }
.LBB2_3:
0x58: {  	p0 =	sne.s32 s9, $0xC000;
	v16 =	vld [tilespmem:s0+$0x65F0];
	v5 =	vadd.f32 v14, v5  }
0x59: {  	v14 =	vld [tilespmem:s0+$0x6400];
	v1 =	vadd.f32 v13, v1;
	v4 =	vadd.f32 v15, v4  }
0x5a: {  	v13 =	vld [tilespmem:s0+$0x6410];
	v2 =	vadd.f32 v5, v2  }
0x5b: {  	v5 =	vld [tilespmem:s0+$0x6420];
	v3 =	vadd.f32 v4, v3  }
0x5c: {  	v6 =	vadd.f32 v7, v6;
	v7 =	vadd.f32 v9, v8;
	v4 =	vld [tilespmem:s0+$0x6440]  }
0x5d: {  	v9 =	vadd.f32 v11, v10;
	v8 =	vld [tilespmem:s0+$0x6450];
	v10 =	vadd.f32 v16, v12  }
0x5e: {  	v11 =	vld [tilespmem:s0+$0x6460]  }
0x5f: {  	v6 =	vadd.f32 v7, v6;
	v12 =	vld [tilespmem:s0+$0x6480];
	v7 =	vadd.f32 v10, v9  }
0x60: {  	v9 =	vld [tilespmem:s0+$0x6490]  }
0x61: {  	v10 =	vld [tilespmem:s0+$0x64A0];
	v4 =	vadd.f32 v4, v14;
	v6 =	vadd.f32 v7, v6  }
0x62: {  	v7 =	vld [tilespmem:s0+$0x64C0];
	v8 =	vadd.f32 v8, v13  }
0x63: {  	v13 =	vld [tilespmem:s0+$0x64D0];
	v11 =	vadd.f32 v11, v5;
	v0 =	vadd.f32 v6, v0  }
0x64: {  	v5 =	vld [tilespmem:s0+$0x64E0]  }
0x65: {  	v6 =	vld [tilespmem:s0+$0x6500]  }
0x66: {  	v14 =	vld [tilespmem:s0+$0x6510]  }
0x67: {  	v15 =	vld [tilespmem:s0+$0x6520];
	v7 =	vadd.f32 v7, v12  }
0x68: {  	v12 =	vld [tilespmem:s0+$0x6540];
	v9 =	vadd.f32 v13, v9  }
0x69: {  	v13 =	vld [tilespmem:s0+$0x6550];
	v16 =	vadd.f32 v7, v4;
	v4 =	vadd.f32 v5, v10  }
0x6a: {  	v7 =	vld [tilespmem:s0+$0x6560];
	v5 =	vadd.f32 v9, v8  }
0x6b: {  	v9 =	vld [tilespmem:s0+$0x6580];
	v4 =	vadd.f32 v4, v11  }
0x6c: {  	v10 =	vld [tilespmem:s0+$0x6590]  }
0x6d: {  	v11 =	vld [tilespmem:s0+$0x65A0];
	v12 =	vadd.f32 v12, v6  }
0x6e: {  	v17 =	vld [tilespmem:s0+$0x65C0];
	v13 =	vadd.f32 v13, v14  }
0x6f: {  	v14 =	vld [tilespmem:s0+$0x65D0];
	v15 =	vadd.f32 v7, v15  }
0x70: {  	v18 =	vld [tilespmem:s0+$0x65E0];
	s0 =	sshra.s32 s9, $0x2  }
0x71: {  	v6 =	vld [tilespmem:s0+$0x6430]  }
0x72: {  	v7 =	vld [tilespmem:s0+$0x6470]  }
.Ltmp2:
0x73: {  	v8 =	vld [tilespmem:s0+$0x64B0];
	v17 =	vadd.f32 v17, v9;
	(pc) =	sbr.rel @p0 .LBB2_3-.Ltmp2, $4  }
0x74: {  	v9 =	vld [tilespmem:s0+$0x64F0];
	v14 =	vadd.f32 v14, v10  }
0x75: {  	v10 =	vld [tilespmem:s0+$0x6530];
	v17 =	vadd.f32 v17, v12;
	v18 =	vadd.f32 v18, v11  }
0x76: {  	v11 =	vld [tilespmem:s0+$0x6570];
	v14 =	vadd.f32 v14, v13  }
0x77: {  	s9 =	sadd.s32 $0x800, s9;
	v12 =	vld [tilespmem:s0+$0x65B0];
	v13 =	vadd.f32 v17, v16;
	v15 =	vadd.f32 v18, v15  }
0x78: {  	v16 =	vld [tilespmem:s0+$0x65F0]  }
0x79: {  	v17 =	vld [tilespmem:s0+$0x6400]  }
0x7a: {  	v18 =	vld [tilespmem:s0+$0x6410]  }
0x7b: {  	v19 =	vld [tilespmem:s0+$0x6420]  }
0x7c: {  	v20 =	vld [tilespmem:s0+$0x6440]  }
0x7d: {  	v21 =	vld [tilespmem:s0+$0x6450]  }
0x7e: {  	v22 =	vld [tilespmem:s0+$0x6460]  }
0x7f: {  	v23 =	vld [tilespmem:s0+$0x6480]  }
0x80: {  	v24 =	vld [tilespmem:s0+$0x6490]  }
0x81: {  	v25 =	vld [tilespmem:s0+$0x64A0]  }
0x82: {  	v26 =	vld [tilespmem:s0+$0x64C0]  }
0x83: {  	v27 =	vld [tilespmem:s0+$0x64D0]  }
0x84: {  	v28 =	vld [tilespmem:s0+$0x64E0]  }
0x85: {  	v29 =	vld [tilespmem:s0+$0x6500]  }
0x86: {  	v30 =	vld [tilespmem:s0+$0x6510]  }
0x87: {  	v31 =	vld [tilespmem:s0+$0x6520]  }
0x88: {  	v32 =	vld [tilespmem:s0+$0x6540];
	v5 =	vadd.f32 v14, v5  }
0x89: {  	v14 =	vld [tilespmem:s0+$0x6550];
	v4 =	vadd.f32 v15, v4  }
0x8a: {  	v55 =	vld [tilespmem:s0+$0x65E0];
	v1 =	vadd.f32 v13, v1;
	v2 =	vadd.f32 v5, v2  }
0x8b: {  	v13 =	vld [tilespmem:s0+$0x6560];
	v5 =	vadd.f32 v7, v6;
	v6 =	vadd.f32 v9, v8  }
0x8c: {  	v7 =	vld [tilespmem:s0+$0x6590];
	v3 =	vadd.f32 v4, v3  }
0x8d: {  	v4 =	vld [tilespmem:s0+$0x6580];
	v8 =	vadd.f32 v11, v10;
	v5 =	vadd.f32 v6, v5  }
0x8e: {  	v10 =	vld [tilespmem:s0+$0x65A0];
	v9 =	vadd.f32 v16, v12;
	v6 =	vadd.f32 v20, v17  }
0x8f: {  	v11 =	vld [tilespmem:s0+$0x65C0];
	v12 =	vadd.f32 v21, v18;
	v15 =	vadd.f32 v26, v23  }
0x90: {  	v16 =	vld [tilespmem:s0+$0x65D0];
	v17 =	vadd.f32 v22, v19;
	v54 =	vadd.f32 v27, v24  }
0x91: {  	v56 =	vadd.f32 v32, v29;
	v14 =	vadd.f32 v14, v30  }
0x92: {  	v6 =	vadd.f32 v15, v6;
	v15 =	vadd.f32 v28, v25  }
0x93: {  	v12 =	vadd.f32 v54, v12;
	v8 =	vadd.f32 v9, v8  }
0x94: {  	v4 =	vadd.f32 v11, v4;
	v11 =	vadd.f32 v13, v31  }
0x95: {  	v10 =	vadd.f32 v55, v10;
	v7 =	vadd.f32 v16, v7  }
0x96: {  	v13 =	vadd.f32 v15, v17;
	v4 =	vadd.f32 v4, v56  }
0x97: {  	v5 =	vadd.f32 v8, v5;
	v7 =	vadd.f32 v7, v14  }
0x98: {  	v4 =	vadd.f32 v4, v6;
	v6 =	vadd.f32 v10, v11  }
0x99: {  	v0 =	vadd.f32 v5, v0;
	v7 =	vadd.f32 v7, v12  }
0x9a: {  	v1 =	vadd.f32 v4, v1;
	v4 =	vadd.f32 v6, v13  }
0x9b: {  	s11 =	sshll.u32 s1, $0x7;
	v0 =	vmul.f32 $4.999999890e-03, v0;
	v2 =	vadd.f32 v7, v2  }
0x9c: {  	p0 =	seq.s32 s1, $0x3F;
	s0 =	sand.u32 $0x3FFFFF80, s11;
	v3 =	vadd.f32 v4, v3;
	v1 =	vmul.f32 $4.999999890e-03, v1  }
0x9d: {  	s9 =	smul.u32 @!p0 $0x640, s1;
	[tilespmem:s0+$0xC830] =	vst v0;
	v2 =	vmul.f32 $4.999999890e-03, v2  }
0x9e: {  	[tilespmem:s0+$0xC800] =	vst v1;
	v1 =	vmul.f32 $4.999999890e-03, v3  }
0x9f: {  	s9 =	sshra.s32 @!p0 s9, $0x2;
	[tilespmem:s0+$0xC810] =	vst v2  }
0xa0: {  	s12 =	simm.s32 @!p0 $0x6400;
	s10 =	sadd.s32 @!p0 $0x190, s9;
	s11 =	simm.s32 @!p0 $0x28;
	[tilespmem:s0+$0xC820] =	vst v1  }
0xa1: {  	[tilespmem:s12], [sflag:$0x1] =	stream.indirect.gather @!p0 [hbm4b:s3+s11], $0x40, s10, s11, $0xb8;
	[tilespmem:$0xE800] =	vst v63  }
0xa2: {  	s10 =	sadd.s32 @!p0 $0x1B8, s9;
	s12 =	simm.s32 @!p0 $0x6E00  }
0xa3: {  	[tilespmem:s12], [sflag:$0x1] =	stream.indirect.gather @!p0 [hbm4b:s3+s11], $0x40, s10, s11, $0xb8;
	[tilespmem:$0xE800] =	vst v63  }
0xa4: {  	s10 =	sadd.s32 @!p0 $0x1E0, s9;
	s12 =	simm.s32 @!p0 $0x7800  }
0xa5: {  	[tilespmem:s12], [sflag:$0x1] =	stream.indirect.gather @!p0 [hbm4b:s3+s11], $0x40, s10, s11, $0xb8;
	[tilespmem:$0xE800] =	vst v63  }
0xa6: {  	s10 =	sadd.s32 @!p0 $0x208, s9;
	s12 =	simm.s32 @!p0 $0x8200  }
0xa7: {  	[tilespmem:s12], [sflag:$0x1] =	stream.indirect.gather @!p0 [hbm4b:s3+s11], $0x40, s10, s11, $0xb8;
	[tilespmem:$0xE800] =	vst v63  }
0xa8: {  	s9 =	sadd.s32 @!p0 $0x230, s9;
	s10 =	simm.s32 @!p0 $0x8C00  }
0xa9: {  	[tilespmem:s10], [sflag:$0x1] =	stream.indirect.gather @!p0 [hbm4b:s3+s11], $0x40, s9, s11, $0xb8;
	[tilespmem:$0xE800] =	vst v63  }
0xaa: {  	_ =	swait.ge [sflag:s29], $0x3200  }
0xab: {  	[sflag:s29] =	ssyncset.done $0x0  }
0xac: {  	s12 =	simm.s32 $0x0;
	[sflag:s29] =	ssyncadd.s32 $0xFFFFCE00  }
0xad: {  	v0 =	vld [tilespmem:s12+$0x9630]  }
0xae: {  	v1 =	vld [tilespmem:s12+$0x9670]  }
0xaf: {  	v2 =	vld [tilespmem:s12+$0x96B0]  }
0xb0: {  	v3 =	vld [tilespmem:s12+$0x96F0]  }
0xb1: {  	v4 =	vld [tilespmem:s12+$0x9730]  }
0xb2: {  	v5 =	vld [tilespmem:s12+$0x9770]  }
0xb3: {  	v6 =	vld [tilespmem:s12+$0x97B0]  }
0xb4: {  	v7 =	vld [tilespmem:s12+$0x97F0]  }
0xb5: {  	v8 =	vld [tilespmem:s12+$0x9600]  }
0xb6: {  	v9 =	vld [tilespmem:s12+$0x9610]  }
0xb7: {  	v10 =	vld [tilespmem:s12+$0x9620]  }
0xb8: {  	v11 =	vld [tilespmem:s12+$0x9640]  }
0xb9: {  	v12 =	vld [tilespmem:s12+$0x9650]  }
0xba: {  	v13 =	vld [tilespmem:s12+$0x9660]  }
0xbb: {  	v14 =	vld [tilespmem:s12+$0x9680]  }
0xbc: {  	v15 =	vld [tilespmem:s12+$0x9690]  }
0xbd: {  	v16 =	vld [tilespmem:s12+$0x96A0]  }
0xbe: {  	v17 =	vld [tilespmem:s12+$0x96C0]  }
0xbf: {  	v57 =	vld [tilespmem:s12+$0x96D0]  }
0xc0: {  	v58 =	vld [tilespmem:s12+$0x96E0]  }
0xc1: {  	v59 =	vld [tilespmem:s12+$0x9700]  }
0xc2: {  	v60 =	vld [tilespmem:s12+$0x9710]  }
0xc3: {  	v61 =	vld [tilespmem:s12+$0x9720]  }
0xc4: {  	v62 =	vld [tilespmem:s12+$0x9740]  }
0xc5: {  	v63 =	vld [tilespmem:s12+$0x9760]  }
0xc6: {  	v0 =	vadd.f32 v1, v0;
	v1 =	vadd.f32 v3, v2;
	v2 =	vld [tilespmem:s12+$0x9750]  }
0xc7: {  	v3 =	vadd.f32 v5, v4;
	v4 =	vadd.f32 v7, v6;
	v7 =	vld [tilespmem:s12+$0x9780]  }
0xc8: {  	v5 =	vadd.f32 v12, v9;
	v6 =	vadd.f32 v13, v10;
	v13 =	vld [tilespmem:s12+$0x97D0]  }
0xc9: {  	v9 =	vadd.f32 v17, v14;
	v14 =	vld [tilespmem:s12+$0x97E0];
	v0 =	vadd.f32 v1, v0  }
0xca: {  	v1 =	vadd.f32 v4, v3;
	v4 =	vadd.f32 v11, v8;
	v8 =	vld [tilespmem:s12+$0x97C0]  }
0xcb: {  	v12 =	vadd.f32 v58, v16;
	v3 =	vld [tilespmem:s12+$0x9790]  }
0xcc: {  	s9 =	simm.s32 $0x200;
	v10 =	vadd.f32 v57, v15;
	v16 =	vadd.f32 v63, v61;
	v11 =	vld [tilespmem:s12+$0x97A0]  }
0xcd: {  	v15 =	vadd.f32 v9, v4;
	v4 =	vadd.f32 v12, v6;
	v6 =	vld [tilespmem:s9+$0x9630]  }
0xce: {  	v5 =	vadd.f32 v10, v5;
	v10 =	vadd.f32 v62, v59;
	v9 =	vld [tilespmem:s9+$0x96F0]  }
0xcf: {  	v0 =	vadd.f32 v1, v0;
	v12 =	vadd.f32 v8, v7;
	v7 =	vld [tilespmem:s9+$0x9670]  }
0xd0: {  	v2 =	vadd.f32 v2, v60;
	v8 =	vld [tilespmem:s9+$0x96B0];
	v3 =	vadd.f32 v13, v3  }
0xd1: {  	v1 =	vimm.f32 $0.0e+00;
	v17 =	vadd.f32 v14, v11;
	v11 =	vld [tilespmem:s9+$0x9770];
	v12 =	vadd.f32 v12, v10  }
0xd2: {  	v0 =	vadd.f32 v0, v1;
	v10 =	vld [tilespmem:s9+$0x9730];
	v14 =	vadd.f32 v3, v2;
	v2 =	vimm.f32 $0.0e+00  }
0xd3: {  	s10 =	simm.s32 $0x1000;
	v3 =	vimm.f32 $0.0e+00;
	v13 =	vadd.f32 v12, v15;
	v12 =	vld [tilespmem:s9+$0x97B0];
	v15 =	vadd.f32 v17, v16  }
.LBB2_5:
0xd4: {  	p1 =	sne.s32 s10, $0xC000;
	v16 =	vld [tilespmem:s9+$0x97F0];
	v5 =	vadd.f32 v14, v5  }
0xd5: {  	v14 =	vld [tilespmem:s9+$0x9600];
	v1 =	vadd.f32 v13, v1;
	v4 =	vadd.f32 v15, v4  }
0xd6: {  	v13 =	vld [tilespmem:s9+$0x9610];
	v2 =	vadd.f32 v5, v2  }
0xd7: {  	v5 =	vld [tilespmem:s9+$0x9620];
	v3 =	vadd.f32 v4, v3  }
0xd8: {  	v6 =	vadd.f32 v7, v6;
	v7 =	vadd.f32 v9, v8;
	v4 =	vld [tilespmem:s9+$0x9640]  }
0xd9: {  	v9 =	vadd.f32 v11, v10;
	v8 =	vld [tilespmem:s9+$0x9650];
	v10 =	vadd.f32 v16, v12  }
0xda: {  	v11 =	vld [tilespmem:s9+$0x9660]  }
0xdb: {  	v6 =	vadd.f32 v7, v6;
	v12 =	vld [tilespmem:s9+$0x9680];
	v7 =	vadd.f32 v10, v9  }
0xdc: {  	v9 =	vld [tilespmem:s9+$0x9690]  }
0xdd: {  	v10 =	vld [tilespmem:s9+$0x96A0];
	v4 =	vadd.f32 v4, v14;
	v6 =	vadd.f32 v7, v6  }
0xde: {  	v7 =	vld [tilespmem:s9+$0x96C0];
	v8 =	vadd.f32 v8, v13  }
0xdf: {  	v13 =	vld [tilespmem:s9+$0x96D0];
	v11 =	vadd.f32 v11, v5;
	v0 =	vadd.f32 v6, v0  }
0xe0: {  	v5 =	vld [tilespmem:s9+$0x96E0]  }
0xe1: {  	v6 =	vld [tilespmem:s9+$0x9700]  }
0xe2: {  	v14 =	vld [tilespmem:s9+$0x9710]  }
0xe3: {  	v15 =	vld [tilespmem:s9+$0x9720];
	v7 =	vadd.f32 v7, v12  }
0xe4: {  	v12 =	vld [tilespmem:s9+$0x9740];
	v9 =	vadd.f32 v13, v9  }
0xe5: {  	v13 =	vld [tilespmem:s9+$0x9750];
	v16 =	vadd.f32 v7, v4;
	v4 =	vadd.f32 v5, v10  }
0xe6: {  	v7 =	vld [tilespmem:s9+$0x9760];
	v5 =	vadd.f32 v9, v8  }
0xe7: {  	v9 =	vld [tilespmem:s9+$0x9780];
	v4 =	vadd.f32 v4, v11  }
0xe8: {  	v10 =	vld [tilespmem:s9+$0x9790]  }
0xe9: {  	v11 =	vld [tilespmem:s9+$0x97A0];
	v12 =	vadd.f32 v12, v6  }
0xea: {  	v17 =	vld [tilespmem:s9+$0x97C0];
	v13 =	vadd.f32 v13, v14  }
0xeb: {  	v14 =	vld [tilespmem:s9+$0x97D0];
	v15 =	vadd.f32 v7, v15  }
0xec: {  	v18 =	vld [tilespmem:s9+$0x97E0];
	s9 =	sshra.s32 s10, $0x2  }
0xed: {  	v6 =	vld [tilespmem:s9+$0x9630]  }
0xee: {  	v7 =	vld [tilespmem:s9+$0x9670]  }
.Ltmp3:
0xef: {  	v8 =	vld [tilespmem:s9+$0x96B0];
	v17 =	vadd.f32 v17, v9;
	(pc) =	sbr.rel @p1 .LBB2_5-.Ltmp3, $4  }
0xf0: {  	v9 =	vld [tilespmem:s9+$0x96F0];
	v14 =	vadd.f32 v14, v10  }
0xf1: {  	v10 =	vld [tilespmem:s9+$0x9730];
	v17 =	vadd.f32 v17, v12;
	v18 =	vadd.f32 v18, v11  }
0xf2: {  	v11 =	vld [tilespmem:s9+$0x9770];
	v14 =	vadd.f32 v14, v13  }
0xf3: {  	s10 =	sadd.s32 $0x800, s10;
	v12 =	vld [tilespmem:s9+$0x97B0];
	v13 =	vadd.f32 v17, v16;
	v15 =	vadd.f32 v18, v15  }
0xf4: {  	v16 =	vld [tilespmem:s9+$0x97F0]  }
0xf5: {  	v17 =	vld [tilespmem:s9+$0x9600]  }
0xf6: {  	v18 =	vld [tilespmem:s9+$0x9610]  }
0xf7: {  	v19 =	vld [tilespmem:s9+$0x9620]  }
0xf8: {  	v20 =	vld [tilespmem:s9+$0x9640]  }
0xf9: {  	v21 =	vld [tilespmem:s9+$0x9650]  }
0xfa: {  	v22 =	vld [tilespmem:s9+$0x9660]  }
0xfb: {  	v23 =	vld [tilespmem:s9+$0x9680]  }
0xfc: {  	v24 =	vld [tilespmem:s9+$0x9690]  }
0xfd: {  	v25 =	vld [tilespmem:s9+$0x96A0]  }
0xfe: {  	v26 =	vld [tilespmem:s9+$0x96C0]  }
0xff: {  	v27 =	vld [tilespmem:s9+$0x96D0]  }
0x100: {  	v28 =	vld [tilespmem:s9+$0x96E0]  }
0x101: {  	v29 =	vld [tilespmem:s9+$0x9700]  }
0x102: {  	v30 =	vld [tilespmem:s9+$0x9710]  }
0x103: {  	v31 =	vld [tilespmem:s9+$0x9720]  }
0x104: {  	v32 =	vld [tilespmem:s9+$0x9740]  }
0x105: {  	v40 =	vld [tilespmem:s9+$0x9750]  }
0x106: {  	v5 =	vadd.f32 v14, v5;
	v41 =	vld [tilespmem:s9+$0x9760]  }
0x107: {  	v42 =	vld [tilespmem:s9+$0x9780];
	v43 =	vadd.f32 v7, v6;
	v4 =	vadd.f32 v15, v4  }
0x108: {  	v45 =	vld [tilespmem:s9+$0x9790];
	v1 =	vadd.f32 v13, v1;
	v44 =	vadd.f32 v9, v8  }
0x109: {  	v48 =	vld [tilespmem:s9+$0x97A0];
	v2 =	vadd.f32 v5, v2;
	v3 =	vadd.f32 v4, v3  }
0x10a: {  	v50 =	vld [tilespmem:s9+$0x97C0];
	v46 =	vadd.f32 v11, v10;
	v5 =	vadd.f32 v44, v43  }
0x10b: {  	v53 =	vld [tilespmem:s9+$0x97D0];
	v47 =	vadd.f32 v16, v12;
	v49 =	vadd.f32 v20, v17  }
0x10c: {  	v56 =	vld [tilespmem:s9+$0x97E0];
	v51 =	vadd.f32 v21, v18;
	v52 =	vadd.f32 v26, v23  }
0x10d: {  	v54 =	vadd.f32 v22, v19;
	v55 =	vadd.f32 v27, v24  }
0x10e: {  	v57 =	vadd.f32 v28, v25;
	v58 =	vadd.f32 v32, v29  }
0x10f: {  	v14 =	vadd.f32 v40, v30;
	v4 =	vadd.f32 v50, v42  }
0x110: {  	v59 =	vadd.f32 v41, v31;
	v7 =	vadd.f32 v53, v45  }
0x111: {  	v10 =	vadd.f32 v56, v48;
	v6 =	vadd.f32 v52, v49  }
0x112: {  	v12 =	vadd.f32 v55, v51;
	v4 =	vadd.f32 v4, v58  }
0x113: {  	v60 =	vadd.f32 v57, v54;
	v7 =	vadd.f32 v7, v14  }
0x114: {  	v61 =	vadd.f32 v10, v59;
	v4 =	vadd.f32 v4, v6  }
0x115: {  	v8 =	vadd.f32 v47, v46;
	v7 =	vadd.f32 v7, v12  }
0x116: {  	v62 =	vadd.f32 v61, v60;
	v1 =	vadd.f32 v4, v1  }
0x117: {  	v5 =	vadd.f32 v8, v5;
	v2 =	vadd.f32 v7, v2  }
0x118: {  	v3 =	vadd.f32 v62, v3;
	v1 =	vmul.f32 $4.999999890e-03, v1  }
.Ltmp4:
0x119: {  	v0 =	vadd.f32 v5, v0;
	v2 =	vmul.f32 $4.999999890e-03, v2;
	(pc) =	sbr.rel @p0 .LBB2_8-.Ltmp4, $4  }
0x11a: {  	v63 =	vmul.f32 $4.999999890e-03, v3;
	[tilespmem:s0+$0xC840] =	vst v1  }
0x11b: {  	v0 =	vmul.f32 $4.999999890e-03, v0;
	[tilespmem:s0+$0xC850] =	vst v2  }
0x11c: {  	[tilespmem:s0+$0xC860] =	vst v63  }
0x11d: {  	[tilespmem:s0+$0xC870] =	vst v0  }
0x11e: {  	s0 =	smul.u32 $0x640, s1;
	_ =	sdelay $0x1  }
0x11f: {  	s0 =	sshra.s32 s0, $0x2  }
0x120: {  	s9 =	sadd.s32 $0x258, s0  }
0x121: {  	[tilespmem:s18], [sflag:$0x2] =	stream.indirect.gather [hbm4b:s3+s8], $0x40, s9, s8, $0xb8;
	[tilespmem:$0xE800] =	vst v63  }
0x122: {  	s10 =	sadd.s32 $0x280, s0  }
0x123: {  	[tilespmem:s20], [sflag:$0x2] =	stream.indirect.gather [hbm4b:s3+s8], $0x40, s10, s8, $0xb8;
	[tilespmem:$0xE800] =	vst v63  }
0x124: {  	s11 =	sadd.s32 $0x2A8, s0  }
0x125: {  	[tilespmem:s22], [sflag:$0x2] =	stream.indirect.gather [hbm4b:s3+s8], $0x40, s11, s8, $0xb8;
	[tilespmem:$0xE800] =	vst v63  }
.Ltmp5:
0x126: {  	_ = 	snop;
	(pc) =	sbr.rel .LBB2_2-.Ltmp5, $4  }
0x127: {  	s12 =	sadd.s32 $0x2D0, s0  }
0x128: {  	[tilespmem:s24], [sflag:$0x2] =	stream.indirect.gather [hbm4b:s3+s8], $0x40, s12, s8, $0xb8;
	[tilespmem:$0xE800] =	vst v63  }
0x129: {  	s1 =	sadd.s32 $0x1, s1;
	s0 =	sadd.s32 $0x2F8, s0  }
0x12a: {  	[tilespmem:s26], [sflag:$0x2] =	stream.indirect.gather [hbm4b:s3+s8], $0x40, s0, s8, $0xb8;
	[tilespmem:$0xE800] =	vst v63  }
.LBB2_9:
0x12b: {  	_ =	sfence.sel $0x180000  }
0x12c: {  	[bflag:$0x0] =	sbarrier.arrive $0xFFFF  }
0x12d: {  	_ =	strace $0x9000004A  }
0x12e: {  	s0 =	stileid.u32;
	[bflag:$0x2] =	sbarrier.arrive $0xFFFF  }
0x12f: {  	p0 =	sne.s32 s0, $0x0;
	s0 =	rddreg [dreg:$0x1]  }
0x130: {  	s0 =	sadd.s32 @!p0 $0x100000, s0  }
0x131: {  	[sflag:s0] =	ssyncadd.tile.s32 @!p0 $0x1;
	_ =	shalt  }
.Lfunc_end2:
_tile_overlayer_lowered:
.L_overlay_start_2:
0x132: {  	(tag) =	ssettag $0x2  }
0x133: {  	s0 =	rddreg [dreg:$0x0];
	s2 =	stileid.u32  }
0x134: {  	s1 =	rddreg [dreg:$0x1];
	p0 =	sne.s32 s2, $0x0  }
0x135: {  	s3 =	rddreg [dreg:$0x2];
	[bflag:$0x3] =	sbarrier.arrive $0xFFFF;
	s2 =	simm.s32 @!p0 $0x1C03  }
0x136: {  	[timem:s3], [sflag:s2] =	dma.local @!p0 [hbm:s0], s1  }
0x137: {  	s0 =	simm.s32 @!p0 $0x3  }
0x138: {  	_ =	swait.ge @!p0 [sflag:s0], s1  }
0x139: {  	s1 =	ssub.s32 @!p0 $0x0, s1;
	[sflag:s0] =	ssyncset.done @!p0 $0x0  }
0x13a: {  	[sflag:s0] =	ssyncadd.s32 @!p0 s1  }
0x13b: {  	[bflag:$0x3] =	sbarrier.arrive $0xFFFF  }
0x13c: {  	_ =	shalt  }

</sc_bundles>
